<compile_context>
chip_gen: v7x
topology: tpu7x:2x2x1
jax: 0.10.2.dev20260603
libtpu: 0.0.44.dev20260713+nightly
codegen_flags: <defaults>
</compile_context>

<pallas_src>
import functools

import jax
import jax.numpy as jnp
from jax import lax
from jax.experimental import pallas as pl
from jax.experimental.pallas import tpu as pltpu
from jax.experimental.pallas import tpu_sc as plsc

N = 10000
E = 320000
C = 128
CQ = 32
EPS = 1e-5

BE = 4000
GE = E // BE

NC = 2
NS = 16
NW = NC * NS
EW = E // NW
CH = 80
NCH = EW // CH
NT = N // NS
NT0 = 624
NTT = N - NS * NT0

F32 = jnp.float32
BF16 = jnp.bfloat16


def _elu(x):
    return jnp.where(x > 0, x, jnp.exp(x) - 1.0)


def _k1_body(ef_ref, w_ref, b_ref, z_ref, st_ref):
    i = pl.program_id(0)
    z = jnp.dot(ef_ref[...], w_ref[...], preferred_element_type=F32) + b_ref[...]
    z_ref[...] = z.astype(BF16)

    @pl.when(i == 0)
    def _():
        st_ref[...] = jnp.zeros_like(st_ref)

    s = jnp.sum(z, axis=0, keepdims=True)
    sq = jnp.sum(z * z, axis=0, keepdims=True)
    st_ref[...] += jnp.concatenate([s, sq], axis=0)


def _k1(ef, w, b):
    return pl.pallas_call(
        _k1_body,
        grid=(GE,),
        in_specs=[
            pl.BlockSpec((BE, C), lambda i: (i, 0)),
            pl.BlockSpec((C, CQ), lambda i: (0, 0)),
            pl.BlockSpec((1, CQ), lambda i: (0, 0)),
        ],
        out_specs=[
            pl.BlockSpec((BE, CQ), lambda i: (i, 0)),
            pl.BlockSpec((2, CQ), lambda i: (0, 0)),
        ],
        out_shape=[
            jax.ShapeDtypeStruct((E, CQ), BF16),
            jax.ShapeDtypeStruct((2, CQ), F32),
        ],
    )(ef, w, b)


def _k2_body(nf_ref, wdn_ref, bdn_ref, g_ref, bb_ref,
             w1a_ref, w1b_ref, w2a_ref, be1_ref, be2_ref,
             hn_ref, ac_ref, b2_ref):
    nf = nf_ref[...]
    z = jnp.dot(nf, wdn_ref[...], preferred_element_type=F32) + bdn_ref[...]
    m = jnp.mean(z, axis=0, keepdims=True)
    v = jnp.mean(z * z, axis=0, keepdims=True) - m * m
    sc = g_ref[...] * lax.rsqrt(v + EPS)
    t = bb_ref[...] - m * sc
    hn = _elu(z * sc + t)
    hn_ref[...] = hn
    a = jnp.dot(hn, w1a_ref[...], preferred_element_type=F32) + be1_ref[...]
    cc = jnp.dot(hn, w2a_ref[...], preferred_element_type=F32) + be2_ref[...]
    def pack2(x, y):
        xi = lax.bitcast_convert_type(x, jnp.int32) + 0x8000
        yi = lax.bitcast_convert_type(y, jnp.int32) + 0x8000
        hi = jnp.bitwise_and(xi, jnp.int32(-65536))
        lo = jnp.bitwise_and(jnp.right_shift(yi, 16), jnp.int32(0xFFFF))
        return jnp.bitwise_or(hi, lo)

    ac_ref[...] = pack2(a, cc)
    b2_ref[...] = jnp.dot(hn, w1b_ref[...], preferred_element_type=F32)


def _k2(nf, wdn, bdn, g, bb, w1a, w1b, w2a, be1, be2):
    return pl.pallas_call(
        _k2_body,
        out_shape=[
            jax.ShapeDtypeStruct((N, CQ), F32),
            jax.ShapeDtypeStruct((N, CQ), jnp.int32),
            jax.ShapeDtypeStruct((N, CQ), F32),
        ],
    )(nf, wdn, bdn, g, bb, w1a, w1b, w2a, be1, be2)


NSL = 3


def _k3_body(ac_hbm, b_hbm, src_hbm, dst_hbm,
             gac_out, gb_out,
             tabac_sh, tabb_sh,
             idxs, idxd, bufac, bufb, isem, gsem, osem):
    c = lax.axis_index("c")
    s = lax.axis_index("s")
    wid = s * NC + c
    base = wid * EW

    @pl.when(s == 0)
    def _():
        pltpu.sync_copy(ac_hbm, tabac_sh)

    @pl.when(s == 1)
    def _():
        pltpu.sync_copy(b_hbm, tabb_sh)

    plsc.subcore_barrier()

    def islc(j):
        return pl.ds((j % NSL) * CH, CH)

    def ifire(j):
        sl = j % NSL
        pltpu.async_copy(src_hbm.at[pl.ds(base + j * CH, CH)],
                         idxs.at[islc(j)], isem.at[sl])
        pltpu.async_copy(dst_hbm.at[pl.ds(base + j * CH, CH)],
                         idxd.at[islc(j)], isem.at[sl])

    def iwait(j):
        sl = j % NSL
        pltpu.make_async_copy(src_hbm.at[pl.ds(base + j * CH, CH)],
                              idxs.at[islc(j)], isem.at[sl]).wait()
        pltpu.make_async_copy(dst_hbm.at[pl.ds(base + j * CH, CH)],
                              idxd.at[islc(j)], isem.at[sl]).wait()

    def gfire(j):
        sl = j % NSL
        pltpu.async_copy(tabac_sh.at[idxs.at[islc(j)]], bufac.at[islc(j)],
                         gsem.at[sl])
        pltpu.async_copy(tabb_sh.at[idxd.at[islc(j)]], bufb.at[islc(j)],
                         gsem.at[sl])

    def gwait(j):
        sl = j % NSL
        pltpu.make_async_copy(tabac_sh.at[idxs.at[islc(j)]],
                              bufac.at[islc(j)], gsem.at[sl]).wait()
        pltpu.make_async_copy(tabb_sh.at[idxd.at[islc(j)]],
                              bufb.at[islc(j)], gsem.at[sl]).wait()

    def ofire(j):
        sl = j % NSL
        off = pl.ds(base + j * CH, CH)
        pltpu.async_copy(bufac.at[islc(j)], gac_out.at[off], osem.at[sl])
        pltpu.async_copy(bufb.at[islc(j)], gb_out.at[off], osem.at[sl])

    def owait(j):
        sl = j % NSL
        off = pl.ds(base + j * CH, CH)
        pltpu.make_async_copy(bufac.at[islc(j)], gac_out.at[off],
                              osem.at[sl]).wait()
        pltpu.make_async_copy(bufb.at[islc(j)], gb_out.at[off],
                              osem.at[sl]).wait()

    ifire(0)
    ifire(1)
    iwait(0)
    gfire(0)

    def step(i, carry):
        j2 = i + 2
        j1 = i + 1

        @pl.when(j2 < NCH)
        def _():
            ifire(j2)

        @pl.when(j1 < NCH)
        def _():
            iwait(j1)

            @pl.when(j1 >= NSL)
            def _():
                owait(j1 - NSL)

            gfire(j1)

        gwait(i)
        ofire(i)
        return carry

    lax.fori_loop(0, NCH, step, 0)
    for t in range(NSL):
        owait(NCH - NSL + t)


def _k3(ac, b, src, dst):
    mesh = plsc.VectorSubcoreMesh(core_axis_name="c", subcore_axis_name="s")
    k = pl.kernel(
        _k3_body,
        out_type=[
            jax.ShapeDtypeStruct((E, CQ), jnp.int32),
            jax.ShapeDtypeStruct((E, CQ), F32),
        ],
        mesh=mesh,
        scratch_types=[
            pltpu.VMEM_SHARED((N, CQ), jnp.int32),
            pltpu.VMEM_SHARED((N, CQ), F32),
            pltpu.VMEM((NSL * CH,), jnp.int32),
            pltpu.VMEM((NSL * CH,), jnp.int32),
            pltpu.VMEM((NSL * CH, CQ), jnp.int32),
            pltpu.VMEM((NSL * CH, CQ), F32),
            pltpu.SemaphoreType.DMA((NSL,)),
            pltpu.SemaphoreType.DMA((NSL,)),
            pltpu.SemaphoreType.DMA((NSL,)),
        ],
    )
    return k(ac, b, src, dst)


def _k4_body(z_ref, gac_ref, gb_ref, ste_ref, g_ref, bb_ref, w1c_ref,
             y1_ref, st_ref):
    i = pl.program_id(0)
    m = ste_ref[0:1, :] * (1.0 / E)
    v = ste_ref[1:2, :] * (1.0 / E) - m * m
    sc = g_ref[...] * lax.rsqrt(v + EPS)
    t = bb_ref[...] - m * sc
    he = _elu(z_ref[...].astype(F32) * sc + t)
    ga = lax.bitcast_convert_type(
        jnp.bitwise_and(gac_ref[...], jnp.int32(-65536)), F32)
    y1 = jnp.dot(he, w1c_ref[...], preferred_element_type=F32) \
        + ga + gb_ref[...]
    y1_ref[...] = y1.astype(BF16)

    @pl.when(i == 0)
    def _():
        st_ref[...] = jnp.zeros_like(st_ref)

    s = jnp.sum(y1, axis=0, keepdims=True)
    sq = jnp.sum(y1 * y1, axis=0, keepdims=True)
    st_ref[...] += jnp.concatenate([s, sq], axis=0)


def _k4(z, gac, gb, ste, g, bb, w1c):
    return pl.pallas_call(
        _k4_body,
        grid=(GE,),
        in_specs=[
            pl.BlockSpec((BE, CQ), lambda i: (i, 0)),
            pl.BlockSpec((BE, CQ), lambda i: (i, 0)),
            pl.BlockSpec((BE, CQ), lambda i: (i, 0)),
            pl.BlockSpec((2, CQ), lambda i: (0, 0)),
            pl.BlockSpec((1, CQ), lambda i: (0, 0)),
            pl.BlockSpec((1, CQ), lambda i: (0, 0)),
            pl.BlockSpec((CQ, CQ), lambda i: (0, 0)),
        ],
        out_specs=[
            pl.BlockSpec((BE, CQ), lambda i: (i, 0)),
            pl.BlockSpec((2, CQ), lambda i: (0, 0)),
        ],
        out_shape=[
            jax.ShapeDtypeStruct((E, CQ), BF16),
            jax.ShapeDtypeStruct((2, CQ), F32),
        ],
    )(z, gac, gb, ste, g, bb, w1c)


def _k5_body(y1_ref, gac_ref, st1_ref, g1_ref, bb1_ref, w2b_ref,
             g2_ref, bb2_ref,
             ex_ref, y2_ref, gram_ref, sx_ref, st2_ref, acc_ref):
    i = pl.program_id(0)
    m = st1_ref[0:1, :] * (1.0 / E)
    v = st1_ref[1:2, :] * (1.0 / E) - m * m
    sc = g1_ref[...] * lax.rsqrt(v + EPS)
    t = bb1_ref[...] - m * sc
    ex = _elu(y1_ref[...].astype(F32) * sc + t)
    ex_ref[...] = ex.astype(BF16)
    gc = lax.bitcast_convert_type(
        jnp.left_shift(gac_ref[...], 16), F32)
    y2 = jnp.dot(ex, w2b_ref[...], preferred_element_type=F32) + gc
    y2_ref[...] = y2

    @pl.when(i == 0)
    def _():
        gram_ref[...] = jnp.zeros_like(gram_ref)
        sx_ref[...] = jnp.zeros_like(sx_ref)
        acc_ref[...] = jnp.zeros_like(acc_ref)

    gram_ref[...] += lax.dot_general(
        ex, ex, (((0,), (0,)), ((), ())), preferred_element_type=F32)
    sx_ref[...] += jnp.sum(ex, axis=0, keepdims=True)
    s = jnp.sum(y2, axis=0, keepdims=True)
    sq = jnp.sum(y2 * y2, axis=0, keepdims=True)
    acc_ref[...] += jnp.concatenate([s, sq], axis=0)

    @pl.when(i == GE - 1)
    def _():
        m2 = acc_ref[0:1, :] * (1.0 / E)
        v2 = acc_ref[1:2, :] * (1.0 / E) - m2 * m2
        sc2 = g2_ref[...] * lax.rsqrt(v2 + EPS)
        t2 = bb2_ref[...] - m2 * sc2
        st2_ref[...] = jnp.concatenate([sc2, t2], axis=0)


def _k5(y1, gac, st1, g1, bb1, w2b, g2, bb2):
    return pl.pallas_call(
        _k5_body,
        grid=(GE,),
        in_specs=[
            pl.BlockSpec((BE, CQ), lambda i: (i, 0)),
            pl.BlockSpec((BE, CQ), lambda i: (i, 0)),
            pl.BlockSpec((2, CQ), lambda i: (0, 0)),
            pl.BlockSpec((1, CQ), lambda i: (0, 0)),
            pl.BlockSpec((1, CQ), lambda i: (0, 0)),
            pl.BlockSpec((CQ, CQ), lambda i: (0, 0)),
            pl.BlockSpec((1, CQ), lambda i: (0, 0)),
            pl.BlockSpec((1, CQ), lambda i: (0, 0)),
        ],
        out_specs=[
            pl.BlockSpec((BE, CQ), lambda i: (i, 0)),
            pl.BlockSpec((BE, CQ), lambda i: (i, 0)),
            pl.BlockSpec((CQ, CQ), lambda i: (0, 0)),
            pl.BlockSpec((1, CQ), lambda i: (0, 0)),
            pl.BlockSpec((2, CQ), lambda i: (0, 0)),
        ],
        out_shape=[
            jax.ShapeDtypeStruct((E, CQ), BF16),
            jax.ShapeDtypeStruct((E, CQ), F32),
            jax.ShapeDtypeStruct((CQ, CQ), F32),
            jax.ShapeDtypeStruct((1, CQ), F32),
            jax.ShapeDtypeStruct((2, CQ), F32),
        ],
        scratch_shapes=[pltpu.VMEM((2, CQ), F32)],
    )(y1, gac, st1, g1, bb1, w2b, g2, bb2)


NBY = 4
KP6 = 2


def _k6_body(y2_hbm, dst3_hbm, st_hbm, ones_hbm, zacc_hbm, zcnt_hbm,
             seg_out, cnt_out,
             acc_sh, cnt_sh, dstbuf, ybuf, ones_v, st_v, ysem, msem):
    c = lax.axis_index("c")
    s = lax.axis_index("s")
    wid = s * NC + c
    tid = s
    lo = tid * NT0
    pltpu.sync_copy(zacc_hbm.at[pl.ds(0, NT0)], acc_sh.at[pl.ds(lo, NT0)])
    pltpu.sync_copy(zcnt_hbm.at[pl.ds(0, NT0)], cnt_sh.at[pl.ds(lo, NT0)])

    @pl.when(tid == NS - 1)
    def _():
        pltpu.sync_copy(zacc_hbm.at[pl.ds(0, NTT)],
                        acc_sh.at[pl.ds(NS * NT0, NTT)])
        pltpu.sync_copy(zcnt_hbm.at[pl.ds(0, NTT)],
                        cnt_sh.at[pl.ds(NS * NT0, NTT)])

    pltpu.sync_copy(ones_hbm, ones_v)
    pltpu.sync_copy(st_hbm, st_v)
    pltpu.sync_copy(dst3_hbm.at[wid], dstbuf)
    plsc.subcore_barrier()
    sc0 = st_v[0]
    sc1 = st_v[1]
    t0 = st_v[2]
    t1 = st_v[3]
    base = wid * EW

    def yslc(j):
        return pl.ds((j % NBY) * CH, CH)

    def yfire(j):
        pltpu.async_copy(y2_hbm.at[pl.ds(base + j * CH, CH)],
                         ybuf.at[yslc(j)], ysem.at[j % NBY])

    def ywait(j):
        pltpu.make_async_copy(y2_hbm.at[pl.ds(base + j * CH, CH)],
                              ybuf.at[yslc(j)], ysem.at[j % NBY]).wait()

    def mfire(j):
        sl = j % NBY
        pltpu.async_copy(ybuf.at[yslc(j)], acc_sh.at[dstbuf.at[j]],
                         msem.at[sl], add=True)
        pltpu.async_copy(ones_v, cnt_sh.at[dstbuf.at[j]],
                         msem.at[sl], add=True)

    def mwait(j):
        sl = j % NBY
        pltpu.make_async_copy(ybuf.at[yslc(j)], acc_sh.at[dstbuf.at[j]],
                              msem.at[sl]).wait()
        pltpu.make_async_copy(ones_v, cnt_sh.at[dstbuf.at[j]],
                              msem.at[sl]).wait()

    for j in range(KP6):
        yfire(j)

    def step(i, carry):
        j = i + KP6

        @pl.when(j < NCH)
        def _():
            @pl.when(j >= NBY)
            def _():
                mwait(j - NBY)

            yfire(j)

        ywait(i)
        yb = (i % NBY) * CH

        def row(q8, carry2):
            r0 = yb + q8 * 8
            for d in range(8):
                xa = ybuf[r0 + d, pl.ds(0, 16)] * sc0 + t0
                xb = ybuf[r0 + d, pl.ds(16, 16)] * sc1 + t1
                ybuf[r0 + d, pl.ds(0, 16)] = jnp.where(
                    xa > 0, xa, jnp.exp(xa) - 1.0)
                ybuf[r0 + d, pl.ds(16, 16)] = jnp.where(
                    xb > 0, xb, jnp.exp(xb) - 1.0)
            return carry2

        lax.fori_loop(0, CH // 8, row, 0)
        mfire(i)
        return carry

    lax.fori_loop(0, NCH, step, 0)
    for t in range(NBY):
        mwait(NCH - NBY + t)
    plsc.subcore_barrier()
    pltpu.sync_copy(acc_sh.at[pl.ds(lo, NT0)],
                    seg_out.at[c, pl.ds(lo, NT0)])
    pltpu.sync_copy(cnt_sh.at[pl.ds(lo, NT0)],
                    cnt_out.at[c, pl.ds(lo, NT0)])

    @pl.when(tid == NS - 1)
    def _():
        pltpu.sync_copy(acc_sh.at[pl.ds(NS * NT0, NTT)],
                        seg_out.at[c, pl.ds(NS * NT0, NTT)])
        pltpu.sync_copy(cnt_sh.at[pl.ds(NS * NT0, NTT)],
                        cnt_out.at[c, pl.ds(NS * NT0, NTT)])


def _k6(y2, dst3, st2):
    mesh = plsc.VectorSubcoreMesh(core_axis_name="c", subcore_axis_name="s")
    k = pl.kernel(
        _k6_body,
        out_type=[
            jax.ShapeDtypeStruct((NC, N, CQ), F32),
            jax.ShapeDtypeStruct((NC, N, 8), F32),
        ],
        mesh=mesh,
        scratch_types=[
            pltpu.VMEM_SHARED((N, CQ), F32),
            pltpu.VMEM_SHARED((N, 8), F32),
            pltpu.VMEM((NCH, CH), jnp.int32),
            pltpu.VMEM((NBY * CH, CQ), F32),
            pltpu.VMEM((CH, 8), F32),
            pltpu.VMEM((4, 16), F32),
            pltpu.SemaphoreType.DMA((NBY,)),
            pltpu.SemaphoreType.DMA((NBY,)),
        ],
    )
    st4 = st2.reshape(4, 16)
    ones = jnp.ones((CH, 8), F32)
    zacc = jnp.zeros((NT, CQ), F32)
    zcnt = jnp.zeros((NT, 8), F32)
    return k(y2, dst3, st4, ones, zacc, zcnt)


def _k7_body(nf_ref, hn_ref, seg_ref, cnt_ref,
             wna_ref, wnb_ref, bnm_ref, gnm_ref, bbnm_ref,
             wup_ref, bup_ref, g2_ref, bb2_ref,
             out_ref):
    seg = seg_ref[0] + seg_ref[1]
    cnt = cnt_ref[0] + cnt_ref[1]
    h_mean = seg / jnp.maximum(cnt[:, 0:1], 1.0)
    hn = hn_ref[...]
    y3 = jnp.dot(hn, wna_ref[...], preferred_element_type=F32) \
        + jnp.dot(h_mean, wnb_ref[...], preferred_element_type=F32) \
        + bnm_ref[...]
    m = jnp.mean(y3, axis=0, keepdims=True)
    v = jnp.mean(y3 * y3, axis=0, keepdims=True) - m * m
    sc = gnm_ref[...] * lax.rsqrt(v + EPS)
    t = bbnm_ref[...] - m * sc
    ho = _elu(y3 * sc + t)
    y4 = jnp.dot(ho, wup_ref[...], preferred_element_type=F32) + bup_ref[...]
    m2 = jnp.mean(y4, axis=0, keepdims=True)
    v2 = jnp.mean(y4 * y4, axis=0, keepdims=True) - m2 * m2
    sc2 = g2_ref[...] * lax.rsqrt(v2 + EPS)
    t2 = bb2_ref[...] - m2 * sc2
    out_ref[...] = _elu(y4 * sc2 + t2 + nf_ref[...])


def _k7(nf, hn, seg, cnt, wna, wnb, bnm, gnm, bbnm, wup, bup, g2, bb2):
    return pl.pallas_call(
        _k7_body,
        out_shape=jax.ShapeDtypeStruct((N, C), F32),
    )(nf, hn, seg, cnt, wna, wnb, bnm, gnm, bbnm, wup, bup, g2, bb2)


def _k8_body(ex_ref, ef_ref, gram_ref, sx_ref, w_ref, b_ref,
             g2_ref, bb2_ref, out_ref):
    w = w_ref[...]
    b = b_ref[...]
    sw = jnp.dot(sx_ref[...], w, preferred_element_type=F32)
    squ = jnp.sum(jnp.dot(gram_ref[...], w, preferred_element_type=F32) * w,
                  axis=0, keepdims=True) + 2.0 * b * sw + E * b * b
    mu = sw * (1.0 / E) + b
    vu = squ * (1.0 / E) - mu * mu
    scu = g2_ref[...] * lax.rsqrt(vu + EPS)
    tu = bb2_ref[...] + (b - mu) * scu
    u = jnp.dot(ex_ref[...].astype(F32), w, preferred_element_type=F32)
    out_ref[...] = _elu(u * scu + tu + ef_ref[...])


def _k8(ex, ef, gram, sx, w, b, g2, bb2):
    return pl.pallas_call(
        _k8_body,
        grid=(GE,),
        in_specs=[
            pl.BlockSpec((BE, CQ), lambda i: (i, 0)),
            pl.BlockSpec((BE, C), lambda i: (i, 0)),
            pl.BlockSpec((CQ, CQ), lambda i: (0, 0)),
            pl.BlockSpec((1, CQ), lambda i: (0, 0)),
            pl.BlockSpec((CQ, C), lambda i: (0, 0)),
            pl.BlockSpec((1, C), lambda i: (0, 0)),
            pl.BlockSpec((1, C), lambda i: (0, 0)),
            pl.BlockSpec((1, C), lambda i: (0, 0)),
        ],
        out_specs=pl.BlockSpec((BE, C), lambda i: (i, 0)),
        out_shape=jax.ShapeDtypeStruct((E, C), F32),
    )(ex, ef, gram, sx, w, b, g2, bb2)


def kernel(node_feats, edge_feats, edge_index, params):
    p = params
    src = edge_index[0]
    dst = edge_index[1]
    dst3 = dst.reshape(NW, NCH, CH)

    def r2(x):
        return x.reshape(1, -1)

    w1a, w1b, w1c = p["W_e1"][:CQ], p["W_e1"][CQ:2 * CQ], p["W_e1"][2 * CQ:]
    w2a, w2b = p["W_e2"][:CQ], p["W_e2"][CQ:]
    wna, wnb = p["W_nm"][:CQ], p["W_nm"][CQ:]

    z_e, st_e = _k1(edge_feats, p["W_down_e"], r2(p["b_down_e"]))
    hn, ac, b2 = _k2(node_feats, p["W_down_n"], r2(p["b_down_n"]),
                     r2(p["g1n"]), r2(p["bb1n"]),
                     w1a, w1b, w2a, r2(p["b_e1"]), r2(p["b_e2"]))
    gac, gb = _k3(ac, b2, src, dst)
    y1, st1 = _k4(z_e, gac, gb, st_e, r2(p["g1e"]), r2(p["bb1e"]), w1c)
    ex, y2, gram, sx, st2 = _k5(y1, gac, st1, r2(p["g_e1"]), r2(p["bb_e1"]),
                                w2b, r2(p["g_e2"]), r2(p["bb_e2"]))
    seg, cnt = _k6(y2, dst3, st2)
    node_out = _k7(node_feats, hn, seg, cnt, wna, wnb, r2(p["b_nm"]),
                   r2(p["g_nm"]), r2(p["bb_nm"]),
                   p["W_up_n"], r2(p["b_up_n"]), r2(p["g2n"]), r2(p["bb2n"]))
    edge_out = _k8(ex, edge_feats, gram, sx, p["W_up_e"], r2(p["b_up_e"]),
                   r2(p["g2e"]), r2(p["bb2e"]))
    return node_out, edge_out

# --- scband reference (transcript-rebuilt; emitter-appended) ---
"""Pipeline reference for scband-res-block-26474178412912 (READ-ONLY COPY).

The authoritative reference and input builder live on the scoring server;
editing this copy changes nothing except your own understanding.
"""

import jax, jax.numpy as jnp
import numpy as np

N = 10000
E = 320000
C = 128
CQ = C // 4


def setup_inputs(seed: int = 0) -> dict:
    key = jax.random.key(seed)
    ks = jax.random.split(key, 24)
    node_feats = jax.random.normal(ks[0], (N, C), dtype=jnp.float32)
    edge_feats = jax.random.normal(ks[1], (E, C), dtype=jnp.float32)
    edge_index = jax.random.randint(ks[2], (2, E), 0, N, dtype=jnp.int32)
    s = 0.05
    params = {
        'W_down_n': jax.random.normal(ks[3], (C, CQ), dtype=jnp.float32) * s,
        'b_down_n': jnp.zeros((CQ,), jnp.float32),
        'W_down_e': jax.random.normal(ks[4], (C, CQ), dtype=jnp.float32) * s,
        'b_down_e': jnp.zeros((CQ,), jnp.float32),
        'g1n': jnp.ones((CQ,), jnp.float32), 'bb1n': jnp.zeros((CQ,), jnp.float32),
        'g1e': jnp.ones((CQ,), jnp.float32), 'bb1e': jnp.zeros((CQ,), jnp.float32),
        'W_e1': jax.random.normal(ks[5], (3 * CQ, CQ), dtype=jnp.float32) * s,
        'b_e1': jnp.zeros((CQ,), jnp.float32),
        'g_e1': jnp.ones((CQ,), jnp.float32), 'bb_e1': jnp.zeros((CQ,), jnp.float32),
        'W_e2': jax.random.normal(ks[6], (2 * CQ, CQ), dtype=jnp.float32) * s,
        'b_e2': jnp.zeros((CQ,), jnp.float32),
        'g_e2': jnp.ones((CQ,), jnp.float32), 'bb_e2': jnp.zeros((CQ,), jnp.float32),
        'W_nm': jax.random.normal(ks[7], (2 * CQ, CQ), dtype=jnp.float32) * s,
        'b_nm': jnp.zeros((CQ,), jnp.float32),
        'g_nm': jnp.ones((CQ,), jnp.float32), 'bb_nm': jnp.zeros((CQ,), jnp.float32),
        'W_up_n': jax.random.normal(ks[8], (CQ, C), dtype=jnp.float32) * s,
        'b_up_n': jnp.zeros((C,), jnp.float32),
        'g2n': jnp.zeros((C,), jnp.float32), 'bb2n': jnp.zeros((C,), jnp.float32),
        'W_up_e': jax.random.normal(ks[9], (CQ, C), dtype=jnp.float32) * s,
        'b_up_e': jnp.zeros((C,), jnp.float32),
        'g2e': jnp.zeros((C,), jnp.float32), 'bb2e': jnp.zeros((C,), jnp.float32),
    }
    return {'node_feats': node_feats, 'edge_feats': edge_feats, 'edge_index': edge_index, 'params': params}


def _bn(x, g, b):
    m = jnp.mean(x, axis=0, keepdims=True)
    v = jnp.var(x, axis=0, keepdims=True)
    return (x - m) / jnp.sqrt(v + 1e-5) * g + b


def reference(node_feats, edge_feats, edge_index, params):
    elu = jax.nn.elu
    p = params
    # projectDown + BN + ELU
    hn = elu(_bn(node_feats @ p['W_down_n'] + p['b_down_n'], p['g1n'], p['bb1n']))
    he = elu(_bn(edge_feats @ p['W_down_e'] + p['b_down_e'], p['g1e'], p['bb1e']))
    src = edge_index[0]
    dst = edge_index[1]
    hs = hn[src]
    hd = hn[dst]
    # ENConv: edge_mlp_1 -> ex
    ex = elu(_bn(jnp.concatenate([hs, hd, he], axis=1) @ p['W_e1'] + p['b_e1'], p['g_e1'], p['bb_e1']))
    # edge_mlp_2 -> messages m, mean-aggregated to dst nodes
    m = elu(_bn(jnp.concatenate([hs, ex], axis=1) @ p['W_e2'] + p['b_e2'], p['g_e2'], p['bb_e2']))
    seg = jax.ops.segment_sum(m, dst, num_segments=N)
    cnt = jax.ops.segment_sum(jnp.ones((E, 1), jnp.float32), dst, num_segments=N)
    h_mean = seg / jnp.maximum(cnt, 1.0)
    # node_mlp
    ho = elu(_bn(jnp.concatenate([hn, h_mean], axis=1) @ p['W_nm'] + p['b_nm'], p['g_nm'], p['bb_nm']))
    # projectUp + BN (dropout = identity in eval) + residual + ELU
    un = _bn(ho @ p['W_up_n'] + p['b_up_n'], p['g2n'], p['bb2n'])
    node_out = elu(un + node_feats)
    ue = _bn(ex @ p['W_up_e'] + p['b_up_e'], p['g2e'], p['bb2e'])
    edge_out = elu(ue + edge_feats)
    return (node_out, edge_out)

if __name__ == "__main__":
    import jax
    _d = setup_inputs()
    print(jax.jit(kernel)(*tuple(_d.values())))

</pallas_src>

<mosaic_0001>
#map = affine_map<(d0, d1) -> (0, 0)>
#map1 = affine_map<(d0, d1) -> (0, 0, 0)>
module attributes {stable_mosaic.version = 14 : i64} {
  func.func @_k6_body(%arg0: i32, %arg1: i32, %arg2: memref<320000x32xf32, #tpu.memory_space<hbm>>, %arg3: memref<32x125x80xi32, #tpu.memory_space<hbm>>, %arg4: memref<4x16xf32, #tpu.memory_space<hbm>>, %arg5: memref<80x8xf32, #tpu.memory_space<hbm>>, %arg6: memref<625x32xf32, #tpu.memory_space<hbm>>, %arg7: memref<625x8xf32, #tpu.memory_space<hbm>>, %arg8: memref<2x10000x32xf32, #tpu.memory_space<hbm>>, %arg9: memref<2x10000x8xf32, #tpu.memory_space<hbm>>, %arg10: memref<10000x32xf32, #tpu.memory_space<vmem_shared>>, %arg11: memref<10000x8xf32, #tpu.memory_space<vmem_shared>>, %arg12: memref<125x80xi32, #tpu.memory_space<vmem>>, %arg13: memref<320x32xf32, #tpu.memory_space<vmem>>, %arg14: memref<80x8xf32, #tpu.memory_space<vmem>>, %arg15: memref<4x16xf32, #tpu.memory_space<vmem>>, %arg16: memref<4x!tpu.dma_semaphore, #tpu.memory_space<semaphore_mem>>, %arg17: memref<4x!tpu.dma_semaphore, #tpu.memory_space<semaphore_mem>>) attributes {dimension_semantics = [#tpu.dimension_semantics<core_parallel>, #tpu.dimension_semantics<subcore_parallel>], iteration_bounds = array<i64: 2, 16>, scalar_prefetch = 0 : i64, scratch_operands = 8 : i64, tpu.core_type = #tpu.core_type<sc_vector_subcore>, window_params = [{transform_indices = #map}, {transform_indices = #map1}, {transform_indices = #map}, {transform_indices = #map}, {transform_indices = #map}, {transform_indices = #map}, {transform_indices = #map1}, {transform_indices = #map1}]} {
    %mul3A = arith.constant 2 : i32
    %mul3A_0 = arith.muli %arg1, %mul3A : i32
    %add3A = arith.addi %mul3A_0, %arg0 : i32
    %mul3A_1 = arith.constant 624 : i32
    %mul3A_2 = arith.muli %arg1, %mul3A_1 : i32
    "tpu.region"() ({
      %run_scoped3A = tpu.sem_alloc : memref<!tpu.dma_semaphore, #tpu.memory_space<semaphore_mem>>
      %dma_start3A_157 = arith.constant 0 : i32
      %dma_start3A_158 = tpu.memref_slice %arg10[%mul3A_2, %dma_start3A_157] : memref<10000x32xf32, #tpu.memory_space<vmem_shared>> -> memref<624x32xf32, #tpu.memory_space<vmem_shared>>
      %dma_start3A_159 = arith.constant 0 : i32
      %dma_start3A_160 = arith.constant 0 : i32
      %dma_start3A_161 = tpu.memref_slice %arg6[%dma_start3A_159, %dma_start3A_160] : memref<625x32xf32, #tpu.memory_space<hbm>> -> memref<624x32xf32, #tpu.memory_space<hbm>>
      tpu.enqueue_dma source(%dma_start3A_161 : memref<624x32xf32, #tpu.memory_space<hbm>>) target(%dma_start3A_158 : memref<624x32xf32, #tpu.memory_space<vmem_shared>>) target_semaphore(%run_scoped3A : memref<!tpu.dma_semaphore, #tpu.memory_space<semaphore_mem>>)
      %dma_wait3A_162 = arith.constant 0 : i32
      %dma_wait3A_163 = tpu.memref_slice %arg10[%mul3A_2, %dma_wait3A_162] : memref<10000x32xf32, #tpu.memory_space<vmem_shared>> -> memref<624x32xf32, #tpu.memory_space<vmem_shared>>
      %dma_wait3A_164 = arith.constant 0 : i32
      %dma_wait3A_165 = arith.constant 0 : i32
      %dma_wait3A_166 = tpu.memref_slice %arg6[%dma_wait3A_164, %dma_wait3A_165] : memref<625x32xf32, #tpu.memory_space<hbm>> -> memref<624x32xf32, #tpu.memory_space<hbm>>
      tpu.wait_dma2 semaphore(%run_scoped3A : memref<!tpu.dma_semaphore, #tpu.memory_space<semaphore_mem>>) src(%dma_wait3A_166 : memref<624x32xf32, #tpu.memory_space<hbm>>) dst(%dma_wait3A_163 : memref<624x32xf32, #tpu.memory_space<vmem_shared>>)
      tpu.yield
    }) : () -> ()
    "tpu.region"() ({
      %run_scoped3A = tpu.sem_alloc : memref<!tpu.dma_semaphore, #tpu.memory_space<semaphore_mem>>
      %dma_start3A_157 = arith.constant 0 : i32
      %dma_start3A_158 = tpu.memref_slice %arg11[%mul3A_2, %dma_start3A_157] : memref<10000x8xf32, #tpu.memory_space<vmem_shared>> -> memref<624x8xf32, #tpu.memory_space<vmem_shared>>
      %dma_start3A_159 = arith.constant 0 : i32
      %dma_start3A_160 = arith.constant 0 : i32
      %dma_start3A_161 = tpu.memref_slice %arg7[%dma_start3A_159, %dma_start3A_160] : memref<625x8xf32, #tpu.memory_space<hbm>> -> memref<624x8xf32, #tpu.memory_space<hbm>>
      tpu.enqueue_dma source(%dma_start3A_161 : memref<624x8xf32, #tpu.memory_space<hbm>>) target(%dma_start3A_158 : memref<624x8xf32, #tpu.memory_space<vmem_shared>>) target_semaphore(%run_scoped3A : memref<!tpu.dma_semaphore, #tpu.memory_space<semaphore_mem>>)
      %dma_wait3A_162 = arith.constant 0 : i32
      %dma_wait3A_163 = tpu.memref_slice %arg11[%mul3A_2, %dma_wait3A_162] : memref<10000x8xf32, #tpu.memory_space<vmem_shared>> -> memref<624x8xf32, #tpu.memory_space<vmem_shared>>
      %dma_wait3A_164 = arith.constant 0 : i32
      %dma_wait3A_165 = arith.constant 0 : i32
      %dma_wait3A_166 = tpu.memref_slice %arg7[%dma_wait3A_164, %dma_wait3A_165] : memref<625x8xf32, #tpu.memory_space<hbm>> -> memref<624x8xf32, #tpu.memory_space<hbm>>
      tpu.wait_dma2 semaphore(%run_scoped3A : memref<!tpu.dma_semaphore, #tpu.memory_space<semaphore_mem>>) src(%dma_wait3A_166 : memref<624x8xf32, #tpu.memory_space<hbm>>) dst(%dma_wait3A_163 : memref<624x8xf32, #tpu.memory_space<vmem_shared>>)
      tpu.yield
    }) : () -> ()
    %eq3A = arith.constant 15 : i32
    %eq3A_3 = arith.cmpi eq, %arg1, %eq3A : i32
    %convert_element_type3A = arith.extui %eq3A_3 : i1 to i32
    %cond3A = arith.constant 0 : i32
    %cond3A_4 = arith.cmpi ne, %convert_element_type3A, %cond3A : i32
    scf.if %cond3A_4 {
      "tpu.region"() ({
        %run_scoped3A = tpu.sem_alloc : memref<!tpu.dma_semaphore, #tpu.memory_space<semaphore_mem>>
        %dma_start3A_157 = arith.constant 9984 : i32
        %dma_start3A_158 = arith.constant 0 : i32
        %dma_start3A_159 = tpu.memref_slice %arg10[%dma_start3A_157, %dma_start3A_158] : memref<10000x32xf32, #tpu.memory_space<vmem_shared>> -> memref<16x32xf32, #tpu.memory_space<vmem_shared>>
        %dma_start3A_160 = arith.constant 0 : i32
        %dma_start3A_161 = arith.constant 0 : i32
        %dma_start3A_162 = tpu.memref_slice %arg6[%dma_start3A_160, %dma_start3A_161] : memref<625x32xf32, #tpu.memory_space<hbm>> -> memref<16x32xf32, #tpu.memory_space<hbm>>
        tpu.enqueue_dma source(%dma_start3A_162 : memref<16x32xf32, #tpu.memory_space<hbm>>) target(%dma_start3A_159 : memref<16x32xf32, #tpu.memory_space<vmem_shared>>) target_semaphore(%run_scoped3A : memref<!tpu.dma_semaphore, #tpu.memory_space<semaphore_mem>>)
        %dma_wait3A_163 = arith.constant 9984 : i32
        %dma_wait3A_164 = arith.constant 0 : i32
        %dma_wait3A_165 = tpu.memref_slice %arg10[%dma_wait3A_163, %dma_wait3A_164] : memref<10000x32xf32, #tpu.memory_space<vmem_shared>> -> memref<16x32xf32, #tpu.memory_space<vmem_shared>>
        %dma_wait3A_166 = arith.constant 0 : i32
        %dma_wait3A_167 = arith.constant 0 : i32
        %dma_wait3A_168 = tpu.memref_slice %arg6[%dma_wait3A_166, %dma_wait3A_167] : memref<625x32xf32, #tpu.memory_space<hbm>> -> memref<16x32xf32, #tpu.memory_space<hbm>>
        tpu.wait_dma2 semaphore(%run_scoped3A : memref<!tpu.dma_semaphore, #tpu.memory_space<semaphore_mem>>) src(%dma_wait3A_168 : memref<16x32xf32, #tpu.memory_space<hbm>>) dst(%dma_wait3A_165 : memref<16x32xf32, #tpu.memory_space<vmem_shared>>)
        tpu.yield
      }) : () -> ()
      "tpu.region"() ({
        %run_scoped3A = tpu.sem_alloc : memref<!tpu.dma_semaphore, #tpu.memory_space<semaphore_mem>>
        %dma_start3A_157 = arith.constant 9984 : i32
        %dma_start3A_158 = arith.constant 0 : i32
        %dma_start3A_159 = tpu.memref_slice %arg11[%dma_start3A_157, %dma_start3A_158] : memref<10000x8xf32, #tpu.memory_space<vmem_shared>> -> memref<16x8xf32, #tpu.memory_space<vmem_shared>>
        %dma_start3A_160 = arith.constant 0 : i32
        %dma_start3A_161 = arith.constant 0 : i32
        %dma_start3A_162 = tpu.memref_slice %arg7[%dma_start3A_160, %dma_start3A_161] : memref<625x8xf32, #tpu.memory_space<hbm>> -> memref<16x8xf32, #tpu.memory_space<hbm>>
        tpu.enqueue_dma source(%dma_start3A_162 : memref<16x8xf32, #tpu.memory_space<hbm>>) target(%dma_start3A_159 : memref<16x8xf32, #tpu.memory_space<vmem_shared>>) target_semaphore(%run_scoped3A : memref<!tpu.dma_semaphore, #tpu.memory_space<semaphore_mem>>)
        %dma_wait3A_163 = arith.constant 9984 : i32
        %dma_wait3A_164 = arith.constant 0 : i32
        %dma_wait3A_165 = tpu.memref_slice %arg11[%dma_wait3A_163, %dma_wait3A_164] : memref<10000x8xf32, #tpu.memory_space<vmem_shared>> -> memref<16x8xf32, #tpu.memory_space<vmem_shared>>
        %dma_wait3A_166 = arith.constant 0 : i32
        %dma_wait3A_167 = arith.constant 0 : i32
        %dma_wait3A_168 = tpu.memref_slice %arg7[%dma_wait3A_166, %dma_wait3A_167] : memref<625x8xf32, #tpu.memory_space<hbm>> -> memref<16x8xf32, #tpu.memory_space<hbm>>
        tpu.wait_dma2 semaphore(%run_scoped3A : memref<!tpu.dma_semaphore, #tpu.memory_space<semaphore_mem>>) src(%dma_wait3A_168 : memref<16x8xf32, #tpu.memory_space<hbm>>) dst(%dma_wait3A_165 : memref<16x8xf32, #tpu.memory_space<vmem_shared>>)
        tpu.yield
      }) : () -> ()
    } else {
    }
    "tpu.region"() ({
      %run_scoped3A = tpu.sem_alloc : memref<!tpu.dma_semaphore, #tpu.memory_space<semaphore_mem>>
      tpu.enqueue_dma source(%arg5 : memref<80x8xf32, #tpu.memory_space<hbm>>) target(%arg14 : memref<80x8xf32, #tpu.memory_space<vmem>>) target_semaphore(%run_scoped3A : memref<!tpu.dma_semaphore, #tpu.memory_space<semaphore_mem>>)
      tpu.wait_dma2 semaphore(%run_scoped3A : memref<!tpu.dma_semaphore, #tpu.memory_space<semaphore_mem>>) src(%arg5 : memref<80x8xf32, #tpu.memory_space<hbm>>) dst(%arg14 : memref<80x8xf32, #tpu.memory_space<vmem>>)
      tpu.yield
    }) : () -> ()
    "tpu.region"() ({
      %run_scoped3A = tpu.sem_alloc : memref<!tpu.dma_semaphore, #tpu.memory_space<semaphore_mem>>
      tpu.enqueue_dma source(%arg4 : memref<4x16xf32, #tpu.memory_space<hbm>>) target(%arg15 : memref<4x16xf32, #tpu.memory_space<vmem>>) target_semaphore(%run_scoped3A : memref<!tpu.dma_semaphore, #tpu.memory_space<semaphore_mem>>)
      tpu.wait_dma2 semaphore(%run_scoped3A : memref<!tpu.dma_semaphore, #tpu.memory_space<semaphore_mem>>) src(%arg4 : memref<4x16xf32, #tpu.memory_space<hbm>>) dst(%arg15 : memref<4x16xf32, #tpu.memory_space<vmem>>)
      tpu.yield
    }) : () -> ()
    "tpu.region"() ({
      %run_scoped3A = tpu.sem_alloc : memref<!tpu.dma_semaphore, #tpu.memory_space<semaphore_mem>>
      %dma_start3A_157 = arith.constant 0 : i32
      %dma_start3A_158 = arith.constant 0 : i32
      %dma_start3A_159 = tpu.memref_slice %arg3[%add3A, %dma_start3A_157, %dma_start3A_158] : memref<32x125x80xi32, #tpu.memory_space<hbm>> -> memref<1x125x80xi32, #tpu.memory_space<hbm>>
      %dma_start3A_160 = tpu.memref_squeeze %dma_start3A_159 : memref<1x125x80xi32, #tpu.memory_space<hbm>> -> memref<125x80xi32, #tpu.memory_space<hbm>>
      %dma_start3A_161 = arith.constant 0 : i32
      %dma_start3A_162 = arith.constant 0 : i32
      %dma_start3A_163 = tpu.memref_slice %arg3[%add3A, %dma_start3A_161, %dma_start3A_162] : memref<32x125x80xi32, #tpu.memory_space<hbm>> -> memref<1x125x80xi32, #tpu.memory_space<hbm>>
      %dma_start3A_164 = tpu.memref_squeeze %dma_start3A_163 : memref<1x125x80xi32, #tpu.memory_space<hbm>> -> memref<125x80xi32, #tpu.memory_space<hbm>>
      tpu.enqueue_dma source(%dma_start3A_164 : memref<125x80xi32, #tpu.memory_space<hbm>>) target(%arg12 : memref<125x80xi32, #tpu.memory_space<vmem>>) target_semaphore(%run_scoped3A : memref<!tpu.dma_semaphore, #tpu.memory_space<semaphore_mem>>)
      %dma_wait3A_165 = arith.constant 0 : i32
      %dma_wait3A_166 = arith.constant 0 : i32
      %dma_wait3A_167 = tpu.memref_slice %arg3[%add3A, %dma_wait3A_165, %dma_wait3A_166] : memref<32x125x80xi32, #tpu.memory_space<hbm>> -> memref<1x125x80xi32, #tpu.memory_space<hbm>>
      %dma_wait3A_168 = tpu.memref_squeeze %dma_wait3A_167 : memref<1x125x80xi32, #tpu.memory_space<hbm>> -> memref<125x80xi32, #tpu.memory_space<hbm>>
      %dma_wait3A_169 = arith.constant 0 : i32
      %dma_wait3A_170 = arith.constant 0 : i32
      %dma_wait3A_171 = tpu.memref_slice %arg3[%add3A, %dma_wait3A_169, %dma_wait3A_170] : memref<32x125x80xi32, #tpu.memory_space<hbm>> -> memref<1x125x80xi32, #tpu.memory_space<hbm>>
      %dma_wait3A_172 = tpu.memref_squeeze %dma_wait3A_171 : memref<1x125x80xi32, #tpu.memory_space<hbm>> -> memref<125x80xi32, #tpu.memory_space<hbm>>
      tpu.wait_dma2 semaphore(%run_scoped3A : memref<!tpu.dma_semaphore, #tpu.memory_space<semaphore_mem>>) src(%dma_wait3A_172 : memref<125x80xi32, #tpu.memory_space<hbm>>) dst(%arg12 : memref<125x80xi32, #tpu.memory_space<vmem>>)
      tpu.yield
    }) : () -> ()
    %barrier3A = arith.constant 0 : index
    tpu.barrier barrier_id(%barrier3A)
    %get3A = arith.constant 0 : i32
    %get3A_5 = arith.index_cast %get3A : i32 to index
    %get3A_6 = arith.constant 0 : index
    %get3A_7 = tpu.vector_load %arg15[%get3A_5, %get3A_6] {strides = array<i32>} : memref<4x16xf32, #tpu.memory_space<vmem>>, vector<1x16xf32>,
    %get3A_8 = vector.shape_cast %get3A_7 : vector<1x16xf32> to vector<16xf32>
    %get3A_9 = arith.constant 1 : i32
    %get3A_10 = arith.index_cast %get3A_9 : i32 to index
    %get3A_11 = arith.constant 0 : index
    %get3A_12 = tpu.vector_load %arg15[%get3A_10, %get3A_11] {strides = array<i32>} : memref<4x16xf32, #tpu.memory_space<vmem>>, vector<1x16xf32>,
    %get3A_13 = vector.shape_cast %get3A_12 : vector<1x16xf32> to vector<16xf32>
    %get3A_14 = arith.constant 2 : i32
    %get3A_15 = arith.index_cast %get3A_14 : i32 to index
    %get3A_16 = arith.constant 0 : index
    %get3A_17 = tpu.vector_load %arg15[%get3A_15, %get3A_16] {strides = array<i32>} : memref<4x16xf32, #tpu.memory_space<vmem>>, vector<1x16xf32>,
    %get3A_18 = vector.shape_cast %get3A_17 : vector<1x16xf32> to vector<16xf32>
    %get3A_19 = arith.constant 3 : i32
    %get3A_20 = arith.index_cast %get3A_19 : i32 to index
    %get3A_21 = arith.constant 0 : index
    %get3A_22 = tpu.vector_load %arg15[%get3A_20, %get3A_21] {strides = array<i32>} : memref<4x16xf32, #tpu.memory_space<vmem>>, vector<1x16xf32>,
    %get3A_23 = vector.shape_cast %get3A_22 : vector<1x16xf32> to vector<16xf32>
    %mul3A_24 = arith.constant 10000 : i32
    %mul3A_25 = arith.muli %add3A, %mul3A_24 : i32
    %add3A_26 = arith.constant 0 : i32
    %add3A_27 = arith.addi %mul3A_25, %add3A_26 : i32
    %dma_start3A = arith.constant 0 : i32
    %dma_start3A_28 = arith.constant 0 : i32
    %dma_start3A_29 = arith.constant 0 : i32
    %dma_start3A_30 = tpu.memref_slice %arg13[%dma_start3A_28, %dma_start3A_29] : memref<320x32xf32, #tpu.memory_space<vmem>> -> memref<80x32xf32, #tpu.memory_space<vmem>>
    %dma_start3A_31 = arith.constant 0 : i32
    %dma_start3A_32 = tpu.memref_slice %arg2[%add3A_27, %dma_start3A_31] : memref<320000x32xf32, #tpu.memory_space<hbm>> -> memref<80x32xf32, #tpu.memory_space<hbm>>
    %dma_start3A_33 = tpu.memref_slice %arg16[%dma_start3A] : memref<4x!tpu.dma_semaphore, #tpu.memory_space<semaphore_mem>> -> memref<1x!tpu.dma_semaphore, #tpu.memory_space<semaphore_mem>>
    %dma_start3A_34 = tpu.memref_squeeze %dma_start3A_33 : memref<1x!tpu.dma_semaphore, #tpu.memory_space<semaphore_mem>> -> memref<!tpu.dma_semaphore, #tpu.memory_space<semaphore_mem>>
    %dma_start3A_35 = arith.constant 0 : i32
    %dma_start3A_36 = arith.constant 0 : i32
    %dma_start3A_37 = tpu.memref_slice %arg13[%dma_start3A_35, %dma_start3A_36] : memref<320x32xf32, #tpu.memory_space<vmem>> -> memref<80x32xf32, #tpu.memory_space<vmem>>
    %dma_start3A_38 = arith.constant 0 : i32
    %dma_start3A_39 = tpu.memref_slice %arg2[%add3A_27, %dma_start3A_38] : memref<320000x32xf32, #tpu.memory_space<hbm>> -> memref<80x32xf32, #tpu.memory_space<hbm>>
    tpu.enqueue_dma source(%dma_start3A_39 : memref<80x32xf32, #tpu.memory_space<hbm>>) target(%dma_start3A_37 : memref<80x32xf32, #tpu.memory_space<vmem>>) target_semaphore(%dma_start3A_34 : memref<!tpu.dma_semaphore, #tpu.memory_space<semaphore_mem>>)
    %add3A_40 = arith.constant 80 : i32
    %add3A_41 = arith.addi %mul3A_25, %add3A_40 : i32
    %dma_start3A_42 = arith.constant 1 : i32
    %dma_start3A_43 = arith.constant 80 : i32
    %dma_start3A_44 = arith.constant 0 : i32
    %dma_start3A_45 = tpu.memref_slice %arg13[%dma_start3A_43, %dma_start3A_44] : memref<320x32xf32, #tpu.memory_space<vmem>> -> memref<80x32xf32, #tpu.memory_space<vmem>>
    %dma_start3A_46 = arith.constant 0 : i32
    %dma_start3A_47 = tpu.memref_slice %arg2[%add3A_41, %dma_start3A_46] : memref<320000x32xf32, #tpu.memory_space<hbm>> -> memref<80x32xf32, #tpu.memory_space<hbm>>
    %dma_start3A_48 = tpu.memref_slice %arg16[%dma_start3A_42] : memref<4x!tpu.dma_semaphore, #tpu.memory_space<semaphore_mem>> -> memref<1x!tpu.dma_semaphore, #tpu.memory_space<semaphore_mem>>
    %dma_start3A_49 = tpu.memref_squeeze %dma_start3A_48 : memref<1x!tpu.dma_semaphore, #tpu.memory_space<semaphore_mem>> -> memref<!tpu.dma_semaphore, #tpu.memory_space<semaphore_mem>>
    %dma_start3A_50 = arith.constant 80 : i32
    %dma_start3A_51 = arith.constant 0 : i32
    %dma_start3A_52 = tpu.memref_slice %arg13[%dma_start3A_50, %dma_start3A_51] : memref<320x32xf32, #tpu.memory_space<vmem>> -> memref<80x32xf32, #tpu.memory_space<vmem>>
    %dma_start3A_53 = arith.constant 0 : i32
    %dma_start3A_54 = tpu.memref_slice %arg2[%add3A_41, %dma_start3A_53] : memref<320000x32xf32, #tpu.memory_space<hbm>> -> memref<80x32xf32, #tpu.memory_space<hbm>>
    tpu.enqueue_dma source(%dma_start3A_54 : memref<80x32xf32, #tpu.memory_space<hbm>>) target(%dma_start3A_52 : memref<80x32xf32, #tpu.memory_space<vmem>>) target_semaphore(%dma_start3A_49 : memref<!tpu.dma_semaphore, #tpu.memory_space<semaphore_mem>>)
    %scan3A = arith.constant 0 : i32
    %scan3A_55 = arith.constant 0 : i32
    %scan3A_56 = arith.constant 125 : i32
    %scan3A_57 = arith.addi %scan3A_55, %scan3A_56 : i32
    %scan3A_58 = arith.constant 1 : i32
    scf.for %scan3A_157 = %scan3A_55 to %scan3A_57 step %scan3A_58  : i32 {
      %add3A_158 = arith.constant 2 : i32
      %add3A_159 = arith.addi %scan3A_157, %add3A_158 : i32
      %lt3A = arith.constant 125 : i32
      %lt3A_160 = arith.cmpi slt, %add3A_159, %lt3A : i32
      %convert_element_type3A_161 = arith.extui %lt3A_160 : i1 to i32
      %cond3A_162 = arith.constant 0 : i32
      %cond3A_163 = arith.cmpi ne, %convert_element_type3A_161, %cond3A_162 : i32
      scf.if %cond3A_163 {
        %ge3A = arith.constant 4 : i32
        %ge3A_282 = arith.cmpi sge, %add3A_159, %ge3A : i32
        %convert_element_type3A_283 = arith.extui %ge3A_282 : i1 to i32
        %cond3A_284 = arith.constant 0 : i32
        %cond3A_285 = arith.cmpi ne, %convert_element_type3A_283, %cond3A_284 : i32
        scf.if %cond3A_285 {
          %sub3A = arith.constant 4 : i32
          %sub3A_333 = arith.subi %add3A_159, %sub3A : i32
          %jit3A_334 = arith.constant 4 : i32
          %eq3A_335 = arith.constant 0 : i32
          %eq3A_336 = arith.cmpi eq, %jit3A_334, %eq3A_335 : i32
          %jit3A_337 = arith.constant 1 : i32
          %select_n3A_338 = arith.select %eq3A_336, %jit3A_337, %jit3A_334 : i32
          %rem3A_339 = arith.remsi %sub3A_333, %select_n3A_338 : i32
          %ne3A_340 = arith.constant 0 : i32
          %ne3A_341 = arith.cmpi ne, %rem3A_339, %ne3A_340 : i32
          %lt3A_342 = arith.constant 0 : i32
          %lt3A_343 = arith.cmpi slt, %rem3A_339, %lt3A_342 : i32
          %lt3A_344 = arith.constant 0 : i32
          %lt3A_345 = arith.cmpi slt, %select_n3A_338, %lt3A_344 : i32
          %ne3A_346 = arith.xori %lt3A_343, %lt3A_345 : i1
          %and3A_347 = arith.andi %ne3A_346, %ne3A_341 : i1
          %add3A_348 = arith.addi %rem3A_339, %select_n3A_338 : i32
          %select_n3A_349 = arith.select %and3A_347, %add3A_348, %rem3A_339 : i32
          %jit3A_350 = arith.constant 4 : i32
          %eq3A_351 = arith.constant 0 : i32
          %eq3A_352 = arith.cmpi eq, %jit3A_350, %eq3A_351 : i32
          %jit3A_353 = arith.constant 1 : i32
          %select_n3A_354 = arith.select %eq3A_352, %jit3A_353, %jit3A_350 : i32
          %rem3A_355 = arith.remsi %sub3A_333, %select_n3A_354 : i32
          %ne3A_356 = arith.constant 0 : i32
          %ne3A_357 = arith.cmpi ne, %rem3A_355, %ne3A_356 : i32
          %lt3A_358 = arith.constant 0 : i32
          %lt3A_359 = arith.cmpi slt, %rem3A_355, %lt3A_358 : i32
          %lt3A_360 = arith.constant 0 : i32
          %lt3A_361 = arith.cmpi slt, %select_n3A_354, %lt3A_360 : i32
          %ne3A_362 = arith.xori %lt3A_359, %lt3A_361 : i1
          %and3A_363 = arith.andi %ne3A_362, %ne3A_357 : i1
          %add3A_364 = arith.addi %rem3A_355, %select_n3A_354 : i32
          %select_n3A_365 = arith.select %and3A_363, %add3A_364, %rem3A_355 : i32
          %mul3A_366 = arith.constant 80 : i32
          %mul3A_367 = arith.muli %select_n3A_365, %mul3A_366 : i32
          %dma_wait3A_368 = arith.constant 0 : i32
          %dma_wait3A_369 = tpu.memref_slice %arg13[%mul3A_367, %dma_wait3A_368] : memref<320x32xf32, #tpu.memory_space<vmem>> -> memref<80x32xf32, #tpu.memory_space<vmem>>
          %dma_wait3A_370 = arith.constant 0 : i32
          %dma_wait3A_371 = tpu.memref_slice %arg12[%sub3A_333, %dma_wait3A_370] : memref<125x80xi32, #tpu.memory_space<vmem>> -> memref<1x80xi32, #tpu.memory_space<vmem>>
          %dma_wait3A_372 = tpu.memref_squeeze %dma_wait3A_371 : memref<1x80xi32, #tpu.memory_space<vmem>> -> memref<80xi32, #tpu.memory_space<vmem>>
          %dma_wait3A_373 = arith.constant 0 : i32
          %dma_wait3A_374 = arith.constant 0 : i32
          %dma_wait3A_375 = tpu.memref_slice %arg10[%dma_wait3A_373, %dma_wait3A_374] : memref<10000x32xf32, #tpu.memory_space<vmem_shared>> -> memref<10000x32xf32, #tpu.memory_space<vmem_shared>>
          %dma_wait3A_376 = tpu.memref_slice %arg17[%select_n3A_349] : memref<4x!tpu.dma_semaphore, #tpu.memory_space<semaphore_mem>> -> memref<1x!tpu.dma_semaphore, #tpu.memory_space<semaphore_mem>>
          %dma_wait3A_377 = tpu.memref_squeeze %dma_wait3A_376 : memref<1x!tpu.dma_semaphore, #tpu.memory_space<semaphore_mem>> -> memref<!tpu.dma_semaphore, #tpu.memory_space<semaphore_mem>>
          tpu.wait_indirect_dma semaphore(%dma_wait3A_377 : memref<!tpu.dma_semaphore, #tpu.memory_space<semaphore_mem>>) src(%dma_wait3A_369 : memref<80x32xf32, #tpu.memory_space<vmem>>) dst(%dma_wait3A_375 : memref<10000x32xf32, #tpu.memory_space<vmem_shared>>)
          %dma_wait3A_378 = arith.constant 0 : i32
          %dma_wait3A_379 = tpu.memref_slice %arg12[%sub3A_333, %dma_wait3A_378] : memref<125x80xi32, #tpu.memory_space<vmem>> -> memref<1x80xi32, #tpu.memory_space<vmem>>
          %dma_wait3A_380 = tpu.memref_squeeze %dma_wait3A_379 : memref<1x80xi32, #tpu.memory_space<vmem>> -> memref<80xi32, #tpu.memory_space<vmem>>
          %dma_wait3A_381 = arith.constant 0 : i32
          %dma_wait3A_382 = arith.constant 0 : i32
          %dma_wait3A_383 = tpu.memref_slice %arg11[%dma_wait3A_381, %dma_wait3A_382] : memref<10000x8xf32, #tpu.memory_space<vmem_shared>> -> memref<10000x8xf32, #tpu.memory_space<vmem_shared>>
          %dma_wait3A_384 = tpu.memref_slice %arg17[%select_n3A_349] : memref<4x!tpu.dma_semaphore, #tpu.memory_space<semaphore_mem>> -> memref<1x!tpu.dma_semaphore, #tpu.memory_space<semaphore_mem>>
          %dma_wait3A_385 = tpu.memref_squeeze %dma_wait3A_384 : memref<1x!tpu.dma_semaphore, #tpu.memory_space<semaphore_mem>> -> memref<!tpu.dma_semaphore, #tpu.memory_space<semaphore_mem>>
          tpu.wait_indirect_dma semaphore(%dma_wait3A_385 : memref<!tpu.dma_semaphore, #tpu.memory_space<semaphore_mem>>) src(%arg14 : memref<80x8xf32, #tpu.memory_space<vmem>>) dst(%dma_wait3A_383 : memref<10000x8xf32, #tpu.memory_space<vmem_shared>>)
        } else {
        }
        %mul3A_286 = arith.constant 80 : i32
        %mul3A_287 = arith.muli %add3A_159, %mul3A_286 : i32
        %add3A_288 = arith.addi %mul3A_25, %mul3A_287 : i32
        %jit3A_289 = arith.constant 4 : i32
        %eq3A_290 = arith.constant 0 : i32
        %eq3A_291 = arith.cmpi eq, %jit3A_289, %eq3A_290 : i32
        %jit3A_292 = arith.constant 1 : i32
        %select_n3A_293 = arith.select %eq3A_291, %jit3A_292, %jit3A_289 : i32
        %rem3A_294 = arith.remsi %add3A_159, %select_n3A_293 : i32
        %ne3A_295 = arith.constant 0 : i32
        %ne3A_296 = arith.cmpi ne, %rem3A_294, %ne3A_295 : i32
        %lt3A_297 = arith.constant 0 : i32
        %lt3A_298 = arith.cmpi slt, %rem3A_294, %lt3A_297 : i32
        %lt3A_299 = arith.constant 0 : i32
        %lt3A_300 = arith.cmpi slt, %select_n3A_293, %lt3A_299 : i32
        %ne3A_301 = arith.xori %lt3A_298, %lt3A_300 : i1
        %and3A_302 = arith.andi %ne3A_301, %ne3A_296 : i1
        %add3A_303 = arith.addi %rem3A_294, %select_n3A_293 : i32
        %select_n3A_304 = arith.select %and3A_302, %add3A_303, %rem3A_294 : i32
        %mul3A_305 = arith.constant 80 : i32
        %mul3A_306 = arith.muli %select_n3A_304, %mul3A_305 : i32
        %jit3A_307 = arith.constant 4 : i32
        %eq3A_308 = arith.constant 0 : i32
        %eq3A_309 = arith.cmpi eq, %jit3A_307, %eq3A_308 : i32
        %jit3A_310 = arith.constant 1 : i32
        %select_n3A_311 = arith.select %eq3A_309, %jit3A_310, %jit3A_307 : i32
        %rem3A_312 = arith.remsi %add3A_159, %select_n3A_311 : i32
        %ne3A_313 = arith.constant 0 : i32
        %ne3A_314 = arith.cmpi ne, %rem3A_312, %ne3A_313 : i32
        %lt3A_315 = arith.constant 0 : i32
        %lt3A_316 = arith.cmpi slt, %rem3A_312, %lt3A_315 : i32
        %lt3A_317 = arith.constant 0 : i32
        %lt3A_318 = arith.cmpi slt, %select_n3A_311, %lt3A_317 : i32
        %ne3A_319 = arith.xori %lt3A_316, %lt3A_318 : i1
        %and3A_320 = arith.andi %ne3A_319, %ne3A_314 : i1
        %add3A_321 = arith.addi %rem3A_312, %select_n3A_311 : i32
        %select_n3A_322 = arith.select %and3A_320, %add3A_321, %rem3A_312 : i32
        %dma_start3A_323 = arith.constant 0 : i32
        %dma_start3A_324 = tpu.memref_slice %arg13[%mul3A_306, %dma_start3A_323] : memref<320x32xf32, #tpu.memory_space<vmem>> -> memref<80x32xf32, #tpu.memory_space<vmem>>
        %dma_start3A_325 = arith.constant 0 : i32
        %dma_start3A_326 = tpu.memref_slice %arg2[%add3A_288, %dma_start3A_325] : memref<320000x32xf32, #tpu.memory_space<hbm>> -> memref<80x32xf32, #tpu.memory_space<hbm>>
        %dma_start3A_327 = tpu.memref_slice %arg16[%select_n3A_322] : memref<4x!tpu.dma_semaphore, #tpu.memory_space<semaphore_mem>> -> memref<1x!tpu.dma_semaphore, #tpu.memory_space<semaphore_mem>>
        %dma_start3A_328 = tpu.memref_squeeze %dma_start3A_327 : memref<1x!tpu.dma_semaphore, #tpu.memory_space<semaphore_mem>> -> memref<!tpu.dma_semaphore, #tpu.memory_space<semaphore_mem>>
        %dma_start3A_329 = arith.constant 0 : i32
        %dma_start3A_330 = tpu.memref_slice %arg13[%mul3A_306, %dma_start3A_329] : memref<320x32xf32, #tpu.memory_space<vmem>> -> memref<80x32xf32, #tpu.memory_space<vmem>>
        %dma_start3A_331 = arith.constant 0 : i32
        %dma_start3A_332 = tpu.memref_slice %arg2[%add3A_288, %dma_start3A_331] : memref<320000x32xf32, #tpu.memory_space<hbm>> -> memref<80x32xf32, #tpu.memory_space<hbm>>
        tpu.enqueue_dma source(%dma_start3A_332 : memref<80x32xf32, #tpu.memory_space<hbm>>) target(%dma_start3A_330 : memref<80x32xf32, #tpu.memory_space<vmem>>) target_semaphore(%dma_start3A_328 : memref<!tpu.dma_semaphore, #tpu.memory_space<semaphore_mem>>)
      } else {
      }
      %mul3A_164 = arith.constant 80 : i32
      %mul3A_165 = arith.muli %scan3A_157, %mul3A_164 : i32
      %add3A_166 = arith.addi %mul3A_25, %mul3A_165 : i32
      %jit3A = arith.constant 4 : i32
      %eq3A_167 = arith.constant 0 : i32
      %eq3A_168 = arith.cmpi eq, %jit3A, %eq3A_167 : i32
      %jit3A_169 = arith.constant 1 : i32
      %select_n3A = arith.select %eq3A_168, %jit3A_169, %jit3A : i32
      %rem3A = arith.remsi %scan3A_157, %select_n3A : i32
      %ne3A = arith.constant 0 : i32
      %ne3A_170 = arith.cmpi ne, %rem3A, %ne3A : i32
      %lt3A_171 = arith.constant 0 : i32
      %lt3A_172 = arith.cmpi slt, %rem3A, %lt3A_171 : i32
      %lt3A_173 = arith.constant 0 : i32
      %lt3A_174 = arith.cmpi slt, %select_n3A, %lt3A_173 : i32
      %ne3A_175 = arith.xori %lt3A_172, %lt3A_174 : i1
      %and3A = arith.andi %ne3A_175, %ne3A_170 : i1
      %add3A_176 = arith.addi %rem3A, %select_n3A : i32
      %select_n3A_177 = arith.select %and3A, %add3A_176, %rem3A : i32
      %mul3A_178 = arith.constant 80 : i32
      %mul3A_179 = arith.muli %select_n3A_177, %mul3A_178 : i32
      %jit3A_180 = arith.constant 4 : i32
      %eq3A_181 = arith.constant 0 : i32
      %eq3A_182 = arith.cmpi eq, %jit3A_180, %eq3A_181 : i32
      %jit3A_183 = arith.constant 1 : i32
      %select_n3A_184 = arith.select %eq3A_182, %jit3A_183, %jit3A_180 : i32
      %rem3A_185 = arith.remsi %scan3A_157, %select_n3A_184 : i32
      %ne3A_186 = arith.constant 0 : i32
      %ne3A_187 = arith.cmpi ne, %rem3A_185, %ne3A_186 : i32
      %lt3A_188 = arith.constant 0 : i32
      %lt3A_189 = arith.cmpi slt, %rem3A_185, %lt3A_188 : i32
      %lt3A_190 = arith.constant 0 : i32
      %lt3A_191 = arith.cmpi slt, %select_n3A_184, %lt3A_190 : i32
      %ne3A_192 = arith.xori %lt3A_189, %lt3A_191 : i1
      %and3A_193 = arith.andi %ne3A_192, %ne3A_187 : i1
      %add3A_194 = arith.addi %rem3A_185, %select_n3A_184 : i32
      %select_n3A_195 = arith.select %and3A_193, %add3A_194, %rem3A_185 : i32
      %dma_wait3A_196 = arith.constant 0 : i32
      %dma_wait3A_197 = tpu.memref_slice %arg13[%mul3A_179, %dma_wait3A_196] : memref<320x32xf32, #tpu.memory_space<vmem>> -> memref<80x32xf32, #tpu.memory_space<vmem>>
      %dma_wait3A_198 = arith.constant 0 : i32
      %dma_wait3A_199 = tpu.memref_slice %arg2[%add3A_166, %dma_wait3A_198] : memref<320000x32xf32, #tpu.memory_space<hbm>> -> memref<80x32xf32, #tpu.memory_space<hbm>>
      %dma_wait3A_200 = tpu.memref_slice %arg16[%select_n3A_195] : memref<4x!tpu.dma_semaphore, #tpu.memory_space<semaphore_mem>> -> memref<1x!tpu.dma_semaphore, #tpu.memory_space<semaphore_mem>>
      %dma_wait3A_201 = tpu.memref_squeeze %dma_wait3A_200 : memref<1x!tpu.dma_semaphore, #tpu.memory_space<semaphore_mem>> -> memref<!tpu.dma_semaphore, #tpu.memory_space<semaphore_mem>>
      %dma_wait3A_202 = arith.constant 0 : i32
      %dma_wait3A_203 = tpu.memref_slice %arg13[%mul3A_179, %dma_wait3A_202] : memref<320x32xf32, #tpu.memory_space<vmem>> -> memref<80x32xf32, #tpu.memory_space<vmem>>
      %dma_wait3A_204 = arith.constant 0 : i32
      %dma_wait3A_205 = tpu.memref_slice %arg2[%add3A_166, %dma_wait3A_204] : memref<320000x32xf32, #tpu.memory_space<hbm>> -> memref<80x32xf32, #tpu.memory_space<hbm>>
      tpu.wait_dma2 semaphore(%dma_wait3A_201 : memref<!tpu.dma_semaphore, #tpu.memory_space<semaphore_mem>>) src(%dma_wait3A_205 : memref<80x32xf32, #tpu.memory_space<hbm>>) dst(%dma_wait3A_203 : memref<80x32xf32, #tpu.memory_space<vmem>>)
      %jit3A_206 = arith.constant 4 : i32
      %eq3A_207 = arith.constant 0 : i32
      %eq3A_208 = arith.cmpi eq, %jit3A_206, %eq3A_207 : i32
      %jit3A_209 = arith.constant 1 : i32
      %select_n3A_210 = arith.select %eq3A_208, %jit3A_209, %jit3A_206 : i32
      %rem3A_211 = arith.remsi %scan3A_157, %select_n3A_210 : i32
      %ne3A_212 = arith.constant 0 : i32
      %ne3A_213 = arith.cmpi ne, %rem3A_211, %ne3A_212 : i32
      %lt3A_214 = arith.constant 0 : i32
      %lt3A_215 = arith.cmpi slt, %rem3A_211, %lt3A_214 : i32
      %lt3A_216 = arith.constant 0 : i32
      %lt3A_217 = arith.cmpi slt, %select_n3A_210, %lt3A_216 : i32
      %ne3A_218 = arith.xori %lt3A_215, %lt3A_217 : i1
      %and3A_219 = arith.andi %ne3A_218, %ne3A_213 : i1
      %add3A_220 = arith.addi %rem3A_211, %select_n3A_210 : i32
      %select_n3A_221 = arith.select %and3A_219, %add3A_220, %rem3A_211 : i32
      %mul3A_222 = arith.constant 80 : i32
      %mul3A_223 = arith.muli %select_n3A_221, %mul3A_222 : i32
      %scan3A_224 = arith.constant 0 : i32
      %scan3A_225 = arith.constant 0 : i32
      %scan3A_226 = arith.constant 10 : i32
      %scan3A_227 = arith.addi %scan3A_225, %scan3A_226 : i32
      %scan3A_228 = arith.constant 1 : i32
      scf.for %scan3A_282 = %scan3A_225 to %scan3A_227 step %scan3A_228  : i32 {
        %mul3A_283 = arith.constant 8 : i32
        %mul3A_284 = arith.muli %scan3A_282, %mul3A_283 : i32
        %add3A_285 = arith.addi %mul3A_223, %mul3A_284 : i32
        %add3A_286 = arith.constant 0 : i32
        %add3A_287 = arith.addi %add3A_285, %add3A_286 : i32
        %get3A_288 = arith.index_cast %add3A_287 : i32 to index
        %get3A_289 = arith.constant 0 : index
        %get3A_290 = tpu.vector_load %arg13[%get3A_288, %get3A_289] {strides = array<i32>} : memref<320x32xf32, #tpu.memory_space<vmem>>, vector<1x16xf32>,
        %get3A_291 = vector.shape_cast %get3A_290 : vector<1x16xf32> to vector<16xf32>
        %mul3A_292 = arith.mulf %get3A_291, %get3A_8 : vector<16xf32>
        %add3A_293 = arith.addf %mul3A_292, %get3A_18 : vector<16xf32>
        %add3A_294 = arith.constant 0 : i32
        %add3A_295 = arith.addi %add3A_285, %add3A_294 : i32
        %get3A_296 = arith.index_cast %add3A_295 : i32 to index
        %get3A_297 = arith.constant 16 : index
        %get3A_298 = tpu.vector_load %arg13[%get3A_296, %get3A_297] {strides = array<i32>} : memref<320x32xf32, #tpu.memory_space<vmem>>, vector<1x16xf32>,
        %get3A_299 = vector.shape_cast %get3A_298 : vector<1x16xf32> to vector<16xf32>
        %mul3A_300 = arith.mulf %get3A_299, %get3A_13 : vector<16xf32>
        %add3A_301 = arith.addf %mul3A_300, %get3A_23 : vector<16xf32>
        %gt3A = arith.constant 0.000000e+00 : f32
        %gt3A_302 = vector.broadcast %gt3A : f32 to vector<16xf32>
        %gt3A_303 = arith.cmpf ogt, %add3A_293, %gt3A_302 : vector<16xf32>
        %exp3A = math.exp %add3A_293 : vector<16xf32>
        %sub3A = arith.constant 1.000000e+00 : f32
        %sub3A_304 = vector.broadcast %sub3A : f32 to vector<16xf32>
        %sub3A_305 = arith.subf %exp3A, %sub3A_304 : vector<16xf32>
        %select_n3A_306 = arith.select %gt3A_303, %add3A_293, %sub3A_305 : vector<16xi1>, vector<16xf32>
        %add3A_307 = arith.constant 0 : i32
        %add3A_308 = arith.addi %add3A_285, %add3A_307 : i32
        %swap3A = arith.index_cast %add3A_308 : i32 to index
        %swap3A_309 = arith.constant 0 : index
        %swap3A_310 = tpu.vector_load %arg13[%swap3A, %swap3A_309] {strides = array<i32>} : memref<320x32xf32, #tpu.memory_space<vmem>>, vector<1x16xf32>,
        %swap3A_311 = vector.shape_cast %swap3A_310 : vector<1x16xf32> to vector<16xf32>
        %swap3A_312 = vector.shape_cast %select_n3A_306 : vector<16xf32> to vector<1x16xf32>
        tpu.vector_store %arg13[%swap3A, %swap3A_309], %swap3A_312 {strides = array<i32>} : memref<320x32xf32, #tpu.memory_space<vmem>>, vector<1x16xf32>,
        %gt3A_313 = arith.constant 0.000000e+00 : f32
        %gt3A_314 = vector.broadcast %gt3A_313 : f32 to vector<16xf32>
        %gt3A_315 = arith.cmpf ogt, %add3A_301, %gt3A_314 : vector<16xf32>
        %exp3A_316 = math.exp %add3A_301 : vector<16xf32>
        %sub3A_317 = arith.constant 1.000000e+00 : f32
        %sub3A_318 = vector.broadcast %sub3A_317 : f32 to vector<16xf32>
        %sub3A_319 = arith.subf %exp3A_316, %sub3A_318 : vector<16xf32>
        %select_n3A_320 = arith.select %gt3A_315, %add3A_301, %sub3A_319 : vector<16xi1>, vector<16xf32>
        %add3A_321 = arith.constant 0 : i32
        %add3A_322 = arith.addi %add3A_285, %add3A_321 : i32
        %swap3A_323 = arith.index_cast %add3A_322 : i32 to index
        %swap3A_324 = arith.constant 16 : index
        %swap3A_325 = tpu.vector_load %arg13[%swap3A_323, %swap3A_324] {strides = array<i32>} : memref<320x32xf32, #tpu.memory_space<vmem>>, vector<1x16xf32>,
        %swap3A_326 = vector.shape_cast %swap3A_325 : vector<1x16xf32> to vector<16xf32>
        %swap3A_327 = vector.shape_cast %select_n3A_320 : vector<16xf32> to vector<1x16xf32>
        tpu.vector_store %arg13[%swap3A_323, %swap3A_324], %swap3A_327 {strides = array<i32>} : memref<320x32xf32, #tpu.memory_space<vmem>>, vector<1x16xf32>,
        %add3A_328 = arith.constant 1 : i32
        %add3A_329 = arith.addi %add3A_285, %add3A_328 : i32
        %get3A_330 = arith.index_cast %add3A_329 : i32 to index
        %get3A_331 = arith.constant 0 : index
        %get3A_332 = tpu.vector_load %arg13[%get3A_330, %get3A_331] {strides = array<i32>} : memref<320x32xf32, #tpu.memory_space<vmem>>, vector<1x16xf32>,
        %get3A_333 = vector.shape_cast %get3A_332 : vector<1x16xf32> to vector<16xf32>
        %mul3A_334 = arith.mulf %get3A_333, %get3A_8 : vector<16xf32>
        %add3A_335 = arith.addf %mul3A_334, %get3A_18 : vector<16xf32>
        %add3A_336 = arith.constant 1 : i32
        %add3A_337 = arith.addi %add3A_285, %add3A_336 : i32
        %get3A_338 = arith.index_cast %add3A_337 : i32 to index
        %get3A_339 = arith.constant 16 : index
        %get3A_340 = tpu.vector_load %arg13[%get3A_338, %get3A_339] {strides = array<i32>} : memref<320x32xf32, #tpu.memory_space<vmem>>, vector<1x16xf32>,
        %get3A_341 = vector.shape_cast %get3A_340 : vector<1x16xf32> to vector<16xf32>
        %mul3A_342 = arith.mulf %get3A_341, %get3A_13 : vector<16xf32>
        %add3A_343 = arith.addf %mul3A_342, %get3A_23 : vector<16xf32>
        %gt3A_344 = arith.constant 0.000000e+00 : f32
        %gt3A_345 = vector.broadcast %gt3A_344 : f32 to vector<16xf32>
        %gt3A_346 = arith.cmpf ogt, %add3A_335, %gt3A_345 : vector<16xf32>
        %exp3A_347 = math.exp %add3A_335 : vector<16xf32>
        %sub3A_348 = arith.constant 1.000000e+00 : f32
        %sub3A_349 = vector.broadcast %sub3A_348 : f32 to vector<16xf32>
        %sub3A_350 = arith.subf %exp3A_347, %sub3A_349 : vector<16xf32>
        %select_n3A_351 = arith.select %gt3A_346, %add3A_335, %sub3A_350 : vector<16xi1>, vector<16xf32>
        %add3A_352 = arith.constant 1 : i32
        %add3A_353 = arith.addi %add3A_285, %add3A_352 : i32
        %swap3A_354 = arith.index_cast %add3A_353 : i32 to index
        %swap3A_355 = arith.constant 0 : index
        %swap3A_356 = tpu.vector_load %arg13[%swap3A_354, %swap3A_355] {strides = array<i32>} : memref<320x32xf32, #tpu.memory_space<vmem>>, vector<1x16xf32>,
        %swap3A_357 = vector.shape_cast %swap3A_356 : vector<1x16xf32> to vector<16xf32>
        %swap3A_358 = vector.shape_cast %select_n3A_351 : vector<16xf32> to vector<1x16xf32>
        tpu.vector_store %arg13[%swap3A_354, %swap3A_355], %swap3A_358 {strides = array<i32>} : memref<320x32xf32, #tpu.memory_space<vmem>>, vector<1x16xf32>,
        %gt3A_359 = arith.constant 0.000000e+00 : f32
        %gt3A_360 = vector.broadcast %gt3A_359 : f32 to vector<16xf32>
        %gt3A_361 = arith.cmpf ogt, %add3A_343, %gt3A_360 : vector<16xf32>
        %exp3A_362 = math.exp %add3A_343 : vector<16xf32>
        %sub3A_363 = arith.constant 1.000000e+00 : f32
        %sub3A_364 = vector.broadcast %sub3A_363 : f32 to vector<16xf32>
        %sub3A_365 = arith.subf %exp3A_362, %sub3A_364 : vector<16xf32>
        %select_n3A_366 = arith.select %gt3A_361, %add3A_343, %sub3A_365 : vector<16xi1>, vector<16xf32>
        %add3A_367 = arith.constant 1 : i32
        %add3A_368 = arith.addi %add3A_285, %add3A_367 : i32
        %swap3A_369 = arith.index_cast %add3A_368 : i32 to index
        %swap3A_370 = arith.constant 16 : index
        %swap3A_371 = tpu.vector_load %arg13[%swap3A_369, %swap3A_370] {strides = array<i32>} : memref<320x32xf32, #tpu.memory_space<vmem>>, vector<1x16xf32>,
        %swap3A_372 = vector.shape_cast %swap3A_371 : vector<1x16xf32> to vector<16xf32>
        %swap3A_373 = vector.shape_cast %select_n3A_366 : vector<16xf32> to vector<1x16xf32>
        tpu.vector_store %arg13[%swap3A_369, %swap3A_370], %swap3A_373 {strides = array<i32>} : memref<320x32xf32, #tpu.memory_space<vmem>>, vector<1x16xf32>,
        %add3A_374 = arith.constant 2 : i32
        %add3A_375 = arith.addi %add3A_285, %add3A_374 : i32
        %get3A_376 = arith.index_cast %add3A_375 : i32 to index
        %get3A_377 = arith.constant 0 : index
        %get3A_378 = tpu.vector_load %arg13[%get3A_376, %get3A_377] {strides = array<i32>} : memref<320x32xf32, #tpu.memory_space<vmem>>, vector<1x16xf32>,
        %get3A_379 = vector.shape_cast %get3A_378 : vector<1x16xf32> to vector<16xf32>
        %mul3A_380 = arith.mulf %get3A_379, %get3A_8 : vector<16xf32>
        %add3A_381 = arith.addf %mul3A_380, %get3A_18 : vector<16xf32>
        %add3A_382 = arith.constant 2 : i32
        %add3A_383 = arith.addi %add3A_285, %add3A_382 : i32
        %get3A_384 = arith.index_cast %add3A_383 : i32 to index
        %get3A_385 = arith.constant 16 : index
        %get3A_386 = tpu.vector_load %arg13[%get3A_384, %get3A_385] {strides = array<i32>} : memref<320x32xf32, #tpu.memory_space<vmem>>, vector<1x16xf32>,
        %get3A_387 = vector.shape_cast %get3A_386 : vector<1x16xf32> to vector<16xf32>
        %mul3A_388 = arith.mulf %get3A_387, %get3A_13 : vector<16xf32>
        %add3A_389 = arith.addf %mul3A_388, %get3A_23 : vector<16xf32>
        %gt3A_390 = arith.constant 0.000000e+00 : f32
        %gt3A_391 = vector.broadcast %gt3A_390 : f32 to vector<16xf32>
        %gt3A_392 = arith.cmpf ogt, %add3A_381, %gt3A_391 : vector<16xf32>
        %exp3A_393 = math.exp %add3A_381 : vector<16xf32>
        %sub3A_394 = arith.constant 1.000000e+00 : f32
        %sub3A_395 = vector.broadcast %sub3A_394 : f32 to vector<16xf32>
        %sub3A_396 = arith.subf %exp3A_393, %sub3A_395 : vector<16xf32>
        %select_n3A_397 = arith.select %gt3A_392, %add3A_381, %sub3A_396 : vector<16xi1>, vector<16xf32>
        %add3A_398 = arith.constant 2 : i32
        %add3A_399 = arith.addi %add3A_285, %add3A_398 : i32
        %swap3A_400 = arith.index_cast %add3A_399 : i32 to index
        %swap3A_401 = arith.constant 0 : index
        %swap3A_402 = tpu.vector_load %arg13[%swap3A_400, %swap3A_401] {strides = array<i32>} : memref<320x32xf32, #tpu.memory_space<vmem>>, vector<1x16xf32>,
        %swap3A_403 = vector.shape_cast %swap3A_402 : vector<1x16xf32> to vector<16xf32>
        %swap3A_404 = vector.shape_cast %select_n3A_397 : vector<16xf32> to vector<1x16xf32>
        tpu.vector_store %arg13[%swap3A_400, %swap3A_401], %swap3A_404 {strides = array<i32>} : memref<320x32xf32, #tpu.memory_space<vmem>>, vector<1x16xf32>,
        %gt3A_405 = arith.constant 0.000000e+00 : f32
        %gt3A_406 = vector.broadcast %gt3A_405 : f32 to vector<16xf32>
        %gt3A_407 = arith.cmpf ogt, %add3A_389, %gt3A_406 : vector<16xf32>
        %exp3A_408 = math.exp %add3A_389 : vector<16xf32>
        %sub3A_409 = arith.constant 1.000000e+00 : f32
        %sub3A_410 = vector.broadcast %sub3A_409 : f32 to vector<16xf32>
        %sub3A_411 = arith.subf %exp3A_408, %sub3A_410 : vector<16xf32>
        %select_n3A_412 = arith.select %gt3A_407, %add3A_389, %sub3A_411 : vector<16xi1>, vector<16xf32>
        %add3A_413 = arith.constant 2 : i32
        %add3A_414 = arith.addi %add3A_285, %add3A_413 : i32
        %swap3A_415 = arith.index_cast %add3A_414 : i32 to index
        %swap3A_416 = arith.constant 16 : index
        %swap3A_417 = tpu.vector_load %arg13[%swap3A_415, %swap3A_416] {strides = array<i32>} : memref<320x32xf32, #tpu.memory_space<vmem>>, vector<1x16xf32>,
        %swap3A_418 = vector.shape_cast %swap3A_417 : vector<1x16xf32> to vector<16xf32>
        %swap3A_419 = vector.shape_cast %select_n3A_412 : vector<16xf32> to vector<1x16xf32>
        tpu.vector_store %arg13[%swap3A_415, %swap3A_416], %swap3A_419 {strides = array<i32>} : memref<320x32xf32, #tpu.memory_space<vmem>>, vector<1x16xf32>,
        %add3A_420 = arith.constant 3 : i32
        %add3A_421 = arith.addi %add3A_285, %add3A_420 : i32
        %get3A_422 = arith.index_cast %add3A_421 : i32 to index
        %get3A_423 = arith.constant 0 : index
        %get3A_424 = tpu.vector_load %arg13[%get3A_422, %get3A_423] {strides = array<i32>} : memref<320x32xf32, #tpu.memory_space<vmem>>, vector<1x16xf32>,
        %get3A_425 = vector.shape_cast %get3A_424 : vector<1x16xf32> to vector<16xf32>
        %mul3A_426 = arith.mulf %get3A_425, %get3A_8 : vector<16xf32>
        %add3A_427 = arith.addf %mul3A_426, %get3A_18 : vector<16xf32>
        %add3A_428 = arith.constant 3 : i32
        %add3A_429 = arith.addi %add3A_285, %add3A_428 : i32
        %get3A_430 = arith.index_cast %add3A_429 : i32 to index
        %get3A_431 = arith.constant 16 : index
        %get3A_432 = tpu.vector_load %arg13[%get3A_430, %get3A_431] {strides = array<i32>} : memref<320x32xf32, #tpu.memory_space<vmem>>, vector<1x16xf32>,
        %get3A_433 = vector.shape_cast %get3A_432 : vector<1x16xf32> to vector<16xf32>
        %mul3A_434 = arith.mulf %get3A_433, %get3A_13 : vector<16xf32>
        %add3A_435 = arith.addf %mul3A_434, %get3A_23 : vector<16xf32>
        %gt3A_436 = arith.constant 0.000000e+00 : f32
        %gt3A_437 = vector.broadcast %gt3A_436 : f32 to vector<16xf32>
        %gt3A_438 = arith.cmpf ogt, %add3A_427, %gt3A_437 : vector<16xf32>
        %exp3A_439 = math.exp %add3A_427 : vector<16xf32>
        %sub3A_440 = arith.constant 1.000000e+00 : f32
        %sub3A_441 = vector.broadcast %sub3A_440 : f32 to vector<16xf32>
        %sub3A_442 = arith.subf %exp3A_439, %sub3A_441 : vector<16xf32>
        %select_n3A_443 = arith.select %gt3A_438, %add3A_427, %sub3A_442 : vector<16xi1>, vector<16xf32>
        %add3A_444 = arith.constant 3 : i32
        %add3A_445 = arith.addi %add3A_285, %add3A_444 : i32
        %swap3A_446 = arith.index_cast %add3A_445 : i32 to index
        %swap3A_447 = arith.constant 0 : index
        %swap3A_448 = tpu.vector_load %arg13[%swap3A_446, %swap3A_447] {strides = array<i32>} : memref<320x32xf32, #tpu.memory_space<vmem>>, vector<1x16xf32>,
        %swap3A_449 = vector.shape_cast %swap3A_448 : vector<1x16xf32> to vector<16xf32>
        %swap3A_450 = vector.shape_cast %select_n3A_443 : vector<16xf32> to vector<1x16xf32>
        tpu.vector_store %arg13[%swap3A_446, %swap3A_447], %swap3A_450 {strides = array<i32>} : memref<320x32xf32, #tpu.memory_space<vmem>>, vector<1x16xf32>,
        %gt3A_451 = arith.constant 0.000000e+00 : f32
        %gt3A_452 = vector.broadcast %gt3A_451 : f32 to vector<16xf32>
        %gt3A_453 = arith.cmpf ogt, %add3A_435, %gt3A_452 : vector<16xf32>
        %exp3A_454 = math.exp %add3A_435 : vector<16xf32>
        %sub3A_455 = arith.constant 1.000000e+00 : f32
        %sub3A_456 = vector.broadcast %sub3A_455 : f32 to vector<16xf32>
        %sub3A_457 = arith.subf %exp3A_454, %sub3A_456 : vector<16xf32>
        %select_n3A_458 = arith.select %gt3A_453, %add3A_435, %sub3A_457 : vector<16xi1>, vector<16xf32>
        %add3A_459 = arith.constant 3 : i32
        %add3A_460 = arith.addi %add3A_285, %add3A_459 : i32
        %swap3A_461 = arith.index_cast %add3A_460 : i32 to index
        %swap3A_462 = arith.constant 16 : index
        %swap3A_463 = tpu.vector_load %arg13[%swap3A_461, %swap3A_462] {strides = array<i32>} : memref<320x32xf32, #tpu.memory_space<vmem>>, vector<1x16xf32>,
        %swap3A_464 = vector.shape_cast %swap3A_463 : vector<1x16xf32> to vector<16xf32>
        %swap3A_465 = vector.shape_cast %select_n3A_458 : vector<16xf32> to vector<1x16xf32>
        tpu.vector_store %arg13[%swap3A_461, %swap3A_462], %swap3A_465 {strides = array<i32>} : memref<320x32xf32, #tpu.memory_space<vmem>>, vector<1x16xf32>,
        %add3A_466 = arith.constant 4 : i32
        %add3A_467 = arith.addi %add3A_285, %add3A_466 : i32
        %get3A_468 = arith.index_cast %add3A_467 : i32 to index
        %get3A_469 = arith.constant 0 : index
        %get3A_470 = tpu.vector_load %arg13[%get3A_468, %get3A_469] {strides = array<i32>} : memref<320x32xf32, #tpu.memory_space<vmem>>, vector<1x16xf32>,
        %get3A_471 = vector.shape_cast %get3A_470 : vector<1x16xf32> to vector<16xf32>
        %mul3A_472 = arith.mulf %get3A_471, %get3A_8 : vector<16xf32>
        %add3A_473 = arith.addf %mul3A_472, %get3A_18 : vector<16xf32>
        %add3A_474 = arith.constant 4 : i32
        %add3A_475 = arith.addi %add3A_285, %add3A_474 : i32
        %get3A_476 = arith.index_cast %add3A_475 : i32 to index
        %get3A_477 = arith.constant 16 : index
        %get3A_478 = tpu.vector_load %arg13[%get3A_476, %get3A_477] {strides = array<i32>} : memref<320x32xf32, #tpu.memory_space<vmem>>, vector<1x16xf32>,
        %get3A_479 = vector.shape_cast %get3A_478 : vector<1x16xf32> to vector<16xf32>
        %mul3A_480 = arith.mulf %get3A_479, %get3A_13 : vector<16xf32>
        %add3A_481 = arith.addf %mul3A_480, %get3A_23 : vector<16xf32>
        %gt3A_482 = arith.constant 0.000000e+00 : f32
        %gt3A_483 = vector.broadcast %gt3A_482 : f32 to vector<16xf32>
        %gt3A_484 = arith.cmpf ogt, %add3A_473, %gt3A_483 : vector<16xf32>
        %exp3A_485 = math.exp %add3A_473 : vector<16xf32>
        %sub3A_486 = arith.constant 1.000000e+00 : f32
        %sub3A_487 = vector.broadcast %sub3A_486 : f32 to vector<16xf32>
        %sub3A_488 = arith.subf %exp3A_485, %sub3A_487 : vector<16xf32>
        %select_n3A_489 = arith.select %gt3A_484, %add3A_473, %sub3A_488 : vector<16xi1>, vector<16xf32>
        %add3A_490 = arith.constant 4 : i32
        %add3A_491 = arith.addi %add3A_285, %add3A_490 : i32
        %swap3A_492 = arith.index_cast %add3A_491 : i32 to index
        %swap3A_493 = arith.constant 0 : index
        %swap3A_494 = tpu.vector_load %arg13[%swap3A_492, %swap3A_493] {strides = array<i32>} : memref<320x32xf32, #tpu.memory_space<vmem>>, vector<1x16xf32>,
        %swap3A_495 = vector.shape_cast %swap3A_494 : vector<1x16xf32> to vector<16xf32>
        %swap3A_496 = vector.shape_cast %select_n3A_489 : vector<16xf32> to vector<1x16xf32>
        tpu.vector_store %arg13[%swap3A_492, %swap3A_493], %swap3A_496 {strides = array<i32>} : memref<320x32xf32, #tpu.memory_space<vmem>>, vector<1x16xf32>,
        %gt3A_497 = arith.constant 0.000000e+00 : f32
        %gt3A_498 = vector.broadcast %gt3A_497 : f32 to vector<16xf32>
        %gt3A_499 = arith.cmpf ogt, %add3A_481, %gt3A_498 : vector<16xf32>
        %exp3A_500 = math.exp %add3A_481 : vector<16xf32>
        %sub3A_501 = arith.constant 1.000000e+00 : f32
        %sub3A_502 = vector.broadcast %sub3A_501 : f32 to vector<16xf32>
        %sub3A_503 = arith.subf %exp3A_500, %sub3A_502 : vector<16xf32>
        %select_n3A_504 = arith.select %gt3A_499, %add3A_481, %sub3A_503 : vector<16xi1>, vector<16xf32>
        %add3A_505 = arith.constant 4 : i32
        %add3A_506 = arith.addi %add3A_285, %add3A_505 : i32
        %swap3A_507 = arith.index_cast %add3A_506 : i32 to index
        %swap3A_508 = arith.constant 16 : index
        %swap3A_509 = tpu.vector_load %arg13[%swap3A_507, %swap3A_508] {strides = array<i32>} : memref<320x32xf32, #tpu.memory_space<vmem>>, vector<1x16xf32>,
        %swap3A_510 = vector.shape_cast %swap3A_509 : vector<1x16xf32> to vector<16xf32>
        %swap3A_511 = vector.shape_cast %select_n3A_504 : vector<16xf32> to vector<1x16xf32>
        tpu.vector_store %arg13[%swap3A_507, %swap3A_508], %swap3A_511 {strides = array<i32>} : memref<320x32xf32, #tpu.memory_space<vmem>>, vector<1x16xf32>,
        %add3A_512 = arith.constant 5 : i32
        %add3A_513 = arith.addi %add3A_285, %add3A_512 : i32
        %get3A_514 = arith.index_cast %add3A_513 : i32 to index
        %get3A_515 = arith.constant 0 : index
        %get3A_516 = tpu.vector_load %arg13[%get3A_514, %get3A_515] {strides = array<i32>} : memref<320x32xf32, #tpu.memory_space<vmem>>, vector<1x16xf32>,
        %get3A_517 = vector.shape_cast %get3A_516 : vector<1x16xf32> to vector<16xf32>
        %mul3A_518 = arith.mulf %get3A_517, %get3A_8 : vector<16xf32>
        %add3A_519 = arith.addf %mul3A_518, %get3A_18 : vector<16xf32>
        %add3A_520 = arith.constant 5 : i32
        %add3A_521 = arith.addi %add3A_285, %add3A_520 : i32
        %get3A_522 = arith.index_cast %add3A_521 : i32 to index
        %get3A_523 = arith.constant 16 : index
        %get3A_524 = tpu.vector_load %arg13[%get3A_522, %get3A_523] {strides = array<i32>} : memref<320x32xf32, #tpu.memory_space<vmem>>, vector<1x16xf32>,
        %get3A_525 = vector.shape_cast %get3A_524 : vector<1x16xf32> to vector<16xf32>
        %mul3A_526 = arith.mulf %get3A_525, %get3A_13 : vector<16xf32>
        %add3A_527 = arith.addf %mul3A_526, %get3A_23 : vector<16xf32>
        %gt3A_528 = arith.constant 0.000000e+00 : f32
        %gt3A_529 = vector.broadcast %gt3A_528 : f32 to vector<16xf32>
        %gt3A_530 = arith.cmpf ogt, %add3A_519, %gt3A_529 : vector<16xf32>
        %exp3A_531 = math.exp %add3A_519 : vector<16xf32>
        %sub3A_532 = arith.constant 1.000000e+00 : f32
        %sub3A_533 = vector.broadcast %sub3A_532 : f32 to vector<16xf32>
        %sub3A_534 = arith.subf %exp3A_531, %sub3A_533 : vector<16xf32>
        %select_n3A_535 = arith.select %gt3A_530, %add3A_519, %sub3A_534 : vector<16xi1>, vector<16xf32>
        %add3A_536 = arith.constant 5 : i32
        %add3A_537 = arith.addi %add3A_285, %add3A_536 : i32
        %swap3A_538 = arith.index_cast %add3A_537 : i32 to index
        %swap3A_539 = arith.constant 0 : index
        %swap3A_540 = tpu.vector_load %arg13[%swap3A_538, %swap3A_539] {strides = array<i32>} : memref<320x32xf32, #tpu.memory_space<vmem>>, vector<1x16xf32>,
        %swap3A_541 = vector.shape_cast %swap3A_540 : vector<1x16xf32> to vector<16xf32>
        %swap3A_542 = vector.shape_cast %select_n3A_535 : vector<16xf32> to vector<1x16xf32>
        tpu.vector_store %arg13[%swap3A_538, %swap3A_539], %swap3A_542 {strides = array<i32>} : memref<320x32xf32, #tpu.memory_space<vmem>>, vector<1x16xf32>,
        %gt3A_543 = arith.constant 0.000000e+00 : f32
        %gt3A_544 = vector.broadcast %gt3A_543 : f32 to vector<16xf32>
        %gt3A_545 = arith.cmpf ogt, %add3A_527, %gt3A_544 : vector<16xf32>
        %exp3A_546 = math.exp %add3A_527 : vector<16xf32>
        %sub3A_547 = arith.constant 1.000000e+00 : f32
        %sub3A_548 = vector.broadcast %sub3A_547 : f32 to vector<16xf32>
        %sub3A_549 = arith.subf %exp3A_546, %sub3A_548 : vector<16xf32>
        %select_n3A_550 = arith.select %gt3A_545, %add3A_527, %sub3A_549 : vector<16xi1>, vector<16xf32>
        %add3A_551 = arith.constant 5 : i32
        %add3A_552 = arith.addi %add3A_285, %add3A_551 : i32
        %swap3A_553 = arith.index_cast %add3A_552 : i32 to index
        %swap3A_554 = arith.constant 16 : index
        %swap3A_555 = tpu.vector_load %arg13[%swap3A_553, %swap3A_554] {strides = array<i32>} : memref<320x32xf32, #tpu.memory_space<vmem>>, vector<1x16xf32>,
        %swap3A_556 = vector.shape_cast %swap3A_555 : vector<1x16xf32> to vector<16xf32>
        %swap3A_557 = vector.shape_cast %select_n3A_550 : vector<16xf32> to vector<1x16xf32>
        tpu.vector_store %arg13[%swap3A_553, %swap3A_554], %swap3A_557 {strides = array<i32>} : memref<320x32xf32, #tpu.memory_space<vmem>>, vector<1x16xf32>,
        %add3A_558 = arith.constant 6 : i32
        %add3A_559 = arith.addi %add3A_285, %add3A_558 : i32
        %get3A_560 = arith.index_cast %add3A_559 : i32 to index
        %get3A_561 = arith.constant 0 : index
        %get3A_562 = tpu.vector_load %arg13[%get3A_560, %get3A_561] {strides = array<i32>} : memref<320x32xf32, #tpu.memory_space<vmem>>, vector<1x16xf32>,
        %get3A_563 = vector.shape_cast %get3A_562 : vector<1x16xf32> to vector<16xf32>
        %mul3A_564 = arith.mulf %get3A_563, %get3A_8 : vector<16xf32>
        %add3A_565 = arith.addf %mul3A_564, %get3A_18 : vector<16xf32>
        %add3A_566 = arith.constant 6 : i32
        %add3A_567 = arith.addi %add3A_285, %add3A_566 : i32
        %get3A_568 = arith.index_cast %add3A_567 : i32 to index
        %get3A_569 = arith.constant 16 : index
        %get3A_570 = tpu.vector_load %arg13[%get3A_568, %get3A_569] {strides = array<i32>} : memref<320x32xf32, #tpu.memory_space<vmem>>, vector<1x16xf32>,
        %get3A_571 = vector.shape_cast %get3A_570 : vector<1x16xf32> to vector<16xf32>
        %mul3A_572 = arith.mulf %get3A_571, %get3A_13 : vector<16xf32>
        %add3A_573 = arith.addf %mul3A_572, %get3A_23 : vector<16xf32>
        %gt3A_574 = arith.constant 0.000000e+00 : f32
        %gt3A_575 = vector.broadcast %gt3A_574 : f32 to vector<16xf32>
        %gt3A_576 = arith.cmpf ogt, %add3A_565, %gt3A_575 : vector<16xf32>
        %exp3A_577 = math.exp %add3A_565 : vector<16xf32>
        %sub3A_578 = arith.constant 1.000000e+00 : f32
        %sub3A_579 = vector.broadcast %sub3A_578 : f32 to vector<16xf32>
        %sub3A_580 = arith.subf %exp3A_577, %sub3A_579 : vector<16xf32>
        %select_n3A_581 = arith.select %gt3A_576, %add3A_565, %sub3A_580 : vector<16xi1>, vector<16xf32>
        %add3A_582 = arith.constant 6 : i32
        %add3A_583 = arith.addi %add3A_285, %add3A_582 : i32
        %swap3A_584 = arith.index_cast %add3A_583 : i32 to index
        %swap3A_585 = arith.constant 0 : index
        %swap3A_586 = tpu.vector_load %arg13[%swap3A_584, %swap3A_585] {strides = array<i32>} : memref<320x32xf32, #tpu.memory_space<vmem>>, vector<1x16xf32>,
        %swap3A_587 = vector.shape_cast %swap3A_586 : vector<1x16xf32> to vector<16xf32>
        %swap3A_588 = vector.shape_cast %select_n3A_581 : vector<16xf32> to vector<1x16xf32>
        tpu.vector_store %arg13[%swap3A_584, %swap3A_585], %swap3A_588 {strides = array<i32>} : memref<320x32xf32, #tpu.memory_space<vmem>>, vector<1x16xf32>,
        %gt3A_589 = arith.constant 0.000000e+00 : f32
        %gt3A_590 = vector.broadcast %gt3A_589 : f32 to vector<16xf32>
        %gt3A_591 = arith.cmpf ogt, %add3A_573, %gt3A_590 : vector<16xf32>
        %exp3A_592 = math.exp %add3A_573 : vector<16xf32>
        %sub3A_593 = arith.constant 1.000000e+00 : f32
        %sub3A_594 = vector.broadcast %sub3A_593 : f32 to vector<16xf32>
        %sub3A_595 = arith.subf %exp3A_592, %sub3A_594 : vector<16xf32>
        %select_n3A_596 = arith.select %gt3A_591, %add3A_573, %sub3A_595 : vector<16xi1>, vector<16xf32>
        %add3A_597 = arith.constant 6 : i32
        %add3A_598 = arith.addi %add3A_285, %add3A_597 : i32
        %swap3A_599 = arith.index_cast %add3A_598 : i32 to index
        %swap3A_600 = arith.constant 16 : index
        %swap3A_601 = tpu.vector_load %arg13[%swap3A_599, %swap3A_600] {strides = array<i32>} : memref<320x32xf32, #tpu.memory_space<vmem>>, vector<1x16xf32>,
        %swap3A_602 = vector.shape_cast %swap3A_601 : vector<1x16xf32> to vector<16xf32>
        %swap3A_603 = vector.shape_cast %select_n3A_596 : vector<16xf32> to vector<1x16xf32>
        tpu.vector_store %arg13[%swap3A_599, %swap3A_600], %swap3A_603 {strides = array<i32>} : memref<320x32xf32, #tpu.memory_space<vmem>>, vector<1x16xf32>,
        %add3A_604 = arith.constant 7 : i32
        %add3A_605 = arith.addi %add3A_285, %add3A_604 : i32
        %get3A_606 = arith.index_cast %add3A_605 : i32 to index
        %get3A_607 = arith.constant 0 : index
        %get3A_608 = tpu.vector_load %arg13[%get3A_606, %get3A_607] {strides = array<i32>} : memref<320x32xf32, #tpu.memory_space<vmem>>, vector<1x16xf32>,
        %get3A_609 = vector.shape_cast %get3A_608 : vector<1x16xf32> to vector<16xf32>
        %mul3A_610 = arith.mulf %get3A_609, %get3A_8 : vector<16xf32>
        %add3A_611 = arith.addf %mul3A_610, %get3A_18 : vector<16xf32>
        %add3A_612 = arith.constant 7 : i32
        %add3A_613 = arith.addi %add3A_285, %add3A_612 : i32
        %get3A_614 = arith.index_cast %add3A_613 : i32 to index
        %get3A_615 = arith.constant 16 : index
        %get3A_616 = tpu.vector_load %arg13[%get3A_614, %get3A_615] {strides = array<i32>} : memref<320x32xf32, #tpu.memory_space<vmem>>, vector<1x16xf32>,
        %get3A_617 = vector.shape_cast %get3A_616 : vector<1x16xf32> to vector<16xf32>
        %mul3A_618 = arith.mulf %get3A_617, %get3A_13 : vector<16xf32>
        %add3A_619 = arith.addf %mul3A_618, %get3A_23 : vector<16xf32>
        %gt3A_620 = arith.constant 0.000000e+00 : f32
        %gt3A_621 = vector.broadcast %gt3A_620 : f32 to vector<16xf32>
        %gt3A_622 = arith.cmpf ogt, %add3A_611, %gt3A_621 : vector<16xf32>
        %exp3A_623 = math.exp %add3A_611 : vector<16xf32>
        %sub3A_624 = arith.constant 1.000000e+00 : f32
        %sub3A_625 = vector.broadcast %sub3A_624 : f32 to vector<16xf32>
        %sub3A_626 = arith.subf %exp3A_623, %sub3A_625 : vector<16xf32>
        %select_n3A_627 = arith.select %gt3A_622, %add3A_611, %sub3A_626 : vector<16xi1>, vector<16xf32>
        %add3A_628 = arith.constant 7 : i32
        %add3A_629 = arith.addi %add3A_285, %add3A_628 : i32
        %swap3A_630 = arith.index_cast %add3A_629 : i32 to index
        %swap3A_631 = arith.constant 0 : index
        %swap3A_632 = tpu.vector_load %arg13[%swap3A_630, %swap3A_631] {strides = array<i32>} : memref<320x32xf32, #tpu.memory_space<vmem>>, vector<1x16xf32>,
        %swap3A_633 = vector.shape_cast %swap3A_632 : vector<1x16xf32> to vector<16xf32>
        %swap3A_634 = vector.shape_cast %select_n3A_627 : vector<16xf32> to vector<1x16xf32>
        tpu.vector_store %arg13[%swap3A_630, %swap3A_631], %swap3A_634 {strides = array<i32>} : memref<320x32xf32, #tpu.memory_space<vmem>>, vector<1x16xf32>,
        %gt3A_635 = arith.constant 0.000000e+00 : f32
        %gt3A_636 = vector.broadcast %gt3A_635 : f32 to vector<16xf32>
        %gt3A_637 = arith.cmpf ogt, %add3A_619, %gt3A_636 : vector<16xf32>
        %exp3A_638 = math.exp %add3A_619 : vector<16xf32>
        %sub3A_639 = arith.constant 1.000000e+00 : f32
        %sub3A_640 = vector.broadcast %sub3A_639 : f32 to vector<16xf32>
        %sub3A_641 = arith.subf %exp3A_638, %sub3A_640 : vector<16xf32>
        %select_n3A_642 = arith.select %gt3A_637, %add3A_619, %sub3A_641 : vector<16xi1>, vector<16xf32>
        %add3A_643 = arith.constant 7 : i32
        %add3A_644 = arith.addi %add3A_285, %add3A_643 : i32
        %swap3A_645 = arith.index_cast %add3A_644 : i32 to index
        %swap3A_646 = arith.constant 16 : index
        %swap3A_647 = tpu.vector_load %arg13[%swap3A_645, %swap3A_646] {strides = array<i32>} : memref<320x32xf32, #tpu.memory_space<vmem>>, vector<1x16xf32>,
        %swap3A_648 = vector.shape_cast %swap3A_647 : vector<1x16xf32> to vector<16xf32>
        %swap3A_649 = vector.shape_cast %select_n3A_642 : vector<16xf32> to vector<1x16xf32>
        tpu.vector_store %arg13[%swap3A_645, %swap3A_646], %swap3A_649 {strides = array<i32>} : memref<320x32xf32, #tpu.memory_space<vmem>>, vector<1x16xf32>,
      }
      %scan3A_229 = arith.constant 10 : i32
      %jit3A_230 = arith.constant 4 : i32
      %eq3A_231 = arith.constant 0 : i32
      %eq3A_232 = arith.cmpi eq, %jit3A_230, %eq3A_231 : i32
      %jit3A_233 = arith.constant 1 : i32
      %select_n3A_234 = arith.select %eq3A_232, %jit3A_233, %jit3A_230 : i32
      %rem3A_235 = arith.remsi %scan3A_157, %select_n3A_234 : i32
      %ne3A_236 = arith.constant 0 : i32
      %ne3A_237 = arith.cmpi ne, %rem3A_235, %ne3A_236 : i32
      %lt3A_238 = arith.constant 0 : i32
      %lt3A_239 = arith.cmpi slt, %rem3A_235, %lt3A_238 : i32
      %lt3A_240 = arith.constant 0 : i32
      %lt3A_241 = arith.cmpi slt, %select_n3A_234, %lt3A_240 : i32
      %ne3A_242 = arith.xori %lt3A_239, %lt3A_241 : i1
      %and3A_243 = arith.andi %ne3A_242, %ne3A_237 : i1
      %add3A_244 = arith.addi %rem3A_235, %select_n3A_234 : i32
      %select_n3A_245 = arith.select %and3A_243, %add3A_244, %rem3A_235 : i32
      %jit3A_246 = arith.constant 4 : i32
      %eq3A_247 = arith.constant 0 : i32
      %eq3A_248 = arith.cmpi eq, %jit3A_246, %eq3A_247 : i32
      %jit3A_249 = arith.constant 1 : i32
      %select_n3A_250 = arith.select %eq3A_248, %jit3A_249, %jit3A_246 : i32
      %rem3A_251 = arith.remsi %scan3A_157, %select_n3A_250 : i32
      %ne3A_252 = arith.constant 0 : i32
      %ne3A_253 = arith.cmpi ne, %rem3A_251, %ne3A_252 : i32
      %lt3A_254 = arith.constant 0 : i32
      %lt3A_255 = arith.cmpi slt, %rem3A_251, %lt3A_254 : i32
      %lt3A_256 = arith.constant 0 : i32
      %lt3A_257 = arith.cmpi slt, %select_n3A_250, %lt3A_256 : i32
      %ne3A_258 = arith.xori %lt3A_255, %lt3A_257 : i1
      %and3A_259 = arith.andi %ne3A_258, %ne3A_253 : i1
      %add3A_260 = arith.addi %rem3A_251, %select_n3A_250 : i32
      %select_n3A_261 = arith.select %and3A_259, %add3A_260, %rem3A_251 : i32
      %mul3A_262 = arith.constant 80 : i32
      %mul3A_263 = arith.muli %select_n3A_261, %mul3A_262 : i32
      %dma_start3A_264 = arith.constant 0 : i32
      %dma_start3A_265 = tpu.memref_slice %arg13[%mul3A_263, %dma_start3A_264] : memref<320x32xf32, #tpu.memory_space<vmem>> -> memref<80x32xf32, #tpu.memory_space<vmem>>
      %dma_start3A_266 = arith.constant 0 : i32
      %dma_start3A_267 = tpu.memref_slice %arg12[%scan3A_157, %dma_start3A_266] : memref<125x80xi32, #tpu.memory_space<vmem>> -> memref<1x80xi32, #tpu.memory_space<vmem>>
      %dma_start3A_268 = tpu.memref_squeeze %dma_start3A_267 : memref<1x80xi32, #tpu.memory_space<vmem>> -> memref<80xi32, #tpu.memory_space<vmem>>
      %dma_start3A_269 = arith.constant 0 : i32
      %dma_start3A_270 = arith.constant 0 : i32
      %dma_start3A_271 = tpu.memref_slice %arg10[%dma_start3A_269, %dma_start3A_270] : memref<10000x32xf32, #tpu.memory_space<vmem_shared>> -> memref<10000x32xf32, #tpu.memory_space<vmem_shared>>
      %dma_start3A_272 = tpu.memref_slice %arg17[%select_n3A_245] : memref<4x!tpu.dma_semaphore, #tpu.memory_space<semaphore_mem>> -> memref<1x!tpu.dma_semaphore, #tpu.memory_space<semaphore_mem>>
      %dma_start3A_273 = tpu.memref_squeeze %dma_start3A_272 : memref<1x!tpu.dma_semaphore, #tpu.memory_space<semaphore_mem>> -> memref<!tpu.dma_semaphore, #tpu.memory_space<semaphore_mem>>
      tpu.enqueue_indirect_dma source(%dma_start3A_265 : memref<80x32xf32, #tpu.memory_space<vmem>>) target(%dma_start3A_271 : memref<10000x32xf32, #tpu.memory_space<vmem_shared>>) offsets(%dma_start3A_268 : memref<80xi32, #tpu.memory_space<vmem>>) semaphore(%dma_start3A_273 : memref<!tpu.dma_semaphore, #tpu.memory_space<semaphore_mem>>) {add = true}
      %dma_start3A_274 = arith.constant 0 : i32
      %dma_start3A_275 = tpu.memref_slice %arg12[%scan3A_157, %dma_start3A_274] : memref<125x80xi32, #tpu.memory_space<vmem>> -> memref<1x80xi32, #tpu.memory_space<vmem>>
      %dma_start3A_276 = tpu.memref_squeeze %dma_start3A_275 : memref<1x80xi32, #tpu.memory_space<vmem>> -> memref<80xi32, #tpu.memory_space<vmem>>
      %dma_start3A_277 = arith.constant 0 : i32
      %dma_start3A_278 = arith.constant 0 : i32
      %dma_start3A_279 = tpu.memref_slice %arg11[%dma_start3A_277, %dma_start3A_278] : memref<10000x8xf32, #tpu.memory_space<vmem_shared>> -> memref<10000x8xf32, #tpu.memory_space<vmem_shared>>
      %dma_start3A_280 = tpu.memref_slice %arg17[%select_n3A_245] : memref<4x!tpu.dma_semaphore, #tpu.memory_space<semaphore_mem>> -> memref<1x!tpu.dma_semaphore, #tpu.memory_space<semaphore_mem>>
      %dma_start3A_281 = tpu.memref_squeeze %dma_start3A_280 : memref<1x!tpu.dma_semaphore, #tpu.memory_space<semaphore_mem>> -> memref<!tpu.dma_semaphore, #tpu.memory_space<semaphore_mem>>
      tpu.enqueue_indirect_dma source(%arg14 : memref<80x8xf32, #tpu.memory_space<vmem>>) target(%dma_start3A_279 : memref<10000x8xf32, #tpu.memory_space<vmem_shared>>) offsets(%dma_start3A_276 : memref<80xi32, #tpu.memory_space<vmem>>) semaphore(%dma_start3A_281 : memref<!tpu.dma_semaphore, #tpu.memory_space<semaphore_mem>>) {add = true}
    }
    %scan3A_59 = arith.constant 125 : i32
    %dma_wait3A = arith.constant 121 : i32
    %dma_wait3A_60 = arith.constant 1 : i32
    %dma_wait3A_61 = arith.constant 80 : i32
    %dma_wait3A_62 = arith.constant 0 : i32
    %dma_wait3A_63 = tpu.memref_slice %arg13[%dma_wait3A_61, %dma_wait3A_62] : memref<320x32xf32, #tpu.memory_space<vmem>> -> memref<80x32xf32, #tpu.memory_space<vmem>>
    %dma_wait3A_64 = arith.constant 0 : i32
    %dma_wait3A_65 = tpu.memref_slice %arg12[%dma_wait3A, %dma_wait3A_64] : memref<125x80xi32, #tpu.memory_space<vmem>> -> memref<1x80xi32, #tpu.memory_space<vmem>>
    %dma_wait3A_66 = tpu.memref_squeeze %dma_wait3A_65 : memref<1x80xi32, #tpu.memory_space<vmem>> -> memref<80xi32, #tpu.memory_space<vmem>>
    %dma_wait3A_67 = arith.constant 0 : i32
    %dma_wait3A_68 = arith.constant 0 : i32
    %dma_wait3A_69 = tpu.memref_slice %arg10[%dma_wait3A_67, %dma_wait3A_68] : memref<10000x32xf32, #tpu.memory_space<vmem_shared>> -> memref<10000x32xf32, #tpu.memory_space<vmem_shared>>
    %dma_wait3A_70 = tpu.memref_slice %arg17[%dma_wait3A_60] : memref<4x!tpu.dma_semaphore, #tpu.memory_space<semaphore_mem>> -> memref<1x!tpu.dma_semaphore, #tpu.memory_space<semaphore_mem>>
    %dma_wait3A_71 = tpu.memref_squeeze %dma_wait3A_70 : memref<1x!tpu.dma_semaphore, #tpu.memory_space<semaphore_mem>> -> memref<!tpu.dma_semaphore, #tpu.memory_space<semaphore_mem>>
    tpu.wait_indirect_dma semaphore(%dma_wait3A_71 : memref<!tpu.dma_semaphore, #tpu.memory_space<semaphore_mem>>) src(%dma_wait3A_63 : memref<80x32xf32, #tpu.memory_space<vmem>>) dst(%dma_wait3A_69 : memref<10000x32xf32, #tpu.memory_space<vmem_shared>>)
    %dma_wait3A_72 = arith.constant 121 : i32
    %dma_wait3A_73 = arith.constant 1 : i32
    %dma_wait3A_74 = arith.constant 0 : i32
    %dma_wait3A_75 = tpu.memref_slice %arg12[%dma_wait3A_72, %dma_wait3A_74] : memref<125x80xi32, #tpu.memory_space<vmem>> -> memref<1x80xi32, #tpu.memory_space<vmem>>
    %dma_wait3A_76 = tpu.memref_squeeze %dma_wait3A_75 : memref<1x80xi32, #tpu.memory_space<vmem>> -> memref<80xi32, #tpu.memory_space<vmem>>
    %dma_wait3A_77 = arith.constant 0 : i32
    %dma_wait3A_78 = arith.constant 0 : i32
    %dma_wait3A_79 = tpu.memref_slice %arg11[%dma_wait3A_77, %dma_wait3A_78] : memref<10000x8xf32, #tpu.memory_space<vmem_shared>> -> memref<10000x8xf32, #tpu.memory_space<vmem_shared>>
    %dma_wait3A_80 = tpu.memref_slice %arg17[%dma_wait3A_73] : memref<4x!tpu.dma_semaphore, #tpu.memory_space<semaphore_mem>> -> memref<1x!tpu.dma_semaphore, #tpu.memory_space<semaphore_mem>>
    %dma_wait3A_81 = tpu.memref_squeeze %dma_wait3A_80 : memref<1x!tpu.dma_semaphore, #tpu.memory_space<semaphore_mem>> -> memref<!tpu.dma_semaphore, #tpu.memory_space<semaphore_mem>>
    tpu.wait_indirect_dma semaphore(%dma_wait3A_81 : memref<!tpu.dma_semaphore, #tpu.memory_space<semaphore_mem>>) src(%arg14 : memref<80x8xf32, #tpu.memory_space<vmem>>) dst(%dma_wait3A_79 : memref<10000x8xf32, #tpu.memory_space<vmem_shared>>)
    %dma_wait3A_82 = arith.constant 122 : i32
    %dma_wait3A_83 = arith.constant 2 : i32
    %dma_wait3A_84 = arith.constant 160 : i32
    %dma_wait3A_85 = arith.constant 0 : i32
    %dma_wait3A_86 = tpu.memref_slice %arg13[%dma_wait3A_84, %dma_wait3A_85] : memref<320x32xf32, #tpu.memory_space<vmem>> -> memref<80x32xf32, #tpu.memory_space<vmem>>
    %dma_wait3A_87 = arith.constant 0 : i32
    %dma_wait3A_88 = tpu.memref_slice %arg12[%dma_wait3A_82, %dma_wait3A_87] : memref<125x80xi32, #tpu.memory_space<vmem>> -> memref<1x80xi32, #tpu.memory_space<vmem>>
    %dma_wait3A_89 = tpu.memref_squeeze %dma_wait3A_88 : memref<1x80xi32, #tpu.memory_space<vmem>> -> memref<80xi32, #tpu.memory_space<vmem>>
    %dma_wait3A_90 = arith.constant 0 : i32
    %dma_wait3A_91 = arith.constant 0 : i32
    %dma_wait3A_92 = tpu.memref_slice %arg10[%dma_wait3A_90, %dma_wait3A_91] : memref<10000x32xf32, #tpu.memory_space<vmem_shared>> -> memref<10000x32xf32, #tpu.memory_space<vmem_shared>>
    %dma_wait3A_93 = tpu.memref_slice %arg17[%dma_wait3A_83] : memref<4x!tpu.dma_semaphore, #tpu.memory_space<semaphore_mem>> -> memref<1x!tpu.dma_semaphore, #tpu.memory_space<semaphore_mem>>
    %dma_wait3A_94 = tpu.memref_squeeze %dma_wait3A_93 : memref<1x!tpu.dma_semaphore, #tpu.memory_space<semaphore_mem>> -> memref<!tpu.dma_semaphore, #tpu.memory_space<semaphore_mem>>
    tpu.wait_indirect_dma semaphore(%dma_wait3A_94 : memref<!tpu.dma_semaphore, #tpu.memory_space<semaphore_mem>>) src(%dma_wait3A_86 : memref<80x32xf32, #tpu.memory_space<vmem>>) dst(%dma_wait3A_92 : memref<10000x32xf32, #tpu.memory_space<vmem_shared>>)
    %dma_wait3A_95 = arith.constant 122 : i32
    %dma_wait3A_96 = arith.constant 2 : i32
    %dma_wait3A_97 = arith.constant 0 : i32
    %dma_wait3A_98 = tpu.memref_slice %arg12[%dma_wait3A_95, %dma_wait3A_97] : memref<125x80xi32, #tpu.memory_space<vmem>> -> memref<1x80xi32, #tpu.memory_space<vmem>>
    %dma_wait3A_99 = tpu.memref_squeeze %dma_wait3A_98 : memref<1x80xi32, #tpu.memory_space<vmem>> -> memref<80xi32, #tpu.memory_space<vmem>>
    %dma_wait3A_100 = arith.constant 0 : i32
    %dma_wait3A_101 = arith.constant 0 : i32
    %dma_wait3A_102 = tpu.memref_slice %arg11[%dma_wait3A_100, %dma_wait3A_101] : memref<10000x8xf32, #tpu.memory_space<vmem_shared>> -> memref<10000x8xf32, #tpu.memory_space<vmem_shared>>
    %dma_wait3A_103 = tpu.memref_slice %arg17[%dma_wait3A_96] : memref<4x!tpu.dma_semaphore, #tpu.memory_space<semaphore_mem>> -> memref<1x!tpu.dma_semaphore, #tpu.memory_space<semaphore_mem>>
    %dma_wait3A_104 = tpu.memref_squeeze %dma_wait3A_103 : memref<1x!tpu.dma_semaphore, #tpu.memory_space<semaphore_mem>> -> memref<!tpu.dma_semaphore, #tpu.memory_space<semaphore_mem>>
    tpu.wait_indirect_dma semaphore(%dma_wait3A_104 : memref<!tpu.dma_semaphore, #tpu.memory_space<semaphore_mem>>) src(%arg14 : memref<80x8xf32, #tpu.memory_space<vmem>>) dst(%dma_wait3A_102 : memref<10000x8xf32, #tpu.memory_space<vmem_shared>>)
    %dma_wait3A_105 = arith.constant 123 : i32
    %dma_wait3A_106 = arith.constant 3 : i32
    %dma_wait3A_107 = arith.constant 240 : i32
    %dma_wait3A_108 = arith.constant 0 : i32
    %dma_wait3A_109 = tpu.memref_slice %arg13[%dma_wait3A_107, %dma_wait3A_108] : memref<320x32xf32, #tpu.memory_space<vmem>> -> memref<80x32xf32, #tpu.memory_space<vmem>>
    %dma_wait3A_110 = arith.constant 0 : i32
    %dma_wait3A_111 = tpu.memref_slice %arg12[%dma_wait3A_105, %dma_wait3A_110] : memref<125x80xi32, #tpu.memory_space<vmem>> -> memref<1x80xi32, #tpu.memory_space<vmem>>
    %dma_wait3A_112 = tpu.memref_squeeze %dma_wait3A_111 : memref<1x80xi32, #tpu.memory_space<vmem>> -> memref<80xi32, #tpu.memory_space<vmem>>
    %dma_wait3A_113 = arith.constant 0 : i32
    %dma_wait3A_114 = arith.constant 0 : i32
    %dma_wait3A_115 = tpu.memref_slice %arg10[%dma_wait3A_113, %dma_wait3A_114] : memref<10000x32xf32, #tpu.memory_space<vmem_shared>> -> memref<10000x32xf32, #tpu.memory_space<vmem_shared>>
    %dma_wait3A_116 = tpu.memref_slice %arg17[%dma_wait3A_106] : memref<4x!tpu.dma_semaphore, #tpu.memory_space<semaphore_mem>> -> memref<1x!tpu.dma_semaphore, #tpu.memory_space<semaphore_mem>>
    %dma_wait3A_117 = tpu.memref_squeeze %dma_wait3A_116 : memref<1x!tpu.dma_semaphore, #tpu.memory_space<semaphore_mem>> -> memref<!tpu.dma_semaphore, #tpu.memory_space<semaphore_mem>>
    tpu.wait_indirect_dma semaphore(%dma_wait3A_117 : memref<!tpu.dma_semaphore, #tpu.memory_space<semaphore_mem>>) src(%dma_wait3A_109 : memref<80x32xf32, #tpu.memory_space<vmem>>) dst(%dma_wait3A_115 : memref<10000x32xf32, #tpu.memory_space<vmem_shared>>)
    %dma_wait3A_118 = arith.constant 123 : i32
    %dma_wait3A_119 = arith.constant 3 : i32
    %dma_wait3A_120 = arith.constant 0 : i32
    %dma_wait3A_121 = tpu.memref_slice %arg12[%dma_wait3A_118, %dma_wait3A_120] : memref<125x80xi32, #tpu.memory_space<vmem>> -> memref<1x80xi32, #tpu.memory_space<vmem>>
    %dma_wait3A_122 = tpu.memref_squeeze %dma_wait3A_121 : memref<1x80xi32, #tpu.memory_space<vmem>> -> memref<80xi32, #tpu.memory_space<vmem>>
    %dma_wait3A_123 = arith.constant 0 : i32
    %dma_wait3A_124 = arith.constant 0 : i32
    %dma_wait3A_125 = tpu.memref_slice %arg11[%dma_wait3A_123, %dma_wait3A_124] : memref<10000x8xf32, #tpu.memory_space<vmem_shared>> -> memref<10000x8xf32, #tpu.memory_space<vmem_shared>>
    %dma_wait3A_126 = tpu.memref_slice %arg17[%dma_wait3A_119] : memref<4x!tpu.dma_semaphore, #tpu.memory_space<semaphore_mem>> -> memref<1x!tpu.dma_semaphore, #tpu.memory_space<semaphore_mem>>
    %dma_wait3A_127 = tpu.memref_squeeze %dma_wait3A_126 : memref<1x!tpu.dma_semaphore, #tpu.memory_space<semaphore_mem>> -> memref<!tpu.dma_semaphore, #tpu.memory_space<semaphore_mem>>
    tpu.wait_indirect_dma semaphore(%dma_wait3A_127 : memref<!tpu.dma_semaphore, #tpu.memory_space<semaphore_mem>>) src(%arg14 : memref<80x8xf32, #tpu.memory_space<vmem>>) dst(%dma_wait3A_125 : memref<10000x8xf32, #tpu.memory_space<vmem_shared>>)
    %dma_wait3A_128 = arith.constant 124 : i32
    %dma_wait3A_129 = arith.constant 0 : i32
    %dma_wait3A_130 = arith.constant 0 : i32
    %dma_wait3A_131 = arith.constant 0 : i32
    %dma_wait3A_132 = tpu.memref_slice %arg13[%dma_wait3A_130, %dma_wait3A_131] : memref<320x32xf32, #tpu.memory_space<vmem>> -> memref<80x32xf32, #tpu.memory_space<vmem>>
    %dma_wait3A_133 = arith.constant 0 : i32
    %dma_wait3A_134 = tpu.memref_slice %arg12[%dma_wait3A_128, %dma_wait3A_133] : memref<125x80xi32, #tpu.memory_space<vmem>> -> memref<1x80xi32, #tpu.memory_space<vmem>>
    %dma_wait3A_135 = tpu.memref_squeeze %dma_wait3A_134 : memref<1x80xi32, #tpu.memory_space<vmem>> -> memref<80xi32, #tpu.memory_space<vmem>>
    %dma_wait3A_136 = arith.constant 0 : i32
    %dma_wait3A_137 = arith.constant 0 : i32
    %dma_wait3A_138 = tpu.memref_slice %arg10[%dma_wait3A_136, %dma_wait3A_137] : memref<10000x32xf32, #tpu.memory_space<vmem_shared>> -> memref<10000x32xf32, #tpu.memory_space<vmem_shared>>
    %dma_wait3A_139 = tpu.memref_slice %arg17[%dma_wait3A_129] : memref<4x!tpu.dma_semaphore, #tpu.memory_space<semaphore_mem>> -> memref<1x!tpu.dma_semaphore, #tpu.memory_space<semaphore_mem>>
    %dma_wait3A_140 = tpu.memref_squeeze %dma_wait3A_139 : memref<1x!tpu.dma_semaphore, #tpu.memory_space<semaphore_mem>> -> memref<!tpu.dma_semaphore, #tpu.memory_space<semaphore_mem>>
    tpu.wait_indirect_dma semaphore(%dma_wait3A_140 : memref<!tpu.dma_semaphore, #tpu.memory_space<semaphore_mem>>) src(%dma_wait3A_132 : memref<80x32xf32, #tpu.memory_space<vmem>>) dst(%dma_wait3A_138 : memref<10000x32xf32, #tpu.memory_space<vmem_shared>>)
    %dma_wait3A_141 = arith.constant 124 : i32
    %dma_wait3A_142 = arith.constant 0 : i32
    %dma_wait3A_143 = arith.constant 0 : i32
    %dma_wait3A_144 = tpu.memref_slice %arg12[%dma_wait3A_141, %dma_wait3A_143] : memref<125x80xi32, #tpu.memory_space<vmem>> -> memref<1x80xi32, #tpu.memory_space<vmem>>
    %dma_wait3A_145 = tpu.memref_squeeze %dma_wait3A_144 : memref<1x80xi32, #tpu.memory_space<vmem>> -> memref<80xi32, #tpu.memory_space<vmem>>
    %dma_wait3A_146 = arith.constant 0 : i32
    %dma_wait3A_147 = arith.constant 0 : i32
    %dma_wait3A_148 = tpu.memref_slice %arg11[%dma_wait3A_146, %dma_wait3A_147] : memref<10000x8xf32, #tpu.memory_space<vmem_shared>> -> memref<10000x8xf32, #tpu.memory_space<vmem_shared>>
    %dma_wait3A_149 = tpu.memref_slice %arg17[%dma_wait3A_142] : memref<4x!tpu.dma_semaphore, #tpu.memory_space<semaphore_mem>> -> memref<1x!tpu.dma_semaphore, #tpu.memory_space<semaphore_mem>>
    %dma_wait3A_150 = tpu.memref_squeeze %dma_wait3A_149 : memref<1x!tpu.dma_semaphore, #tpu.memory_space<semaphore_mem>> -> memref<!tpu.dma_semaphore, #tpu.memory_space<semaphore_mem>>
    tpu.wait_indirect_dma semaphore(%dma_wait3A_150 : memref<!tpu.dma_semaphore, #tpu.memory_space<semaphore_mem>>) src(%arg14 : memref<80x8xf32, #tpu.memory_space<vmem>>) dst(%dma_wait3A_148 : memref<10000x8xf32, #tpu.memory_space<vmem_shared>>)
    %barrier3A_151 = arith.constant 0 : index
    tpu.barrier barrier_id(%barrier3A_151)
    "tpu.region"() ({
      %run_scoped3A = tpu.sem_alloc : memref<!tpu.dma_semaphore, #tpu.memory_space<semaphore_mem>>
      %dma_start3A_157 = arith.constant 0 : i32
      %dma_start3A_158 = tpu.memref_slice %arg8[%arg0, %mul3A_2, %dma_start3A_157] : memref<2x10000x32xf32, #tpu.memory_space<hbm>> -> memref<1x624x32xf32, #tpu.memory_space<hbm>>
      %dma_start3A_159 = tpu.memref_squeeze %dma_start3A_158 : memref<1x624x32xf32, #tpu.memory_space<hbm>> -> memref<624x32xf32, #tpu.memory_space<hbm>>
      %dma_start3A_160 = arith.constant 0 : i32
      %dma_start3A_161 = tpu.memref_slice %arg10[%mul3A_2, %dma_start3A_160] : memref<10000x32xf32, #tpu.memory_space<vmem_shared>> -> memref<624x32xf32, #tpu.memory_space<vmem_shared>>
      tpu.enqueue_dma source(%dma_start3A_161 : memref<624x32xf32, #tpu.memory_space<vmem_shared>>) target(%dma_start3A_159 : memref<624x32xf32, #tpu.memory_space<hbm>>) target_semaphore(%run_scoped3A : memref<!tpu.dma_semaphore, #tpu.memory_space<semaphore_mem>>)
      %dma_wait3A_162 = arith.constant 0 : i32
      %dma_wait3A_163 = tpu.memref_slice %arg8[%arg0, %mul3A_2, %dma_wait3A_162] : memref<2x10000x32xf32, #tpu.memory_space<hbm>> -> memref<1x624x32xf32, #tpu.memory_space<hbm>>
      %dma_wait3A_164 = tpu.memref_squeeze %dma_wait3A_163 : memref<1x624x32xf32, #tpu.memory_space<hbm>> -> memref<624x32xf32, #tpu.memory_space<hbm>>
      %dma_wait3A_165 = arith.constant 0 : i32
      %dma_wait3A_166 = tpu.memref_slice %arg10[%mul3A_2, %dma_wait3A_165] : memref<10000x32xf32, #tpu.memory_space<vmem_shared>> -> memref<624x32xf32, #tpu.memory_space<vmem_shared>>
      tpu.wait_dma2 semaphore(%run_scoped3A : memref<!tpu.dma_semaphore, #tpu.memory_space<semaphore_mem>>) src(%dma_wait3A_166 : memref<624x32xf32, #tpu.memory_space<vmem_shared>>) dst(%dma_wait3A_164 : memref<624x32xf32, #tpu.memory_space<hbm>>)
      tpu.yield
    }) : () -> ()
    "tpu.region"() ({
      %run_scoped3A = tpu.sem_alloc : memref<!tpu.dma_semaphore, #tpu.memory_space<semaphore_mem>>
      %dma_start3A_157 = arith.constant 0 : i32
      %dma_start3A_158 = tpu.memref_slice %arg9[%arg0, %mul3A_2, %dma_start3A_157] : memref<2x10000x8xf32, #tpu.memory_space<hbm>> -> memref<1x624x8xf32, #tpu.memory_space<hbm>>
      %dma_start3A_159 = tpu.memref_squeeze %dma_start3A_158 : memref<1x624x8xf32, #tpu.memory_space<hbm>> -> memref<624x8xf32, #tpu.memory_space<hbm>>
      %dma_start3A_160 = arith.constant 0 : i32
      %dma_start3A_161 = tpu.memref_slice %arg11[%mul3A_2, %dma_start3A_160] : memref<10000x8xf32, #tpu.memory_space<vmem_shared>> -> memref<624x8xf32, #tpu.memory_space<vmem_shared>>
      tpu.enqueue_dma source(%dma_start3A_161 : memref<624x8xf32, #tpu.memory_space<vmem_shared>>) target(%dma_start3A_159 : memref<624x8xf32, #tpu.memory_space<hbm>>) target_semaphore(%run_scoped3A : memref<!tpu.dma_semaphore, #tpu.memory_space<semaphore_mem>>)
      %dma_wait3A_162 = arith.constant 0 : i32
      %dma_wait3A_163 = tpu.memref_slice %arg9[%arg0, %mul3A_2, %dma_wait3A_162] : memref<2x10000x8xf32, #tpu.memory_space<hbm>> -> memref<1x624x8xf32, #tpu.memory_space<hbm>>
      %dma_wait3A_164 = tpu.memref_squeeze %dma_wait3A_163 : memref<1x624x8xf32, #tpu.memory_space<hbm>> -> memref<624x8xf32, #tpu.memory_space<hbm>>
      %dma_wait3A_165 = arith.constant 0 : i32
      %dma_wait3A_166 = tpu.memref_slice %arg11[%mul3A_2, %dma_wait3A_165] : memref<10000x8xf32, #tpu.memory_space<vmem_shared>> -> memref<624x8xf32, #tpu.memory_space<vmem_shared>>
      tpu.wait_dma2 semaphore(%run_scoped3A : memref<!tpu.dma_semaphore, #tpu.memory_space<semaphore_mem>>) src(%dma_wait3A_166 : memref<624x8xf32, #tpu.memory_space<vmem_shared>>) dst(%dma_wait3A_164 : memref<624x8xf32, #tpu.memory_space<hbm>>)
      tpu.yield
    }) : () -> ()
    %eq3A_152 = arith.constant 15 : i32
    %eq3A_153 = arith.cmpi eq, %arg1, %eq3A_152 : i32
    %convert_element_type3A_154 = arith.extui %eq3A_153 : i1 to i32
    %cond3A_155 = arith.constant 0 : i32
    %cond3A_156 = arith.cmpi ne, %convert_element_type3A_154, %cond3A_155 : i32
    scf.if %cond3A_156 {
      "tpu.region"() ({
        %run_scoped3A = tpu.sem_alloc : memref<!tpu.dma_semaphore, #tpu.memory_space<semaphore_mem>>
        %dma_start3A_157 = arith.constant 9984 : i32
        %dma_start3A_158 = arith.constant 0 : i32
        %dma_start3A_159 = tpu.memref_slice %arg8[%arg0, %dma_start3A_157, %dma_start3A_158] : memref<2x10000x32xf32, #tpu.memory_space<hbm>> -> memref<1x16x32xf32, #tpu.memory_space<hbm>>
        %dma_start3A_160 = tpu.memref_squeeze %dma_start3A_159 : memref<1x16x32xf32, #tpu.memory_space<hbm>> -> memref<16x32xf32, #tpu.memory_space<hbm>>
        %dma_start3A_161 = arith.constant 9984 : i32
        %dma_start3A_162 = arith.constant 0 : i32
        %dma_start3A_163 = tpu.memref_slice %arg10[%dma_start3A_161, %dma_start3A_162] : memref<10000x32xf32, #tpu.memory_space<vmem_shared>> -> memref<16x32xf32, #tpu.memory_space<vmem_shared>>
        tpu.enqueue_dma source(%dma_start3A_163 : memref<16x32xf32, #tpu.memory_space<vmem_shared>>) target(%dma_start3A_160 : memref<16x32xf32, #tpu.memory_space<hbm>>) target_semaphore(%run_scoped3A : memref<!tpu.dma_semaphore, #tpu.memory_space<semaphore_mem>>)
        %dma_wait3A_164 = arith.constant 9984 : i32
        %dma_wait3A_165 = arith.constant 0 : i32
        %dma_wait3A_166 = tpu.memref_slice %arg8[%arg0, %dma_wait3A_164, %dma_wait3A_165] : memref<2x10000x32xf32, #tpu.memory_space<hbm>> -> memref<1x16x32xf32, #tpu.memory_space<hbm>>
        %dma_wait3A_167 = tpu.memref_squeeze %dma_wait3A_166 : memref<1x16x32xf32, #tpu.memory_space<hbm>> -> memref<16x32xf32, #tpu.memory_space<hbm>>
        %dma_wait3A_168 = arith.constant 9984 : i32
        %dma_wait3A_169 = arith.constant 0 : i32
        %dma_wait3A_170 = tpu.memref_slice %arg10[%dma_wait3A_168, %dma_wait3A_169] : memref<10000x32xf32, #tpu.memory_space<vmem_shared>> -> memref<16x32xf32, #tpu.memory_space<vmem_shared>>
        tpu.wait_dma2 semaphore(%run_scoped3A : memref<!tpu.dma_semaphore, #tpu.memory_space<semaphore_mem>>) src(%dma_wait3A_170 : memref<16x32xf32, #tpu.memory_space<vmem_shared>>) dst(%dma_wait3A_167 : memref<16x32xf32, #tpu.memory_space<hbm>>)
        tpu.yield
      }) : () -> ()
      "tpu.region"() ({
        %run_scoped3A = tpu.sem_alloc : memref<!tpu.dma_semaphore, #tpu.memory_space<semaphore_mem>>
        %dma_start3A_157 = arith.constant 9984 : i32
        %dma_start3A_158 = arith.constant 0 : i32
        %dma_start3A_159 = tpu.memref_slice %arg9[%arg0, %dma_start3A_157, %dma_start3A_158] : memref<2x10000x8xf32, #tpu.memory_space<hbm>> -> memref<1x16x8xf32, #tpu.memory_space<hbm>>
        %dma_start3A_160 = tpu.memref_squeeze %dma_start3A_159 : memref<1x16x8xf32, #tpu.memory_space<hbm>> -> memref<16x8xf32, #tpu.memory_space<hbm>>
        %dma_start3A_161 = arith.constant 9984 : i32
        %dma_start3A_162 = arith.constant 0 : i32
        %dma_start3A_163 = tpu.memref_slice %arg11[%dma_start3A_161, %dma_start3A_162] : memref<10000x8xf32, #tpu.memory_space<vmem_shared>> -> memref<16x8xf32, #tpu.memory_space<vmem_shared>>
        tpu.enqueue_dma source(%dma_start3A_163 : memref<16x8xf32, #tpu.memory_space<vmem_shared>>) target(%dma_start3A_160 : memref<16x8xf32, #tpu.memory_space<hbm>>) target_semaphore(%run_scoped3A : memref<!tpu.dma_semaphore, #tpu.memory_space<semaphore_mem>>)
        %dma_wait3A_164 = arith.constant 9984 : i32
        %dma_wait3A_165 = arith.constant 0 : i32
        %dma_wait3A_166 = tpu.memref_slice %arg9[%arg0, %dma_wait3A_164, %dma_wait3A_165] : memref<2x10000x8xf32, #tpu.memory_space<hbm>> -> memref<1x16x8xf32, #tpu.memory_space<hbm>>
        %dma_wait3A_167 = tpu.memref_squeeze %dma_wait3A_166 : memref<1x16x8xf32, #tpu.memory_space<hbm>> -> memref<16x8xf32, #tpu.memory_space<hbm>>
        %dma_wait3A_168 = arith.constant 9984 : i32
        %dma_wait3A_169 = arith.constant 0 : i32
        %dma_wait3A_170 = tpu.memref_slice %arg11[%dma_wait3A_168, %dma_wait3A_169] : memref<10000x8xf32, #tpu.memory_space<vmem_shared>> -> memref<16x8xf32, #tpu.memory_space<vmem_shared>>
        tpu.wait_dma2 semaphore(%run_scoped3A : memref<!tpu.dma_semaphore, #tpu.memory_space<semaphore_mem>>) src(%dma_wait3A_170 : memref<16x8xf32, #tpu.memory_space<vmem_shared>>) dst(%dma_wait3A_167 : memref<16x8xf32, #tpu.memory_space<hbm>>)
        tpu.yield
      }) : () -> ()
    } else {
    }
    return
  }
}

#map = affine_map<(d0, d1) -> (0, 0)>
#map1 = affine_map<(d0, d1) -> (0)>
module attributes {stable_mosaic.version = 14 : i64} {
  func.func @_k3_body(%arg0: i32, %arg1: i32, %arg2: memref<10000x32xi32, #tpu.memory_space<hbm>>, %arg3: memref<10000x32xf32, #tpu.memory_space<hbm>>, %arg4: memref<320000xi32, #tpu.memory_space<hbm>>, %arg5: memref<320000xi32, #tpu.memory_space<hbm>>, %arg6: memref<320000x32xi32, #tpu.memory_space<hbm>>, %arg7: memref<320000x32xf32, #tpu.memory_space<hbm>>, %arg8: memref<10000x32xi32, #tpu.memory_space<vmem_shared>>, %arg9: memref<10000x32xf32, #tpu.memory_space<vmem_shared>>, %arg10: memref<240xi32, #tpu.memory_space<vmem>>, %arg11: memref<240xi32, #tpu.memory_space<vmem>>, %arg12: memref<240x32xi32, #tpu.memory_space<vmem>>, %arg13: memref<240x32xf32, #tpu.memory_space<vmem>>, %arg14: memref<3x!tpu.dma_semaphore, #tpu.memory_space<semaphore_mem>>, %arg15: memref<3x!tpu.dma_semaphore, #tpu.memory_space<semaphore_mem>>, %arg16: memref<3x!tpu.dma_semaphore, #tpu.memory_space<semaphore_mem>>) attributes {dimension_semantics = [#tpu.dimension_semantics<core_parallel>, #tpu.dimension_semantics<subcore_parallel>], iteration_bounds = array<i64: 2, 16>, scalar_prefetch = 0 : i64, scratch_operands = 9 : i64, tpu.core_type = #tpu.core_type<sc_vector_subcore>, window_params = [{transform_indices = #map}, {transform_indices = #map}, {transform_indices = #map1}, {transform_indices = #map1}, {transform_indices = #map}, {transform_indices = #map}]} {
    %mul3A = arith.constant 2 : i32
    %mul3A_0 = arith.muli %arg1, %mul3A : i32
    %add3A = arith.addi %mul3A_0, %arg0 : i32
    %mul3A_1 = arith.constant 10000 : i32
    %mul3A_2 = arith.muli %add3A, %mul3A_1 : i32
    %eq3A = arith.constant 0 : i32
    %eq3A_3 = arith.cmpi eq, %arg1, %eq3A : i32
    %convert_element_type3A = arith.extui %eq3A_3 : i1 to i32
    %cond3A = arith.constant 0 : i32
    %cond3A_4 = arith.cmpi ne, %convert_element_type3A, %cond3A : i32
    scf.if %cond3A_4 {
      "tpu.region"() ({
        %run_scoped3A = tpu.sem_alloc : memref<!tpu.dma_semaphore, #tpu.memory_space<semaphore_mem>>
        tpu.enqueue_dma source(%arg2 : memref<10000x32xi32, #tpu.memory_space<hbm>>) target(%arg8 : memref<10000x32xi32, #tpu.memory_space<vmem_shared>>) target_semaphore(%run_scoped3A : memref<!tpu.dma_semaphore, #tpu.memory_space<semaphore_mem>>)
        tpu.wait_dma2 semaphore(%run_scoped3A : memref<!tpu.dma_semaphore, #tpu.memory_space<semaphore_mem>>) src(%arg2 : memref<10000x32xi32, #tpu.memory_space<hbm>>) dst(%arg8 : memref<10000x32xi32, #tpu.memory_space<vmem_shared>>)
        tpu.yield
      }) : () -> ()
    } else {
    }
    %eq3A_5 = arith.constant 1 : i32
    %eq3A_6 = arith.cmpi eq, %arg1, %eq3A_5 : i32
    %convert_element_type3A_7 = arith.extui %eq3A_6 : i1 to i32
    %cond3A_8 = arith.constant 0 : i32
    %cond3A_9 = arith.cmpi ne, %convert_element_type3A_7, %cond3A_8 : i32
    scf.if %cond3A_9 {
      "tpu.region"() ({
        %run_scoped3A = tpu.sem_alloc : memref<!tpu.dma_semaphore, #tpu.memory_space<semaphore_mem>>
        tpu.enqueue_dma source(%arg3 : memref<10000x32xf32, #tpu.memory_space<hbm>>) target(%arg9 : memref<10000x32xf32, #tpu.memory_space<vmem_shared>>) target_semaphore(%run_scoped3A : memref<!tpu.dma_semaphore, #tpu.memory_space<semaphore_mem>>)
        tpu.wait_dma2 semaphore(%run_scoped3A : memref<!tpu.dma_semaphore, #tpu.memory_space<semaphore_mem>>) src(%arg3 : memref<10000x32xf32, #tpu.memory_space<hbm>>) dst(%arg9 : memref<10000x32xf32, #tpu.memory_space<vmem_shared>>)
        tpu.yield
      }) : () -> ()
    } else {
    }
    %barrier3A = arith.constant 0 : index
    tpu.barrier barrier_id(%barrier3A)
    %add3A_10 = arith.constant 0 : i32
    %add3A_11 = arith.addi %mul3A_2, %add3A_10 : i32
    %dma_start3A = arith.constant 0 : i32
    %dma_start3A_12 = arith.constant 0 : i32
    %dma_start3A_13 = tpu.memref_slice %arg10[%dma_start3A_12] : memref<240xi32, #tpu.memory_space<vmem>> -> memref<80xi32, #tpu.memory_space<vmem>>
    %dma_start3A_14 = tpu.memref_slice %arg4[%add3A_11] : memref<320000xi32, #tpu.memory_space<hbm>> -> memref<80xi32, #tpu.memory_space<hbm>>
    %dma_start3A_15 = tpu.memref_slice %arg14[%dma_start3A] : memref<3x!tpu.dma_semaphore, #tpu.memory_space<semaphore_mem>> -> memref<1x!tpu.dma_semaphore, #tpu.memory_space<semaphore_mem>>
    %dma_start3A_16 = tpu.memref_squeeze %dma_start3A_15 : memref<1x!tpu.dma_semaphore, #tpu.memory_space<semaphore_mem>> -> memref<!tpu.dma_semaphore, #tpu.memory_space<semaphore_mem>>
    %dma_start3A_17 = arith.constant 0 : i32
    %dma_start3A_18 = tpu.memref_slice %arg10[%dma_start3A_17] : memref<240xi32, #tpu.memory_space<vmem>> -> memref<80xi32, #tpu.memory_space<vmem>>
    %dma_start3A_19 = tpu.memref_slice %arg4[%add3A_11] : memref<320000xi32, #tpu.memory_space<hbm>> -> memref<80xi32, #tpu.memory_space<hbm>>
    tpu.enqueue_dma source(%dma_start3A_19 : memref<80xi32, #tpu.memory_space<hbm>>) target(%dma_start3A_18 : memref<80xi32, #tpu.memory_space<vmem>>) target_semaphore(%dma_start3A_16 : memref<!tpu.dma_semaphore, #tpu.memory_space<semaphore_mem>>)
    %add3A_20 = arith.constant 0 : i32
    %add3A_21 = arith.addi %mul3A_2, %add3A_20 : i32
    %dma_start3A_22 = arith.constant 0 : i32
    %dma_start3A_23 = arith.constant 0 : i32
    %dma_start3A_24 = tpu.memref_slice %arg11[%dma_start3A_23] : memref<240xi32, #tpu.memory_space<vmem>> -> memref<80xi32, #tpu.memory_space<vmem>>
    %dma_start3A_25 = tpu.memref_slice %arg5[%add3A_21] : memref<320000xi32, #tpu.memory_space<hbm>> -> memref<80xi32, #tpu.memory_space<hbm>>
    %dma_start3A_26 = tpu.memref_slice %arg14[%dma_start3A_22] : memref<3x!tpu.dma_semaphore, #tpu.memory_space<semaphore_mem>> -> memref<1x!tpu.dma_semaphore, #tpu.memory_space<semaphore_mem>>
    %dma_start3A_27 = tpu.memref_squeeze %dma_start3A_26 : memref<1x!tpu.dma_semaphore, #tpu.memory_space<semaphore_mem>> -> memref<!tpu.dma_semaphore, #tpu.memory_space<semaphore_mem>>
    %dma_start3A_28 = arith.constant 0 : i32
    %dma_start3A_29 = tpu.memref_slice %arg11[%dma_start3A_28] : memref<240xi32, #tpu.memory_space<vmem>> -> memref<80xi32, #tpu.memory_space<vmem>>
    %dma_start3A_30 = tpu.memref_slice %arg5[%add3A_21] : memref<320000xi32, #tpu.memory_space<hbm>> -> memref<80xi32, #tpu.memory_space<hbm>>
    tpu.enqueue_dma source(%dma_start3A_30 : memref<80xi32, #tpu.memory_space<hbm>>) target(%dma_start3A_29 : memref<80xi32, #tpu.memory_space<vmem>>) target_semaphore(%dma_start3A_27 : memref<!tpu.dma_semaphore, #tpu.memory_space<semaphore_mem>>)
    %add3A_31 = arith.constant 80 : i32
    %add3A_32 = arith.addi %mul3A_2, %add3A_31 : i32
    %dma_start3A_33 = arith.constant 1 : i32
    %dma_start3A_34 = arith.constant 80 : i32
    %dma_start3A_35 = tpu.memref_slice %arg10[%dma_start3A_34] : memref<240xi32, #tpu.memory_space<vmem>> -> memref<80xi32, #tpu.memory_space<vmem>>
    %dma_start3A_36 = tpu.memref_slice %arg4[%add3A_32] : memref<320000xi32, #tpu.memory_space<hbm>> -> memref<80xi32, #tpu.memory_space<hbm>>
    %dma_start3A_37 = tpu.memref_slice %arg14[%dma_start3A_33] : memref<3x!tpu.dma_semaphore, #tpu.memory_space<semaphore_mem>> -> memref<1x!tpu.dma_semaphore, #tpu.memory_space<semaphore_mem>>
    %dma_start3A_38 = tpu.memref_squeeze %dma_start3A_37 : memref<1x!tpu.dma_semaphore, #tpu.memory_space<semaphore_mem>> -> memref<!tpu.dma_semaphore, #tpu.memory_space<semaphore_mem>>
    %dma_start3A_39 = arith.constant 80 : i32
    %dma_start3A_40 = tpu.memref_slice %arg10[%dma_start3A_39] : memref<240xi32, #tpu.memory_space<vmem>> -> memref<80xi32, #tpu.memory_space<vmem>>
    %dma_start3A_41 = tpu.memref_slice %arg4[%add3A_32] : memref<320000xi32, #tpu.memory_space<hbm>> -> memref<80xi32, #tpu.memory_space<hbm>>
    tpu.enqueue_dma source(%dma_start3A_41 : memref<80xi32, #tpu.memory_space<hbm>>) target(%dma_start3A_40 : memref<80xi32, #tpu.memory_space<vmem>>) target_semaphore(%dma_start3A_38 : memref<!tpu.dma_semaphore, #tpu.memory_space<semaphore_mem>>)
    %add3A_42 = arith.constant 80 : i32
    %add3A_43 = arith.addi %mul3A_2, %add3A_42 : i32
    %dma_start3A_44 = arith.constant 1 : i32
    %dma_start3A_45 = arith.constant 80 : i32
    %dma_start3A_46 = tpu.memref_slice %arg11[%dma_start3A_45] : memref<240xi32, #tpu.memory_space<vmem>> -> memref<80xi32, #tpu.memory_space<vmem>>
    %dma_start3A_47 = tpu.memref_slice %arg5[%add3A_43] : memref<320000xi32, #tpu.memory_space<hbm>> -> memref<80xi32, #tpu.memory_space<hbm>>
    %dma_start3A_48 = tpu.memref_slice %arg14[%dma_start3A_44] : memref<3x!tpu.dma_semaphore, #tpu.memory_space<semaphore_mem>> -> memref<1x!tpu.dma_semaphore, #tpu.memory_space<semaphore_mem>>
    %dma_start3A_49 = tpu.memref_squeeze %dma_start3A_48 : memref<1x!tpu.dma_semaphore, #tpu.memory_space<semaphore_mem>> -> memref<!tpu.dma_semaphore, #tpu.memory_space<semaphore_mem>>
    %dma_start3A_50 = arith.constant 80 : i32
    %dma_start3A_51 = tpu.memref_slice %arg11[%dma_start3A_50] : memref<240xi32, #tpu.memory_space<vmem>> -> memref<80xi32, #tpu.memory_space<vmem>>
    %dma_start3A_52 = tpu.memref_slice %arg5[%add3A_43] : memref<320000xi32, #tpu.memory_space<hbm>> -> memref<80xi32, #tpu.memory_space<hbm>>
    tpu.enqueue_dma source(%dma_start3A_52 : memref<80xi32, #tpu.memory_space<hbm>>) target(%dma_start3A_51 : memref<80xi32, #tpu.memory_space<vmem>>) target_semaphore(%dma_start3A_49 : memref<!tpu.dma_semaphore, #tpu.memory_space<semaphore_mem>>)
    %add3A_53 = arith.constant 0 : i32
    %add3A_54 = arith.addi %mul3A_2, %add3A_53 : i32
    %dma_wait3A = arith.constant 0 : i32
    %dma_wait3A_55 = arith.constant 0 : i32
    %dma_wait3A_56 = tpu.memref_slice %arg10[%dma_wait3A_55] : memref<240xi32, #tpu.memory_space<vmem>> -> memref<80xi32, #tpu.memory_space<vmem>>
    %dma_wait3A_57 = tpu.memref_slice %arg4[%add3A_54] : memref<320000xi32, #tpu.memory_space<hbm>> -> memref<80xi32, #tpu.memory_space<hbm>>
    %dma_wait3A_58 = tpu.memref_slice %arg14[%dma_wait3A] : memref<3x!tpu.dma_semaphore, #tpu.memory_space<semaphore_mem>> -> memref<1x!tpu.dma_semaphore, #tpu.memory_space<semaphore_mem>>
    %dma_wait3A_59 = tpu.memref_squeeze %dma_wait3A_58 : memref<1x!tpu.dma_semaphore, #tpu.memory_space<semaphore_mem>> -> memref<!tpu.dma_semaphore, #tpu.memory_space<semaphore_mem>>
    %dma_wait3A_60 = arith.constant 0 : i32
    %dma_wait3A_61 = tpu.memref_slice %arg10[%dma_wait3A_60] : memref<240xi32, #tpu.memory_space<vmem>> -> memref<80xi32, #tpu.memory_space<vmem>>
    %dma_wait3A_62 = tpu.memref_slice %arg4[%add3A_54] : memref<320000xi32, #tpu.memory_space<hbm>> -> memref<80xi32, #tpu.memory_space<hbm>>
    tpu.wait_dma2 semaphore(%dma_wait3A_59 : memref<!tpu.dma_semaphore, #tpu.memory_space<semaphore_mem>>) src(%dma_wait3A_62 : memref<80xi32, #tpu.memory_space<hbm>>) dst(%dma_wait3A_61 : memref<80xi32, #tpu.memory_space<vmem>>)
    %add3A_63 = arith.constant 0 : i32
    %add3A_64 = arith.addi %mul3A_2, %add3A_63 : i32
    %dma_wait3A_65 = arith.constant 0 : i32
    %dma_wait3A_66 = arith.constant 0 : i32
    %dma_wait3A_67 = tpu.memref_slice %arg11[%dma_wait3A_66] : memref<240xi32, #tpu.memory_space<vmem>> -> memref<80xi32, #tpu.memory_space<vmem>>
    %dma_wait3A_68 = tpu.memref_slice %arg5[%add3A_64] : memref<320000xi32, #tpu.memory_space<hbm>> -> memref<80xi32, #tpu.memory_space<hbm>>
    %dma_wait3A_69 = tpu.memref_slice %arg14[%dma_wait3A_65] : memref<3x!tpu.dma_semaphore, #tpu.memory_space<semaphore_mem>> -> memref<1x!tpu.dma_semaphore, #tpu.memory_space<semaphore_mem>>
    %dma_wait3A_70 = tpu.memref_squeeze %dma_wait3A_69 : memref<1x!tpu.dma_semaphore, #tpu.memory_space<semaphore_mem>> -> memref<!tpu.dma_semaphore, #tpu.memory_space<semaphore_mem>>
    %dma_wait3A_71 = arith.constant 0 : i32
    %dma_wait3A_72 = tpu.memref_slice %arg11[%dma_wait3A_71] : memref<240xi32, #tpu.memory_space<vmem>> -> memref<80xi32, #tpu.memory_space<vmem>>
    %dma_wait3A_73 = tpu.memref_slice %arg5[%add3A_64] : memref<320000xi32, #tpu.memory_space<hbm>> -> memref<80xi32, #tpu.memory_space<hbm>>
    tpu.wait_dma2 semaphore(%dma_wait3A_70 : memref<!tpu.dma_semaphore, #tpu.memory_space<semaphore_mem>>) src(%dma_wait3A_73 : memref<80xi32, #tpu.memory_space<hbm>>) dst(%dma_wait3A_72 : memref<80xi32, #tpu.memory_space<vmem>>)
    %dma_start3A_74 = arith.constant 0 : i32
    %dma_start3A_75 = arith.constant 0 : i32
    %dma_start3A_76 = arith.constant 0 : i32
    %dma_start3A_77 = tpu.memref_slice %arg12[%dma_start3A_75, %dma_start3A_76] : memref<240x32xi32, #tpu.memory_space<vmem>> -> memref<80x32xi32, #tpu.memory_space<vmem>>
    %dma_start3A_78 = arith.constant 0 : i32
    %dma_start3A_79 = tpu.memref_slice %arg10[%dma_start3A_78] : memref<240xi32, #tpu.memory_space<vmem>> -> memref<80xi32, #tpu.memory_space<vmem>>
    %dma_start3A_80 = arith.constant 0 : i32
    %dma_start3A_81 = arith.constant 0 : i32
    %dma_start3A_82 = tpu.memref_slice %arg8[%dma_start3A_80, %dma_start3A_81] : memref<10000x32xi32, #tpu.memory_space<vmem_shared>> -> memref<10000x32xi32, #tpu.memory_space<vmem_shared>>
    %dma_start3A_83 = tpu.memref_slice %arg15[%dma_start3A_74] : memref<3x!tpu.dma_semaphore, #tpu.memory_space<semaphore_mem>> -> memref<1x!tpu.dma_semaphore, #tpu.memory_space<semaphore_mem>>
    %dma_start3A_84 = tpu.memref_squeeze %dma_start3A_83 : memref<1x!tpu.dma_semaphore, #tpu.memory_space<semaphore_mem>> -> memref<!tpu.dma_semaphore, #tpu.memory_space<semaphore_mem>>
    tpu.enqueue_indirect_dma source(%dma_start3A_82 : memref<10000x32xi32, #tpu.memory_space<vmem_shared>>) target(%dma_start3A_77 : memref<80x32xi32, #tpu.memory_space<vmem>>) offsets(%dma_start3A_79 : memref<80xi32, #tpu.memory_space<vmem>>) semaphore(%dma_start3A_84 : memref<!tpu.dma_semaphore, #tpu.memory_space<semaphore_mem>>)
    %dma_start3A_85 = arith.constant 0 : i32
    %dma_start3A_86 = arith.constant 0 : i32
    %dma_start3A_87 = arith.constant 0 : i32
    %dma_start3A_88 = tpu.memref_slice %arg13[%dma_start3A_86, %dma_start3A_87] : memref<240x32xf32, #tpu.memory_space<vmem>> -> memref<80x32xf32, #tpu.memory_space<vmem>>
    %dma_start3A_89 = arith.constant 0 : i32
    %dma_start3A_90 = tpu.memref_slice %arg11[%dma_start3A_89] : memref<240xi32, #tpu.memory_space<vmem>> -> memref<80xi32, #tpu.memory_space<vmem>>
    %dma_start3A_91 = arith.constant 0 : i32
    %dma_start3A_92 = arith.constant 0 : i32
    %dma_start3A_93 = tpu.memref_slice %arg9[%dma_start3A_91, %dma_start3A_92] : memref<10000x32xf32, #tpu.memory_space<vmem_shared>> -> memref<10000x32xf32, #tpu.memory_space<vmem_shared>>
    %dma_start3A_94 = tpu.memref_slice %arg15[%dma_start3A_85] : memref<3x!tpu.dma_semaphore, #tpu.memory_space<semaphore_mem>> -> memref<1x!tpu.dma_semaphore, #tpu.memory_space<semaphore_mem>>
    %dma_start3A_95 = tpu.memref_squeeze %dma_start3A_94 : memref<1x!tpu.dma_semaphore, #tpu.memory_space<semaphore_mem>> -> memref<!tpu.dma_semaphore, #tpu.memory_space<semaphore_mem>>
    tpu.enqueue_indirect_dma source(%dma_start3A_93 : memref<10000x32xf32, #tpu.memory_space<vmem_shared>>) target(%dma_start3A_88 : memref<80x32xf32, #tpu.memory_space<vmem>>) offsets(%dma_start3A_90 : memref<80xi32, #tpu.memory_space<vmem>>) semaphore(%dma_start3A_95 : memref<!tpu.dma_semaphore, #tpu.memory_space<semaphore_mem>>)
    %scan3A = arith.constant 0 : i32
    %scan3A_96 = arith.constant 0 : i32
    %scan3A_97 = arith.constant 125 : i32
    %scan3A_98 = arith.addi %scan3A_96, %scan3A_97 : i32
    %scan3A_99 = arith.constant 1 : i32
    scf.for %scan3A_185 = %scan3A_96 to %scan3A_98 step %scan3A_99  : i32 {
      %add3A_186 = arith.constant 2 : i32
      %add3A_187 = arith.addi %scan3A_185, %add3A_186 : i32
      %add3A_188 = arith.constant 1 : i32
      %add3A_189 = arith.addi %scan3A_185, %add3A_188 : i32
      %lt3A = arith.constant 125 : i32
      %lt3A_190 = arith.cmpi slt, %add3A_187, %lt3A : i32
      %convert_element_type3A_191 = arith.extui %lt3A_190 : i1 to i32
      %cond3A_192 = arith.constant 0 : i32
      %cond3A_193 = arith.cmpi ne, %convert_element_type3A_191, %cond3A_192 : i32
      scf.if %cond3A_193 {
        %jit3A_373 = arith.constant 3 : i32
        %eq3A_374 = arith.constant 0 : i32
        %eq3A_375 = arith.cmpi eq, %jit3A_373, %eq3A_374 : i32
        %jit3A_376 = arith.constant 1 : i32
        %select_n3A_377 = arith.select %eq3A_375, %jit3A_376, %jit3A_373 : i32
        %rem3A_378 = arith.remsi %add3A_187, %select_n3A_377 : i32
        %ne3A_379 = arith.constant 0 : i32
        %ne3A_380 = arith.cmpi ne, %rem3A_378, %ne3A_379 : i32
        %lt3A_381 = arith.constant 0 : i32
        %lt3A_382 = arith.cmpi slt, %rem3A_378, %lt3A_381 : i32
        %lt3A_383 = arith.constant 0 : i32
        %lt3A_384 = arith.cmpi slt, %select_n3A_377, %lt3A_383 : i32
        %ne3A_385 = arith.xori %lt3A_382, %lt3A_384 : i1
        %and3A_386 = arith.andi %ne3A_385, %ne3A_380 : i1
        %add3A_387 = arith.addi %rem3A_378, %select_n3A_377 : i32
        %select_n3A_388 = arith.select %and3A_386, %add3A_387, %rem3A_378 : i32
        %mul3A_389 = arith.constant 80 : i32
        %mul3A_390 = arith.muli %add3A_187, %mul3A_389 : i32
        %add3A_391 = arith.addi %mul3A_2, %mul3A_390 : i32
        %jit3A_392 = arith.constant 3 : i32
        %eq3A_393 = arith.constant 0 : i32
        %eq3A_394 = arith.cmpi eq, %jit3A_392, %eq3A_393 : i32
        %jit3A_395 = arith.constant 1 : i32
        %select_n3A_396 = arith.select %eq3A_394, %jit3A_395, %jit3A_392 : i32
        %rem3A_397 = arith.remsi %add3A_187, %select_n3A_396 : i32
        %ne3A_398 = arith.constant 0 : i32
        %ne3A_399 = arith.cmpi ne, %rem3A_397, %ne3A_398 : i32
        %lt3A_400 = arith.constant 0 : i32
        %lt3A_401 = arith.cmpi slt, %rem3A_397, %lt3A_400 : i32
        %lt3A_402 = arith.constant 0 : i32
        %lt3A_403 = arith.cmpi slt, %select_n3A_396, %lt3A_402 : i32
        %ne3A_404 = arith.xori %lt3A_401, %lt3A_403 : i1
        %and3A_405 = arith.andi %ne3A_404, %ne3A_399 : i1
        %add3A_406 = arith.addi %rem3A_397, %select_n3A_396 : i32
        %select_n3A_407 = arith.select %and3A_405, %add3A_406, %rem3A_397 : i32
        %mul3A_408 = arith.constant 80 : i32
        %mul3A_409 = arith.muli %select_n3A_407, %mul3A_408 : i32
        %dma_start3A_410 = tpu.memref_slice %arg10[%mul3A_409] : memref<240xi32, #tpu.memory_space<vmem>> -> memref<80xi32, #tpu.memory_space<vmem>>
        %dma_start3A_411 = tpu.memref_slice %arg4[%add3A_391] : memref<320000xi32, #tpu.memory_space<hbm>> -> memref<80xi32, #tpu.memory_space<hbm>>
        %dma_start3A_412 = tpu.memref_slice %arg14[%select_n3A_388] : memref<3x!tpu.dma_semaphore, #tpu.memory_space<semaphore_mem>> -> memref<1x!tpu.dma_semaphore, #tpu.memory_space<semaphore_mem>>
        %dma_start3A_413 = tpu.memref_squeeze %dma_start3A_412 : memref<1x!tpu.dma_semaphore, #tpu.memory_space<semaphore_mem>> -> memref<!tpu.dma_semaphore, #tpu.memory_space<semaphore_mem>>
        %dma_start3A_414 = tpu.memref_slice %arg10[%mul3A_409] : memref<240xi32, #tpu.memory_space<vmem>> -> memref<80xi32, #tpu.memory_space<vmem>>
        %dma_start3A_415 = tpu.memref_slice %arg4[%add3A_391] : memref<320000xi32, #tpu.memory_space<hbm>> -> memref<80xi32, #tpu.memory_space<hbm>>
        tpu.enqueue_dma source(%dma_start3A_415 : memref<80xi32, #tpu.memory_space<hbm>>) target(%dma_start3A_414 : memref<80xi32, #tpu.memory_space<vmem>>) target_semaphore(%dma_start3A_413 : memref<!tpu.dma_semaphore, #tpu.memory_space<semaphore_mem>>)
        %mul3A_416 = arith.constant 80 : i32
        %mul3A_417 = arith.muli %add3A_187, %mul3A_416 : i32
        %add3A_418 = arith.addi %mul3A_2, %mul3A_417 : i32
        %jit3A_419 = arith.constant 3 : i32
        %eq3A_420 = arith.constant 0 : i32
        %eq3A_421 = arith.cmpi eq, %jit3A_419, %eq3A_420 : i32
        %jit3A_422 = arith.constant 1 : i32
        %select_n3A_423 = arith.select %eq3A_421, %jit3A_422, %jit3A_419 : i32
        %rem3A_424 = arith.remsi %add3A_187, %select_n3A_423 : i32
        %ne3A_425 = arith.constant 0 : i32
        %ne3A_426 = arith.cmpi ne, %rem3A_424, %ne3A_425 : i32
        %lt3A_427 = arith.constant 0 : i32
        %lt3A_428 = arith.cmpi slt, %rem3A_424, %lt3A_427 : i32
        %lt3A_429 = arith.constant 0 : i32
        %lt3A_430 = arith.cmpi slt, %select_n3A_423, %lt3A_429 : i32
        %ne3A_431 = arith.xori %lt3A_428, %lt3A_430 : i1
        %and3A_432 = arith.andi %ne3A_431, %ne3A_426 : i1
        %add3A_433 = arith.addi %rem3A_424, %select_n3A_423 : i32
        %select_n3A_434 = arith.select %and3A_432, %add3A_433, %rem3A_424 : i32
        %mul3A_435 = arith.constant 80 : i32
        %mul3A_436 = arith.muli %select_n3A_434, %mul3A_435 : i32
        %dma_start3A_437 = tpu.memref_slice %arg11[%mul3A_436] : memref<240xi32, #tpu.memory_space<vmem>> -> memref<80xi32, #tpu.memory_space<vmem>>
        %dma_start3A_438 = tpu.memref_slice %arg5[%add3A_418] : memref<320000xi32, #tpu.memory_space<hbm>> -> memref<80xi32, #tpu.memory_space<hbm>>
        %dma_start3A_439 = tpu.memref_slice %arg14[%select_n3A_388] : memref<3x!tpu.dma_semaphore, #tpu.memory_space<semaphore_mem>> -> memref<1x!tpu.dma_semaphore, #tpu.memory_space<semaphore_mem>>
        %dma_start3A_440 = tpu.memref_squeeze %dma_start3A_439 : memref<1x!tpu.dma_semaphore, #tpu.memory_space<semaphore_mem>> -> memref<!tpu.dma_semaphore, #tpu.memory_space<semaphore_mem>>
        %dma_start3A_441 = tpu.memref_slice %arg11[%mul3A_436] : memref<240xi32, #tpu.memory_space<vmem>> -> memref<80xi32, #tpu.memory_space<vmem>>
        %dma_start3A_442 = tpu.memref_slice %arg5[%add3A_418] : memref<320000xi32, #tpu.memory_space<hbm>> -> memref<80xi32, #tpu.memory_space<hbm>>
        tpu.enqueue_dma source(%dma_start3A_442 : memref<80xi32, #tpu.memory_space<hbm>>) target(%dma_start3A_441 : memref<80xi32, #tpu.memory_space<vmem>>) target_semaphore(%dma_start3A_440 : memref<!tpu.dma_semaphore, #tpu.memory_space<semaphore_mem>>)
      } else {
      }
      %lt3A_194 = arith.constant 125 : i32
      %lt3A_195 = arith.cmpi slt, %add3A_189, %lt3A_194 : i32
      %convert_element_type3A_196 = arith.extui %lt3A_195 : i1 to i32
      %cond3A_197 = arith.constant 0 : i32
      %cond3A_198 = arith.cmpi ne, %convert_element_type3A_196, %cond3A_197 : i32
      scf.if %cond3A_198 {
        %jit3A_373 = arith.constant 3 : i32
        %eq3A_374 = arith.constant 0 : i32
        %eq3A_375 = arith.cmpi eq, %jit3A_373, %eq3A_374 : i32
        %jit3A_376 = arith.constant 1 : i32
        %select_n3A_377 = arith.select %eq3A_375, %jit3A_376, %jit3A_373 : i32
        %rem3A_378 = arith.remsi %add3A_189, %select_n3A_377 : i32
        %ne3A_379 = arith.constant 0 : i32
        %ne3A_380 = arith.cmpi ne, %rem3A_378, %ne3A_379 : i32
        %lt3A_381 = arith.constant 0 : i32
        %lt3A_382 = arith.cmpi slt, %rem3A_378, %lt3A_381 : i32
        %lt3A_383 = arith.constant 0 : i32
        %lt3A_384 = arith.cmpi slt, %select_n3A_377, %lt3A_383 : i32
        %ne3A_385 = arith.xori %lt3A_382, %lt3A_384 : i1
        %and3A_386 = arith.andi %ne3A_385, %ne3A_380 : i1
        %add3A_387 = arith.addi %rem3A_378, %select_n3A_377 : i32
        %select_n3A_388 = arith.select %and3A_386, %add3A_387, %rem3A_378 : i32
        %mul3A_389 = arith.constant 80 : i32
        %mul3A_390 = arith.muli %add3A_189, %mul3A_389 : i32
        %add3A_391 = arith.addi %mul3A_2, %mul3A_390 : i32
        %jit3A_392 = arith.constant 3 : i32
        %eq3A_393 = arith.constant 0 : i32
        %eq3A_394 = arith.cmpi eq, %jit3A_392, %eq3A_393 : i32
        %jit3A_395 = arith.constant 1 : i32
        %select_n3A_396 = arith.select %eq3A_394, %jit3A_395, %jit3A_392 : i32
        %rem3A_397 = arith.remsi %add3A_189, %select_n3A_396 : i32
        %ne3A_398 = arith.constant 0 : i32
        %ne3A_399 = arith.cmpi ne, %rem3A_397, %ne3A_398 : i32
        %lt3A_400 = arith.constant 0 : i32
        %lt3A_401 = arith.cmpi slt, %rem3A_397, %lt3A_400 : i32
        %lt3A_402 = arith.constant 0 : i32
        %lt3A_403 = arith.cmpi slt, %select_n3A_396, %lt3A_402 : i32
        %ne3A_404 = arith.xori %lt3A_401, %lt3A_403 : i1
        %and3A_405 = arith.andi %ne3A_404, %ne3A_399 : i1
        %add3A_406 = arith.addi %rem3A_397, %select_n3A_396 : i32
        %select_n3A_407 = arith.select %and3A_405, %add3A_406, %rem3A_397 : i32
        %mul3A_408 = arith.constant 80 : i32
        %mul3A_409 = arith.muli %select_n3A_407, %mul3A_408 : i32
        %dma_wait3A_410 = tpu.memref_slice %arg10[%mul3A_409] : memref<240xi32, #tpu.memory_space<vmem>> -> memref<80xi32, #tpu.memory_space<vmem>>
        %dma_wait3A_411 = tpu.memref_slice %arg4[%add3A_391] : memref<320000xi32, #tpu.memory_space<hbm>> -> memref<80xi32, #tpu.memory_space<hbm>>
        %dma_wait3A_412 = tpu.memref_slice %arg14[%select_n3A_388] : memref<3x!tpu.dma_semaphore, #tpu.memory_space<semaphore_mem>> -> memref<1x!tpu.dma_semaphore, #tpu.memory_space<semaphore_mem>>
        %dma_wait3A_413 = tpu.memref_squeeze %dma_wait3A_412 : memref<1x!tpu.dma_semaphore, #tpu.memory_space<semaphore_mem>> -> memref<!tpu.dma_semaphore, #tpu.memory_space<semaphore_mem>>
        %dma_wait3A_414 = tpu.memref_slice %arg10[%mul3A_409] : memref<240xi32, #tpu.memory_space<vmem>> -> memref<80xi32, #tpu.memory_space<vmem>>
        %dma_wait3A_415 = tpu.memref_slice %arg4[%add3A_391] : memref<320000xi32, #tpu.memory_space<hbm>> -> memref<80xi32, #tpu.memory_space<hbm>>
        tpu.wait_dma2 semaphore(%dma_wait3A_413 : memref<!tpu.dma_semaphore, #tpu.memory_space<semaphore_mem>>) src(%dma_wait3A_415 : memref<80xi32, #tpu.memory_space<hbm>>) dst(%dma_wait3A_414 : memref<80xi32, #tpu.memory_space<vmem>>)
        %mul3A_416 = arith.constant 80 : i32
        %mul3A_417 = arith.muli %add3A_189, %mul3A_416 : i32
        %add3A_418 = arith.addi %mul3A_2, %mul3A_417 : i32
        %jit3A_419 = arith.constant 3 : i32
        %eq3A_420 = arith.constant 0 : i32
        %eq3A_421 = arith.cmpi eq, %jit3A_419, %eq3A_420 : i32
        %jit3A_422 = arith.constant 1 : i32
        %select_n3A_423 = arith.select %eq3A_421, %jit3A_422, %jit3A_419 : i32
        %rem3A_424 = arith.remsi %add3A_189, %select_n3A_423 : i32
        %ne3A_425 = arith.constant 0 : i32
        %ne3A_426 = arith.cmpi ne, %rem3A_424, %ne3A_425 : i32
        %lt3A_427 = arith.constant 0 : i32
        %lt3A_428 = arith.cmpi slt, %rem3A_424, %lt3A_427 : i32
        %lt3A_429 = arith.constant 0 : i32
        %lt3A_430 = arith.cmpi slt, %select_n3A_423, %lt3A_429 : i32
        %ne3A_431 = arith.xori %lt3A_428, %lt3A_430 : i1
        %and3A_432 = arith.andi %ne3A_431, %ne3A_426 : i1
        %add3A_433 = arith.addi %rem3A_424, %select_n3A_423 : i32
        %select_n3A_434 = arith.select %and3A_432, %add3A_433, %rem3A_424 : i32
        %mul3A_435 = arith.constant 80 : i32
        %mul3A_436 = arith.muli %select_n3A_434, %mul3A_435 : i32
        %dma_wait3A_437 = tpu.memref_slice %arg11[%mul3A_436] : memref<240xi32, #tpu.memory_space<vmem>> -> memref<80xi32, #tpu.memory_space<vmem>>
        %dma_wait3A_438 = tpu.memref_slice %arg5[%add3A_418] : memref<320000xi32, #tpu.memory_space<hbm>> -> memref<80xi32, #tpu.memory_space<hbm>>
        %dma_wait3A_439 = tpu.memref_slice %arg14[%select_n3A_388] : memref<3x!tpu.dma_semaphore, #tpu.memory_space<semaphore_mem>> -> memref<1x!tpu.dma_semaphore, #tpu.memory_space<semaphore_mem>>
        %dma_wait3A_440 = tpu.memref_squeeze %dma_wait3A_439 : memref<1x!tpu.dma_semaphore, #tpu.memory_space<semaphore_mem>> -> memref<!tpu.dma_semaphore, #tpu.memory_space<semaphore_mem>>
        %dma_wait3A_441 = tpu.memref_slice %arg11[%mul3A_436] : memref<240xi32, #tpu.memory_space<vmem>> -> memref<80xi32, #tpu.memory_space<vmem>>
        %dma_wait3A_442 = tpu.memref_slice %arg5[%add3A_418] : memref<320000xi32, #tpu.memory_space<hbm>> -> memref<80xi32, #tpu.memory_space<hbm>>
        tpu.wait_dma2 semaphore(%dma_wait3A_440 : memref<!tpu.dma_semaphore, #tpu.memory_space<semaphore_mem>>) src(%dma_wait3A_442 : memref<80xi32, #tpu.memory_space<hbm>>) dst(%dma_wait3A_441 : memref<80xi32, #tpu.memory_space<vmem>>)
        %ge3A = arith.constant 3 : i32
        %ge3A_443 = arith.cmpi sge, %add3A_189, %ge3A : i32
        %convert_element_type3A_444 = arith.extui %ge3A_443 : i1 to i32
        %cond3A_445 = arith.constant 0 : i32
        %cond3A_446 = arith.cmpi ne, %convert_element_type3A_444, %cond3A_445 : i32
        scf.if %cond3A_446 {
          %sub3A = arith.constant 3 : i32
          %sub3A_551 = arith.subi %add3A_189, %sub3A : i32
          %jit3A_552 = arith.constant 3 : i32
          %eq3A_553 = arith.constant 0 : i32
          %eq3A_554 = arith.cmpi eq, %jit3A_552, %eq3A_553 : i32
          %jit3A_555 = arith.constant 1 : i32
          %select_n3A_556 = arith.select %eq3A_554, %jit3A_555, %jit3A_552 : i32
          %rem3A_557 = arith.remsi %sub3A_551, %select_n3A_556 : i32
          %ne3A_558 = arith.constant 0 : i32
          %ne3A_559 = arith.cmpi ne, %rem3A_557, %ne3A_558 : i32
          %lt3A_560 = arith.constant 0 : i32
          %lt3A_561 = arith.cmpi slt, %rem3A_557, %lt3A_560 : i32
          %lt3A_562 = arith.constant 0 : i32
          %lt3A_563 = arith.cmpi slt, %select_n3A_556, %lt3A_562 : i32
          %ne3A_564 = arith.xori %lt3A_561, %lt3A_563 : i1
          %and3A_565 = arith.andi %ne3A_564, %ne3A_559 : i1
          %add3A_566 = arith.addi %rem3A_557, %select_n3A_556 : i32
          %select_n3A_567 = arith.select %and3A_565, %add3A_566, %rem3A_557 : i32
          %mul3A_568 = arith.constant 80 : i32
          %mul3A_569 = arith.muli %sub3A_551, %mul3A_568 : i32
          %add3A_570 = arith.addi %mul3A_2, %mul3A_569 : i32
          %jit3A_571 = arith.constant 3 : i32
          %eq3A_572 = arith.constant 0 : i32
          %eq3A_573 = arith.cmpi eq, %jit3A_571, %eq3A_572 : i32
          %jit3A_574 = arith.constant 1 : i32
          %select_n3A_575 = arith.select %eq3A_573, %jit3A_574, %jit3A_571 : i32
          %rem3A_576 = arith.remsi %sub3A_551, %select_n3A_575 : i32
          %ne3A_577 = arith.constant 0 : i32
          %ne3A_578 = arith.cmpi ne, %rem3A_576, %ne3A_577 : i32
          %lt3A_579 = arith.constant 0 : i32
          %lt3A_580 = arith.cmpi slt, %rem3A_576, %lt3A_579 : i32
          %lt3A_581 = arith.constant 0 : i32
          %lt3A_582 = arith.cmpi slt, %select_n3A_575, %lt3A_581 : i32
          %ne3A_583 = arith.xori %lt3A_580, %lt3A_582 : i1
          %and3A_584 = arith.andi %ne3A_583, %ne3A_578 : i1
          %add3A_585 = arith.addi %rem3A_576, %select_n3A_575 : i32
          %select_n3A_586 = arith.select %and3A_584, %add3A_585, %rem3A_576 : i32
          %mul3A_587 = arith.constant 80 : i32
          %mul3A_588 = arith.muli %select_n3A_586, %mul3A_587 : i32
          %dma_wait3A_589 = arith.constant 0 : i32
          %dma_wait3A_590 = tpu.memref_slice %arg12[%mul3A_588, %dma_wait3A_589] : memref<240x32xi32, #tpu.memory_space<vmem>> -> memref<80x32xi32, #tpu.memory_space<vmem>>
          %dma_wait3A_591 = arith.constant 0 : i32
          %dma_wait3A_592 = tpu.memref_slice %arg6[%add3A_570, %dma_wait3A_591] : memref<320000x32xi32, #tpu.memory_space<hbm>> -> memref<80x32xi32, #tpu.memory_space<hbm>>
          %dma_wait3A_593 = tpu.memref_slice %arg16[%select_n3A_567] : memref<3x!tpu.dma_semaphore, #tpu.memory_space<semaphore_mem>> -> memref<1x!tpu.dma_semaphore, #tpu.memory_space<semaphore_mem>>
          %dma_wait3A_594 = tpu.memref_squeeze %dma_wait3A_593 : memref<1x!tpu.dma_semaphore, #tpu.memory_space<semaphore_mem>> -> memref<!tpu.dma_semaphore, #tpu.memory_space<semaphore_mem>>
          %dma_wait3A_595 = arith.constant 0 : i32
          %dma_wait3A_596 = tpu.memref_slice %arg6[%add3A_570, %dma_wait3A_595] : memref<320000x32xi32, #tpu.memory_space<hbm>> -> memref<80x32xi32, #tpu.memory_space<hbm>>
          %dma_wait3A_597 = arith.constant 0 : i32
          %dma_wait3A_598 = tpu.memref_slice %arg12[%mul3A_588, %dma_wait3A_597] : memref<240x32xi32, #tpu.memory_space<vmem>> -> memref<80x32xi32, #tpu.memory_space<vmem>>
          tpu.wait_dma2 semaphore(%dma_wait3A_594 : memref<!tpu.dma_semaphore, #tpu.memory_space<semaphore_mem>>) src(%dma_wait3A_598 : memref<80x32xi32, #tpu.memory_space<vmem>>) dst(%dma_wait3A_596 : memref<80x32xi32, #tpu.memory_space<hbm>>)
          %jit3A_599 = arith.constant 3 : i32
          %eq3A_600 = arith.constant 0 : i32
          %eq3A_601 = arith.cmpi eq, %jit3A_599, %eq3A_600 : i32
          %jit3A_602 = arith.constant 1 : i32
          %select_n3A_603 = arith.select %eq3A_601, %jit3A_602, %jit3A_599 : i32
          %rem3A_604 = arith.remsi %sub3A_551, %select_n3A_603 : i32
          %ne3A_605 = arith.constant 0 : i32
          %ne3A_606 = arith.cmpi ne, %rem3A_604, %ne3A_605 : i32
          %lt3A_607 = arith.constant 0 : i32
          %lt3A_608 = arith.cmpi slt, %rem3A_604, %lt3A_607 : i32
          %lt3A_609 = arith.constant 0 : i32
          %lt3A_610 = arith.cmpi slt, %select_n3A_603, %lt3A_609 : i32
          %ne3A_611 = arith.xori %lt3A_608, %lt3A_610 : i1
          %and3A_612 = arith.andi %ne3A_611, %ne3A_606 : i1
          %add3A_613 = arith.addi %rem3A_604, %select_n3A_603 : i32
          %select_n3A_614 = arith.select %and3A_612, %add3A_613, %rem3A_604 : i32
          %mul3A_615 = arith.constant 80 : i32
          %mul3A_616 = arith.muli %select_n3A_614, %mul3A_615 : i32
          %dma_wait3A_617 = arith.constant 0 : i32
          %dma_wait3A_618 = tpu.memref_slice %arg13[%mul3A_616, %dma_wait3A_617] : memref<240x32xf32, #tpu.memory_space<vmem>> -> memref<80x32xf32, #tpu.memory_space<vmem>>
          %dma_wait3A_619 = arith.constant 0 : i32
          %dma_wait3A_620 = tpu.memref_slice %arg7[%add3A_570, %dma_wait3A_619] : memref<320000x32xf32, #tpu.memory_space<hbm>> -> memref<80x32xf32, #tpu.memory_space<hbm>>
          %dma_wait3A_621 = tpu.memref_slice %arg16[%select_n3A_567] : memref<3x!tpu.dma_semaphore, #tpu.memory_space<semaphore_mem>> -> memref<1x!tpu.dma_semaphore, #tpu.memory_space<semaphore_mem>>
          %dma_wait3A_622 = tpu.memref_squeeze %dma_wait3A_621 : memref<1x!tpu.dma_semaphore, #tpu.memory_space<semaphore_mem>> -> memref<!tpu.dma_semaphore, #tpu.memory_space<semaphore_mem>>
          %dma_wait3A_623 = arith.constant 0 : i32
          %dma_wait3A_624 = tpu.memref_slice %arg7[%add3A_570, %dma_wait3A_623] : memref<320000x32xf32, #tpu.memory_space<hbm>> -> memref<80x32xf32, #tpu.memory_space<hbm>>
          %dma_wait3A_625 = arith.constant 0 : i32
          %dma_wait3A_626 = tpu.memref_slice %arg13[%mul3A_616, %dma_wait3A_625] : memref<240x32xf32, #tpu.memory_space<vmem>> -> memref<80x32xf32, #tpu.memory_space<vmem>>
          tpu.wait_dma2 semaphore(%dma_wait3A_622 : memref<!tpu.dma_semaphore, #tpu.memory_space<semaphore_mem>>) src(%dma_wait3A_626 : memref<80x32xf32, #tpu.memory_space<vmem>>) dst(%dma_wait3A_624 : memref<80x32xf32, #tpu.memory_space<hbm>>)
        } else {
        }
        %jit3A_447 = arith.constant 3 : i32
        %eq3A_448 = arith.constant 0 : i32
        %eq3A_449 = arith.cmpi eq, %jit3A_447, %eq3A_448 : i32
        %jit3A_450 = arith.constant 1 : i32
        %select_n3A_451 = arith.select %eq3A_449, %jit3A_450, %jit3A_447 : i32
        %rem3A_452 = arith.remsi %add3A_189, %select_n3A_451 : i32
        %ne3A_453 = arith.constant 0 : i32
        %ne3A_454 = arith.cmpi ne, %rem3A_452, %ne3A_453 : i32
        %lt3A_455 = arith.constant 0 : i32
        %lt3A_456 = arith.cmpi slt, %rem3A_452, %lt3A_455 : i32
        %lt3A_457 = arith.constant 0 : i32
        %lt3A_458 = arith.cmpi slt, %select_n3A_451, %lt3A_457 : i32
        %ne3A_459 = arith.xori %lt3A_456, %lt3A_458 : i1
        %and3A_460 = arith.andi %ne3A_459, %ne3A_454 : i1
        %add3A_461 = arith.addi %rem3A_452, %select_n3A_451 : i32
        %select_n3A_462 = arith.select %and3A_460, %add3A_461, %rem3A_452 : i32
        %jit3A_463 = arith.constant 3 : i32
        %eq3A_464 = arith.constant 0 : i32
        %eq3A_465 = arith.cmpi eq, %jit3A_463, %eq3A_464 : i32
        %jit3A_466 = arith.constant 1 : i32
        %select_n3A_467 = arith.select %eq3A_465, %jit3A_466, %jit3A_463 : i32
        %rem3A_468 = arith.remsi %add3A_189, %select_n3A_467 : i32
        %ne3A_469 = arith.constant 0 : i32
        %ne3A_470 = arith.cmpi ne, %rem3A_468, %ne3A_469 : i32
        %lt3A_471 = arith.constant 0 : i32
        %lt3A_472 = arith.cmpi slt, %rem3A_468, %lt3A_471 : i32
        %lt3A_473 = arith.constant 0 : i32
        %lt3A_474 = arith.cmpi slt, %select_n3A_467, %lt3A_473 : i32
        %ne3A_475 = arith.xori %lt3A_472, %lt3A_474 : i1
        %and3A_476 = arith.andi %ne3A_475, %ne3A_470 : i1
        %add3A_477 = arith.addi %rem3A_468, %select_n3A_467 : i32
        %select_n3A_478 = arith.select %and3A_476, %add3A_477, %rem3A_468 : i32
        %mul3A_479 = arith.constant 80 : i32
        %mul3A_480 = arith.muli %select_n3A_478, %mul3A_479 : i32
        %jit3A_481 = arith.constant 3 : i32
        %eq3A_482 = arith.constant 0 : i32
        %eq3A_483 = arith.cmpi eq, %jit3A_481, %eq3A_482 : i32
        %jit3A_484 = arith.constant 1 : i32
        %select_n3A_485 = arith.select %eq3A_483, %jit3A_484, %jit3A_481 : i32
        %rem3A_486 = arith.remsi %add3A_189, %select_n3A_485 : i32
        %ne3A_487 = arith.constant 0 : i32
        %ne3A_488 = arith.cmpi ne, %rem3A_486, %ne3A_487 : i32
        %lt3A_489 = arith.constant 0 : i32
        %lt3A_490 = arith.cmpi slt, %rem3A_486, %lt3A_489 : i32
        %lt3A_491 = arith.constant 0 : i32
        %lt3A_492 = arith.cmpi slt, %select_n3A_485, %lt3A_491 : i32
        %ne3A_493 = arith.xori %lt3A_490, %lt3A_492 : i1
        %and3A_494 = arith.andi %ne3A_493, %ne3A_488 : i1
        %add3A_495 = arith.addi %rem3A_486, %select_n3A_485 : i32
        %select_n3A_496 = arith.select %and3A_494, %add3A_495, %rem3A_486 : i32
        %mul3A_497 = arith.constant 80 : i32
        %mul3A_498 = arith.muli %select_n3A_496, %mul3A_497 : i32
        %dma_start3A_499 = arith.constant 0 : i32
        %dma_start3A_500 = tpu.memref_slice %arg12[%mul3A_498, %dma_start3A_499] : memref<240x32xi32, #tpu.memory_space<vmem>> -> memref<80x32xi32, #tpu.memory_space<vmem>>
        %dma_start3A_501 = tpu.memref_slice %arg10[%mul3A_480] : memref<240xi32, #tpu.memory_space<vmem>> -> memref<80xi32, #tpu.memory_space<vmem>>
        %dma_start3A_502 = arith.constant 0 : i32
        %dma_start3A_503 = arith.constant 0 : i32
        %dma_start3A_504 = tpu.memref_slice %arg8[%dma_start3A_502, %dma_start3A_503] : memref<10000x32xi32, #tpu.memory_space<vmem_shared>> -> memref<10000x32xi32, #tpu.memory_space<vmem_shared>>
        %dma_start3A_505 = tpu.memref_slice %arg15[%select_n3A_462] : memref<3x!tpu.dma_semaphore, #tpu.memory_space<semaphore_mem>> -> memref<1x!tpu.dma_semaphore, #tpu.memory_space<semaphore_mem>>
        %dma_start3A_506 = tpu.memref_squeeze %dma_start3A_505 : memref<1x!tpu.dma_semaphore, #tpu.memory_space<semaphore_mem>> -> memref<!tpu.dma_semaphore, #tpu.memory_space<semaphore_mem>>
        tpu.enqueue_indirect_dma source(%dma_start3A_504 : memref<10000x32xi32, #tpu.memory_space<vmem_shared>>) target(%dma_start3A_500 : memref<80x32xi32, #tpu.memory_space<vmem>>) offsets(%dma_start3A_501 : memref<80xi32, #tpu.memory_space<vmem>>) semaphore(%dma_start3A_506 : memref<!tpu.dma_semaphore, #tpu.memory_space<semaphore_mem>>)
        %jit3A_507 = arith.constant 3 : i32
        %eq3A_508 = arith.constant 0 : i32
        %eq3A_509 = arith.cmpi eq, %jit3A_507, %eq3A_508 : i32
        %jit3A_510 = arith.constant 1 : i32
        %select_n3A_511 = arith.select %eq3A_509, %jit3A_510, %jit3A_507 : i32
        %rem3A_512 = arith.remsi %add3A_189, %select_n3A_511 : i32
        %ne3A_513 = arith.constant 0 : i32
        %ne3A_514 = arith.cmpi ne, %rem3A_512, %ne3A_513 : i32
        %lt3A_515 = arith.constant 0 : i32
        %lt3A_516 = arith.cmpi slt, %rem3A_512, %lt3A_515 : i32
        %lt3A_517 = arith.constant 0 : i32
        %lt3A_518 = arith.cmpi slt, %select_n3A_511, %lt3A_517 : i32
        %ne3A_519 = arith.xori %lt3A_516, %lt3A_518 : i1
        %and3A_520 = arith.andi %ne3A_519, %ne3A_514 : i1
        %add3A_521 = arith.addi %rem3A_512, %select_n3A_511 : i32
        %select_n3A_522 = arith.select %and3A_520, %add3A_521, %rem3A_512 : i32
        %mul3A_523 = arith.constant 80 : i32
        %mul3A_524 = arith.muli %select_n3A_522, %mul3A_523 : i32
        %jit3A_525 = arith.constant 3 : i32
        %eq3A_526 = arith.constant 0 : i32
        %eq3A_527 = arith.cmpi eq, %jit3A_525, %eq3A_526 : i32
        %jit3A_528 = arith.constant 1 : i32
        %select_n3A_529 = arith.select %eq3A_527, %jit3A_528, %jit3A_525 : i32
        %rem3A_530 = arith.remsi %add3A_189, %select_n3A_529 : i32
        %ne3A_531 = arith.constant 0 : i32
        %ne3A_532 = arith.cmpi ne, %rem3A_530, %ne3A_531 : i32
        %lt3A_533 = arith.constant 0 : i32
        %lt3A_534 = arith.cmpi slt, %rem3A_530, %lt3A_533 : i32
        %lt3A_535 = arith.constant 0 : i32
        %lt3A_536 = arith.cmpi slt, %select_n3A_529, %lt3A_535 : i32
        %ne3A_537 = arith.xori %lt3A_534, %lt3A_536 : i1
        %and3A_538 = arith.andi %ne3A_537, %ne3A_532 : i1
        %add3A_539 = arith.addi %rem3A_530, %select_n3A_529 : i32
        %select_n3A_540 = arith.select %and3A_538, %add3A_539, %rem3A_530 : i32
        %mul3A_541 = arith.constant 80 : i32
        %mul3A_542 = arith.muli %select_n3A_540, %mul3A_541 : i32
        %dma_start3A_543 = arith.constant 0 : i32
        %dma_start3A_544 = tpu.memref_slice %arg13[%mul3A_542, %dma_start3A_543] : memref<240x32xf32, #tpu.memory_space<vmem>> -> memref<80x32xf32, #tpu.memory_space<vmem>>
        %dma_start3A_545 = tpu.memref_slice %arg11[%mul3A_524] : memref<240xi32, #tpu.memory_space<vmem>> -> memref<80xi32, #tpu.memory_space<vmem>>
        %dma_start3A_546 = arith.constant 0 : i32
        %dma_start3A_547 = arith.constant 0 : i32
        %dma_start3A_548 = tpu.memref_slice %arg9[%dma_start3A_546, %dma_start3A_547] : memref<10000x32xf32, #tpu.memory_space<vmem_shared>> -> memref<10000x32xf32, #tpu.memory_space<vmem_shared>>
        %dma_start3A_549 = tpu.memref_slice %arg15[%select_n3A_462] : memref<3x!tpu.dma_semaphore, #tpu.memory_space<semaphore_mem>> -> memref<1x!tpu.dma_semaphore, #tpu.memory_space<semaphore_mem>>
        %dma_start3A_550 = tpu.memref_squeeze %dma_start3A_549 : memref<1x!tpu.dma_semaphore, #tpu.memory_space<semaphore_mem>> -> memref<!tpu.dma_semaphore, #tpu.memory_space<semaphore_mem>>
        tpu.enqueue_indirect_dma source(%dma_start3A_548 : memref<10000x32xf32, #tpu.memory_space<vmem_shared>>) target(%dma_start3A_544 : memref<80x32xf32, #tpu.memory_space<vmem>>) offsets(%dma_start3A_545 : memref<80xi32, #tpu.memory_space<vmem>>) semaphore(%dma_start3A_550 : memref<!tpu.dma_semaphore, #tpu.memory_space<semaphore_mem>>)
      } else {
      }
      %jit3A = arith.constant 3 : i32
      %eq3A_199 = arith.constant 0 : i32
      %eq3A_200 = arith.cmpi eq, %jit3A, %eq3A_199 : i32
      %jit3A_201 = arith.constant 1 : i32
      %select_n3A = arith.select %eq3A_200, %jit3A_201, %jit3A : i32
      %rem3A = arith.remsi %scan3A_185, %select_n3A : i32
      %ne3A = arith.constant 0 : i32
      %ne3A_202 = arith.cmpi ne, %rem3A, %ne3A : i32
      %lt3A_203 = arith.constant 0 : i32
      %lt3A_204 = arith.cmpi slt, %rem3A, %lt3A_203 : i32
      %lt3A_205 = arith.constant 0 : i32
      %lt3A_206 = arith.cmpi slt, %select_n3A, %lt3A_205 : i32
      %ne3A_207 = arith.xori %lt3A_204, %lt3A_206 : i1
      %and3A = arith.andi %ne3A_207, %ne3A_202 : i1
      %add3A_208 = arith.addi %rem3A, %select_n3A : i32
      %select_n3A_209 = arith.select %and3A, %add3A_208, %rem3A : i32
      %jit3A_210 = arith.constant 3 : i32
      %eq3A_211 = arith.constant 0 : i32
      %eq3A_212 = arith.cmpi eq, %jit3A_210, %eq3A_211 : i32
      %jit3A_213 = arith.constant 1 : i32
      %select_n3A_214 = arith.select %eq3A_212, %jit3A_213, %jit3A_210 : i32
      %rem3A_215 = arith.remsi %scan3A_185, %select_n3A_214 : i32
      %ne3A_216 = arith.constant 0 : i32
      %ne3A_217 = arith.cmpi ne, %rem3A_215, %ne3A_216 : i32
      %lt3A_218 = arith.constant 0 : i32
      %lt3A_219 = arith.cmpi slt, %rem3A_215, %lt3A_218 : i32
      %lt3A_220 = arith.constant 0 : i32
      %lt3A_221 = arith.cmpi slt, %select_n3A_214, %lt3A_220 : i32
      %ne3A_222 = arith.xori %lt3A_219, %lt3A_221 : i1
      %and3A_223 = arith.andi %ne3A_222, %ne3A_217 : i1
      %add3A_224 = arith.addi %rem3A_215, %select_n3A_214 : i32
      %select_n3A_225 = arith.select %and3A_223, %add3A_224, %rem3A_215 : i32
      %mul3A_226 = arith.constant 80 : i32
      %mul3A_227 = arith.muli %select_n3A_225, %mul3A_226 : i32
      %jit3A_228 = arith.constant 3 : i32
      %eq3A_229 = arith.constant 0 : i32
      %eq3A_230 = arith.cmpi eq, %jit3A_228, %eq3A_229 : i32
      %jit3A_231 = arith.constant 1 : i32
      %select_n3A_232 = arith.select %eq3A_230, %jit3A_231, %jit3A_228 : i32
      %rem3A_233 = arith.remsi %scan3A_185, %select_n3A_232 : i32
      %ne3A_234 = arith.constant 0 : i32
      %ne3A_235 = arith.cmpi ne, %rem3A_233, %ne3A_234 : i32
      %lt3A_236 = arith.constant 0 : i32
      %lt3A_237 = arith.cmpi slt, %rem3A_233, %lt3A_236 : i32
      %lt3A_238 = arith.constant 0 : i32
      %lt3A_239 = arith.cmpi slt, %select_n3A_232, %lt3A_238 : i32
      %ne3A_240 = arith.xori %lt3A_237, %lt3A_239 : i1
      %and3A_241 = arith.andi %ne3A_240, %ne3A_235 : i1
      %add3A_242 = arith.addi %rem3A_233, %select_n3A_232 : i32
      %select_n3A_243 = arith.select %and3A_241, %add3A_242, %rem3A_233 : i32
      %mul3A_244 = arith.constant 80 : i32
      %mul3A_245 = arith.muli %select_n3A_243, %mul3A_244 : i32
      %dma_wait3A_246 = arith.constant 0 : i32
      %dma_wait3A_247 = tpu.memref_slice %arg12[%mul3A_245, %dma_wait3A_246] : memref<240x32xi32, #tpu.memory_space<vmem>> -> memref<80x32xi32, #tpu.memory_space<vmem>>
      %dma_wait3A_248 = tpu.memref_slice %arg10[%mul3A_227] : memref<240xi32, #tpu.memory_space<vmem>> -> memref<80xi32, #tpu.memory_space<vmem>>
      %dma_wait3A_249 = arith.constant 0 : i32
      %dma_wait3A_250 = arith.constant 0 : i32
      %dma_wait3A_251 = tpu.memref_slice %arg8[%dma_wait3A_249, %dma_wait3A_250] : memref<10000x32xi32, #tpu.memory_space<vmem_shared>> -> memref<10000x32xi32, #tpu.memory_space<vmem_shared>>
      %dma_wait3A_252 = tpu.memref_slice %arg15[%select_n3A_209] : memref<3x!tpu.dma_semaphore, #tpu.memory_space<semaphore_mem>> -> memref<1x!tpu.dma_semaphore, #tpu.memory_space<semaphore_mem>>
      %dma_wait3A_253 = tpu.memref_squeeze %dma_wait3A_252 : memref<1x!tpu.dma_semaphore, #tpu.memory_space<semaphore_mem>> -> memref<!tpu.dma_semaphore, #tpu.memory_space<semaphore_mem>>
      tpu.wait_indirect_dma semaphore(%dma_wait3A_253 : memref<!tpu.dma_semaphore, #tpu.memory_space<semaphore_mem>>) src(%dma_wait3A_251 : memref<10000x32xi32, #tpu.memory_space<vmem_shared>>) dst(%dma_wait3A_247 : memref<80x32xi32, #tpu.memory_space<vmem>>)
      %jit3A_254 = arith.constant 3 : i32
      %eq3A_255 = arith.constant 0 : i32
      %eq3A_256 = arith.cmpi eq, %jit3A_254, %eq3A_255 : i32
      %jit3A_257 = arith.constant 1 : i32
      %select_n3A_258 = arith.select %eq3A_256, %jit3A_257, %jit3A_254 : i32
      %rem3A_259 = arith.remsi %scan3A_185, %select_n3A_258 : i32
      %ne3A_260 = arith.constant 0 : i32
      %ne3A_261 = arith.cmpi ne, %rem3A_259, %ne3A_260 : i32
      %lt3A_262 = arith.constant 0 : i32
      %lt3A_263 = arith.cmpi slt, %rem3A_259, %lt3A_262 : i32
      %lt3A_264 = arith.constant 0 : i32
      %lt3A_265 = arith.cmpi slt, %select_n3A_258, %lt3A_264 : i32
      %ne3A_266 = arith.xori %lt3A_263, %lt3A_265 : i1
      %and3A_267 = arith.andi %ne3A_266, %ne3A_261 : i1
      %add3A_268 = arith.addi %rem3A_259, %select_n3A_258 : i32
      %select_n3A_269 = arith.select %and3A_267, %add3A_268, %rem3A_259 : i32
      %mul3A_270 = arith.constant 80 : i32
      %mul3A_271 = arith.muli %select_n3A_269, %mul3A_270 : i32
      %jit3A_272 = arith.constant 3 : i32
      %eq3A_273 = arith.constant 0 : i32
      %eq3A_274 = arith.cmpi eq, %jit3A_272, %eq3A_273 : i32
      %jit3A_275 = arith.constant 1 : i32
      %select_n3A_276 = arith.select %eq3A_274, %jit3A_275, %jit3A_272 : i32
      %rem3A_277 = arith.remsi %scan3A_185, %select_n3A_276 : i32
      %ne3A_278 = arith.constant 0 : i32
      %ne3A_279 = arith.cmpi ne, %rem3A_277, %ne3A_278 : i32
      %lt3A_280 = arith.constant 0 : i32
      %lt3A_281 = arith.cmpi slt, %rem3A_277, %lt3A_280 : i32
      %lt3A_282 = arith.constant 0 : i32
      %lt3A_283 = arith.cmpi slt, %select_n3A_276, %lt3A_282 : i32
      %ne3A_284 = arith.xori %lt3A_281, %lt3A_283 : i1
      %and3A_285 = arith.andi %ne3A_284, %ne3A_279 : i1
      %add3A_286 = arith.addi %rem3A_277, %select_n3A_276 : i32
      %select_n3A_287 = arith.select %and3A_285, %add3A_286, %rem3A_277 : i32
      %mul3A_288 = arith.constant 80 : i32
      %mul3A_289 = arith.muli %select_n3A_287, %mul3A_288 : i32
      %dma_wait3A_290 = arith.constant 0 : i32
      %dma_wait3A_291 = tpu.memref_slice %arg13[%mul3A_289, %dma_wait3A_290] : memref<240x32xf32, #tpu.memory_space<vmem>> -> memref<80x32xf32, #tpu.memory_space<vmem>>
      %dma_wait3A_292 = tpu.memref_slice %arg11[%mul3A_271] : memref<240xi32, #tpu.memory_space<vmem>> -> memref<80xi32, #tpu.memory_space<vmem>>
      %dma_wait3A_293 = arith.constant 0 : i32
      %dma_wait3A_294 = arith.constant 0 : i32
      %dma_wait3A_295 = tpu.memref_slice %arg9[%dma_wait3A_293, %dma_wait3A_294] : memref<10000x32xf32, #tpu.memory_space<vmem_shared>> -> memref<10000x32xf32, #tpu.memory_space<vmem_shared>>
      %dma_wait3A_296 = tpu.memref_slice %arg15[%select_n3A_209] : memref<3x!tpu.dma_semaphore, #tpu.memory_space<semaphore_mem>> -> memref<1x!tpu.dma_semaphore, #tpu.memory_space<semaphore_mem>>
      %dma_wait3A_297 = tpu.memref_squeeze %dma_wait3A_296 : memref<1x!tpu.dma_semaphore, #tpu.memory_space<semaphore_mem>> -> memref<!tpu.dma_semaphore, #tpu.memory_space<semaphore_mem>>
      tpu.wait_indirect_dma semaphore(%dma_wait3A_297 : memref<!tpu.dma_semaphore, #tpu.memory_space<semaphore_mem>>) src(%dma_wait3A_295 : memref<10000x32xf32, #tpu.memory_space<vmem_shared>>) dst(%dma_wait3A_291 : memref<80x32xf32, #tpu.memory_space<vmem>>)
      %jit3A_298 = arith.constant 3 : i32
      %eq3A_299 = arith.constant 0 : i32
      %eq3A_300 = arith.cmpi eq, %jit3A_298, %eq3A_299 : i32
      %jit3A_301 = arith.constant 1 : i32
      %select_n3A_302 = arith.select %eq3A_300, %jit3A_301, %jit3A_298 : i32
      %rem3A_303 = arith.remsi %scan3A_185, %select_n3A_302 : i32
      %ne3A_304 = arith.constant 0 : i32
      %ne3A_305 = arith.cmpi ne, %rem3A_303, %ne3A_304 : i32
      %lt3A_306 = arith.constant 0 : i32
      %lt3A_307 = arith.cmpi slt, %rem3A_303, %lt3A_306 : i32
      %lt3A_308 = arith.constant 0 : i32
      %lt3A_309 = arith.cmpi slt, %select_n3A_302, %lt3A_308 : i32
      %ne3A_310 = arith.xori %lt3A_307, %lt3A_309 : i1
      %and3A_311 = arith.andi %ne3A_310, %ne3A_305 : i1
      %add3A_312 = arith.addi %rem3A_303, %select_n3A_302 : i32
      %select_n3A_313 = arith.select %and3A_311, %add3A_312, %rem3A_303 : i32
      %mul3A_314 = arith.constant 80 : i32
      %mul3A_315 = arith.muli %scan3A_185, %mul3A_314 : i32
      %add3A_316 = arith.addi %mul3A_2, %mul3A_315 : i32
      %jit3A_317 = arith.constant 3 : i32
      %eq3A_318 = arith.constant 0 : i32
      %eq3A_319 = arith.cmpi eq, %jit3A_317, %eq3A_318 : i32
      %jit3A_320 = arith.constant 1 : i32
      %select_n3A_321 = arith.select %eq3A_319, %jit3A_320, %jit3A_317 : i32
      %rem3A_322 = arith.remsi %scan3A_185, %select_n3A_321 : i32
      %ne3A_323 = arith.constant 0 : i32
      %ne3A_324 = arith.cmpi ne, %rem3A_322, %ne3A_323 : i32
      %lt3A_325 = arith.constant 0 : i32
      %lt3A_326 = arith.cmpi slt, %rem3A_322, %lt3A_325 : i32
      %lt3A_327 = arith.constant 0 : i32
      %lt3A_328 = arith.cmpi slt, %select_n3A_321, %lt3A_327 : i32
      %ne3A_329 = arith.xori %lt3A_326, %lt3A_328 : i1
      %and3A_330 = arith.andi %ne3A_329, %ne3A_324 : i1
      %add3A_331 = arith.addi %rem3A_322, %select_n3A_321 : i32
      %select_n3A_332 = arith.select %and3A_330, %add3A_331, %rem3A_322 : i32
      %mul3A_333 = arith.constant 80 : i32
      %mul3A_334 = arith.muli %select_n3A_332, %mul3A_333 : i32
      %dma_start3A_335 = arith.constant 0 : i32
      %dma_start3A_336 = tpu.memref_slice %arg12[%mul3A_334, %dma_start3A_335] : memref<240x32xi32, #tpu.memory_space<vmem>> -> memref<80x32xi32, #tpu.memory_space<vmem>>
      %dma_start3A_337 = arith.constant 0 : i32
      %dma_start3A_338 = tpu.memref_slice %arg6[%add3A_316, %dma_start3A_337] : memref<320000x32xi32, #tpu.memory_space<hbm>> -> memref<80x32xi32, #tpu.memory_space<hbm>>
      %dma_start3A_339 = tpu.memref_slice %arg16[%select_n3A_313] : memref<3x!tpu.dma_semaphore, #tpu.memory_space<semaphore_mem>> -> memref<1x!tpu.dma_semaphore, #tpu.memory_space<semaphore_mem>>
      %dma_start3A_340 = tpu.memref_squeeze %dma_start3A_339 : memref<1x!tpu.dma_semaphore, #tpu.memory_space<semaphore_mem>> -> memref<!tpu.dma_semaphore, #tpu.memory_space<semaphore_mem>>
      %dma_start3A_341 = arith.constant 0 : i32
      %dma_start3A_342 = tpu.memref_slice %arg6[%add3A_316, %dma_start3A_341] : memref<320000x32xi32, #tpu.memory_space<hbm>> -> memref<80x32xi32, #tpu.memory_space<hbm>>
      %dma_start3A_343 = arith.constant 0 : i32
      %dma_start3A_344 = tpu.memref_slice %arg12[%mul3A_334, %dma_start3A_343] : memref<240x32xi32, #tpu.memory_space<vmem>> -> memref<80x32xi32, #tpu.memory_space<vmem>>
      tpu.enqueue_dma source(%dma_start3A_344 : memref<80x32xi32, #tpu.memory_space<vmem>>) target(%dma_start3A_342 : memref<80x32xi32, #tpu.memory_space<hbm>>) target_semaphore(%dma_start3A_340 : memref<!tpu.dma_semaphore, #tpu.memory_space<semaphore_mem>>)
      %jit3A_345 = arith.constant 3 : i32
      %eq3A_346 = arith.constant 0 : i32
      %eq3A_347 = arith.cmpi eq, %jit3A_345, %eq3A_346 : i32
      %jit3A_348 = arith.constant 1 : i32
      %select_n3A_349 = arith.select %eq3A_347, %jit3A_348, %jit3A_345 : i32
      %rem3A_350 = arith.remsi %scan3A_185, %select_n3A_349 : i32
      %ne3A_351 = arith.constant 0 : i32
      %ne3A_352 = arith.cmpi ne, %rem3A_350, %ne3A_351 : i32
      %lt3A_353 = arith.constant 0 : i32
      %lt3A_354 = arith.cmpi slt, %rem3A_350, %lt3A_353 : i32
      %lt3A_355 = arith.constant 0 : i32
      %lt3A_356 = arith.cmpi slt, %select_n3A_349, %lt3A_355 : i32
      %ne3A_357 = arith.xori %lt3A_354, %lt3A_356 : i1
      %and3A_358 = arith.andi %ne3A_357, %ne3A_352 : i1
      %add3A_359 = arith.addi %rem3A_350, %select_n3A_349 : i32
      %select_n3A_360 = arith.select %and3A_358, %add3A_359, %rem3A_350 : i32
      %mul3A_361 = arith.constant 80 : i32
      %mul3A_362 = arith.muli %select_n3A_360, %mul3A_361 : i32
      %dma_start3A_363 = arith.constant 0 : i32
      %dma_start3A_364 = tpu.memref_slice %arg13[%mul3A_362, %dma_start3A_363] : memref<240x32xf32, #tpu.memory_space<vmem>> -> memref<80x32xf32, #tpu.memory_space<vmem>>
      %dma_start3A_365 = arith.constant 0 : i32
      %dma_start3A_366 = tpu.memref_slice %arg7[%add3A_316, %dma_start3A_365] : memref<320000x32xf32, #tpu.memory_space<hbm>> -> memref<80x32xf32, #tpu.memory_space<hbm>>
      %dma_start3A_367 = tpu.memref_slice %arg16[%select_n3A_313] : memref<3x!tpu.dma_semaphore, #tpu.memory_space<semaphore_mem>> -> memref<1x!tpu.dma_semaphore, #tpu.memory_space<semaphore_mem>>
      %dma_start3A_368 = tpu.memref_squeeze %dma_start3A_367 : memref<1x!tpu.dma_semaphore, #tpu.memory_space<semaphore_mem>> -> memref<!tpu.dma_semaphore, #tpu.memory_space<semaphore_mem>>
      %dma_start3A_369 = arith.constant 0 : i32
      %dma_start3A_370 = tpu.memref_slice %arg7[%add3A_316, %dma_start3A_369] : memref<320000x32xf32, #tpu.memory_space<hbm>> -> memref<80x32xf32, #tpu.memory_space<hbm>>
      %dma_start3A_371 = arith.constant 0 : i32
      %dma_start3A_372 = tpu.memref_slice %arg13[%mul3A_362, %dma_start3A_371] : memref<240x32xf32, #tpu.memory_space<vmem>> -> memref<80x32xf32, #tpu.memory_space<vmem>>
      tpu.enqueue_dma source(%dma_start3A_372 : memref<80x32xf32, #tpu.memory_space<vmem>>) target(%dma_start3A_370 : memref<80x32xf32, #tpu.memory_space<hbm>>) target_semaphore(%dma_start3A_368 : memref<!tpu.dma_semaphore, #tpu.memory_space<semaphore_mem>>)
    }
    %scan3A_100 = arith.constant 125 : i32
    %add3A_101 = arith.constant 9760 : i32
    %add3A_102 = arith.addi %mul3A_2, %add3A_101 : i32
    %dma_wait3A_103 = arith.constant 2 : i32
    %dma_wait3A_104 = arith.constant 160 : i32
    %dma_wait3A_105 = arith.constant 0 : i32
    %dma_wait3A_106 = tpu.memref_slice %arg12[%dma_wait3A_104, %dma_wait3A_105] : memref<240x32xi32, #tpu.memory_space<vmem>> -> memref<80x32xi32, #tpu.memory_space<vmem>>
    %dma_wait3A_107 = arith.constant 0 : i32
    %dma_wait3A_108 = tpu.memref_slice %arg6[%add3A_102, %dma_wait3A_107] : memref<320000x32xi32, #tpu.memory_space<hbm>> -> memref<80x32xi32, #tpu.memory_space<hbm>>
    %dma_wait3A_109 = tpu.memref_slice %arg16[%dma_wait3A_103] : memref<3x!tpu.dma_semaphore, #tpu.memory_space<semaphore_mem>> -> memref<1x!tpu.dma_semaphore, #tpu.memory_space<semaphore_mem>>
    %dma_wait3A_110 = tpu.memref_squeeze %dma_wait3A_109 : memref<1x!tpu.dma_semaphore, #tpu.memory_space<semaphore_mem>> -> memref<!tpu.dma_semaphore, #tpu.memory_space<semaphore_mem>>
    %dma_wait3A_111 = arith.constant 0 : i32
    %dma_wait3A_112 = tpu.memref_slice %arg6[%add3A_102, %dma_wait3A_111] : memref<320000x32xi32, #tpu.memory_space<hbm>> -> memref<80x32xi32, #tpu.memory_space<hbm>>
    %dma_wait3A_113 = arith.constant 160 : i32
    %dma_wait3A_114 = arith.constant 0 : i32
    %dma_wait3A_115 = tpu.memref_slice %arg12[%dma_wait3A_113, %dma_wait3A_114] : memref<240x32xi32, #tpu.memory_space<vmem>> -> memref<80x32xi32, #tpu.memory_space<vmem>>
    tpu.wait_dma2 semaphore(%dma_wait3A_110 : memref<!tpu.dma_semaphore, #tpu.memory_space<semaphore_mem>>) src(%dma_wait3A_115 : memref<80x32xi32, #tpu.memory_space<vmem>>) dst(%dma_wait3A_112 : memref<80x32xi32, #tpu.memory_space<hbm>>)
    %dma_wait3A_116 = arith.constant 2 : i32
    %dma_wait3A_117 = arith.constant 160 : i32
    %dma_wait3A_118 = arith.constant 0 : i32
    %dma_wait3A_119 = tpu.memref_slice %arg13[%dma_wait3A_117, %dma_wait3A_118] : memref<240x32xf32, #tpu.memory_space<vmem>> -> memref<80x32xf32, #tpu.memory_space<vmem>>
    %dma_wait3A_120 = arith.constant 0 : i32
    %dma_wait3A_121 = tpu.memref_slice %arg7[%add3A_102, %dma_wait3A_120] : memref<320000x32xf32, #tpu.memory_space<hbm>> -> memref<80x32xf32, #tpu.memory_space<hbm>>
    %dma_wait3A_122 = tpu.memref_slice %arg16[%dma_wait3A_116] : memref<3x!tpu.dma_semaphore, #tpu.memory_space<semaphore_mem>> -> memref<1x!tpu.dma_semaphore, #tpu.memory_space<semaphore_mem>>
    %dma_wait3A_123 = tpu.memref_squeeze %dma_wait3A_122 : memref<1x!tpu.dma_semaphore, #tpu.memory_space<semaphore_mem>> -> memref<!tpu.dma_semaphore, #tpu.memory_space<semaphore_mem>>
    %dma_wait3A_124 = arith.constant 0 : i32
    %dma_wait3A_125 = tpu.memref_slice %arg7[%add3A_102, %dma_wait3A_124] : memref<320000x32xf32, #tpu.memory_space<hbm>> -> memref<80x32xf32, #tpu.memory_space<hbm>>
    %dma_wait3A_126 = arith.constant 160 : i32
    %dma_wait3A_127 = arith.constant 0 : i32
    %dma_wait3A_128 = tpu.memref_slice %arg13[%dma_wait3A_126, %dma_wait3A_127] : memref<240x32xf32, #tpu.memory_space<vmem>> -> memref<80x32xf32, #tpu.memory_space<vmem>>
    tpu.wait_dma2 semaphore(%dma_wait3A_123 : memref<!tpu.dma_semaphore, #tpu.memory_space<semaphore_mem>>) src(%dma_wait3A_128 : memref<80x32xf32, #tpu.memory_space<vmem>>) dst(%dma_wait3A_125 : memref<80x32xf32, #tpu.memory_space<hbm>>)
    %add3A_129 = arith.constant 9840 : i32
    %add3A_130 = arith.addi %mul3A_2, %add3A_129 : i32
    %dma_wait3A_131 = arith.constant 0 : i32
    %dma_wait3A_132 = arith.constant 0 : i32
    %dma_wait3A_133 = arith.constant 0 : i32
    %dma_wait3A_134 = tpu.memref_slice %arg12[%dma_wait3A_132, %dma_wait3A_133] : memref<240x32xi32, #tpu.memory_space<vmem>> -> memref<80x32xi32, #tpu.memory_space<vmem>>
    %dma_wait3A_135 = arith.constant 0 : i32
    %dma_wait3A_136 = tpu.memref_slice %arg6[%add3A_130, %dma_wait3A_135] : memref<320000x32xi32, #tpu.memory_space<hbm>> -> memref<80x32xi32, #tpu.memory_space<hbm>>
    %dma_wait3A_137 = tpu.memref_slice %arg16[%dma_wait3A_131] : memref<3x!tpu.dma_semaphore, #tpu.memory_space<semaphore_mem>> -> memref<1x!tpu.dma_semaphore, #tpu.memory_space<semaphore_mem>>
    %dma_wait3A_138 = tpu.memref_squeeze %dma_wait3A_137 : memref<1x!tpu.dma_semaphore, #tpu.memory_space<semaphore_mem>> -> memref<!tpu.dma_semaphore, #tpu.memory_space<semaphore_mem>>
    %dma_wait3A_139 = arith.constant 0 : i32
    %dma_wait3A_140 = tpu.memref_slice %arg6[%add3A_130, %dma_wait3A_139] : memref<320000x32xi32, #tpu.memory_space<hbm>> -> memref<80x32xi32, #tpu.memory_space<hbm>>
    %dma_wait3A_141 = arith.constant 0 : i32
    %dma_wait3A_142 = arith.constant 0 : i32
    %dma_wait3A_143 = tpu.memref_slice %arg12[%dma_wait3A_141, %dma_wait3A_142] : memref<240x32xi32, #tpu.memory_space<vmem>> -> memref<80x32xi32, #tpu.memory_space<vmem>>
    tpu.wait_dma2 semaphore(%dma_wait3A_138 : memref<!tpu.dma_semaphore, #tpu.memory_space<semaphore_mem>>) src(%dma_wait3A_143 : memref<80x32xi32, #tpu.memory_space<vmem>>) dst(%dma_wait3A_140 : memref<80x32xi32, #tpu.memory_space<hbm>>)
    %dma_wait3A_144 = arith.constant 0 : i32
    %dma_wait3A_145 = arith.constant 0 : i32
    %dma_wait3A_146 = arith.constant 0 : i32
    %dma_wait3A_147 = tpu.memref_slice %arg13[%dma_wait3A_145, %dma_wait3A_146] : memref<240x32xf32, #tpu.memory_space<vmem>> -> memref<80x32xf32, #tpu.memory_space<vmem>>
    %dma_wait3A_148 = arith.constant 0 : i32
    %dma_wait3A_149 = tpu.memref_slice %arg7[%add3A_130, %dma_wait3A_148] : memref<320000x32xf32, #tpu.memory_space<hbm>> -> memref<80x32xf32, #tpu.memory_space<hbm>>
    %dma_wait3A_150 = tpu.memref_slice %arg16[%dma_wait3A_144] : memref<3x!tpu.dma_semaphore, #tpu.memory_space<semaphore_mem>> -> memref<1x!tpu.dma_semaphore, #tpu.memory_space<semaphore_mem>>
    %dma_wait3A_151 = tpu.memref_squeeze %dma_wait3A_150 : memref<1x!tpu.dma_semaphore, #tpu.memory_space<semaphore_mem>> -> memref<!tpu.dma_semaphore, #tpu.memory_space<semaphore_mem>>
    %dma_wait3A_152 = arith.constant 0 : i32
    %dma_wait3A_153 = tpu.memref_slice %arg7[%add3A_130, %dma_wait3A_152] : memref<320000x32xf32, #tpu.memory_space<hbm>> -> memref<80x32xf32, #tpu.memory_space<hbm>>
    %dma_wait3A_154 = arith.constant 0 : i32
    %dma_wait3A_155 = arith.constant 0 : i32
    %dma_wait3A_156 = tpu.memref_slice %arg13[%dma_wait3A_154, %dma_wait3A_155] : memref<240x32xf32, #tpu.memory_space<vmem>> -> memref<80x32xf32, #tpu.memory_space<vmem>>
    tpu.wait_dma2 semaphore(%dma_wait3A_151 : memref<!tpu.dma_semaphore, #tpu.memory_space<semaphore_mem>>) src(%dma_wait3A_156 : memref<80x32xf32, #tpu.memory_space<vmem>>) dst(%dma_wait3A_153 : memref<80x32xf32, #tpu.memory_space<hbm>>)
    %add3A_157 = arith.constant 9920 : i32
    %add3A_158 = arith.addi %mul3A_2, %add3A_157 : i32
    %dma_wait3A_159 = arith.constant 1 : i32
    %dma_wait3A_160 = arith.constant 80 : i32
    %dma_wait3A_161 = arith.constant 0 : i32
    %dma_wait3A_162 = tpu.memref_slice %arg12[%dma_wait3A_160, %dma_wait3A_161] : memref<240x32xi32, #tpu.memory_space<vmem>> -> memref<80x32xi32, #tpu.memory_space<vmem>>
    %dma_wait3A_163 = arith.constant 0 : i32
    %dma_wait3A_164 = tpu.memref_slice %arg6[%add3A_158, %dma_wait3A_163] : memref<320000x32xi32, #tpu.memory_space<hbm>> -> memref<80x32xi32, #tpu.memory_space<hbm>>
    %dma_wait3A_165 = tpu.memref_slice %arg16[%dma_wait3A_159] : memref<3x!tpu.dma_semaphore, #tpu.memory_space<semaphore_mem>> -> memref<1x!tpu.dma_semaphore, #tpu.memory_space<semaphore_mem>>
    %dma_wait3A_166 = tpu.memref_squeeze %dma_wait3A_165 : memref<1x!tpu.dma_semaphore, #tpu.memory_space<semaphore_mem>> -> memref<!tpu.dma_semaphore, #tpu.memory_space<semaphore_mem>>
    %dma_wait3A_167 = arith.constant 0 : i32
    %dma_wait3A_168 = tpu.memref_slice %arg6[%add3A_158, %dma_wait3A_167] : memref<320000x32xi32, #tpu.memory_space<hbm>> -> memref<80x32xi32, #tpu.memory_space<hbm>>
    %dma_wait3A_169 = arith.constant 80 : i32
    %dma_wait3A_170 = arith.constant 0 : i32
    %dma_wait3A_171 = tpu.memref_slice %arg12[%dma_wait3A_169, %dma_wait3A_170] : memref<240x32xi32, #tpu.memory_space<vmem>> -> memref<80x32xi32, #tpu.memory_space<vmem>>
    tpu.wait_dma2 semaphore(%dma_wait3A_166 : memref<!tpu.dma_semaphore, #tpu.memory_space<semaphore_mem>>) src(%dma_wait3A_171 : memref<80x32xi32, #tpu.memory_space<vmem>>) dst(%dma_wait3A_168 : memref<80x32xi32, #tpu.memory_space<hbm>>)
    %dma_wait3A_172 = arith.constant 1 : i32
    %dma_wait3A_173 = arith.constant 80 : i32
    %dma_wait3A_174 = arith.constant 0 : i32
    %dma_wait3A_175 = tpu.memref_slice %arg13[%dma_wait3A_173, %dma_wait3A_174] : memref<240x32xf32, #tpu.memory_space<vmem>> -> memref<80x32xf32, #tpu.memory_space<vmem>>
    %dma_wait3A_176 = arith.constant 0 : i32
    %dma_wait3A_177 = tpu.memref_slice %arg7[%add3A_158, %dma_wait3A_176] : memref<320000x32xf32, #tpu.memory_space<hbm>> -> memref<80x32xf32, #tpu.memory_space<hbm>>
    %dma_wait3A_178 = tpu.memref_slice %arg16[%dma_wait3A_172] : memref<3x!tpu.dma_semaphore, #tpu.memory_space<semaphore_mem>> -> memref<1x!tpu.dma_semaphore, #tpu.memory_space<semaphore_mem>>
    %dma_wait3A_179 = tpu.memref_squeeze %dma_wait3A_178 : memref<1x!tpu.dma_semaphore, #tpu.memory_space<semaphore_mem>> -> memref<!tpu.dma_semaphore, #tpu.memory_space<semaphore_mem>>
    %dma_wait3A_180 = arith.constant 0 : i32
    %dma_wait3A_181 = tpu.memref_slice %arg7[%add3A_158, %dma_wait3A_180] : memref<320000x32xf32, #tpu.memory_space<hbm>> -> memref<80x32xf32, #tpu.memory_space<hbm>>
    %dma_wait3A_182 = arith.constant 80 : i32
    %dma_wait3A_183 = arith.constant 0 : i32
    %dma_wait3A_184 = tpu.memref_slice %arg13[%dma_wait3A_182, %dma_wait3A_183] : memref<240x32xf32, #tpu.memory_space<vmem>> -> memref<80x32xf32, #tpu.memory_space<vmem>>
    tpu.wait_dma2 semaphore(%dma_wait3A_179 : memref<!tpu.dma_semaphore, #tpu.memory_space<semaphore_mem>>) src(%dma_wait3A_184 : memref<80x32xf32, #tpu.memory_space<vmem>>) dst(%dma_wait3A_181 : memref<80x32xf32, #tpu.memory_space<hbm>>)
    return
  }
}

module attributes {stable_mosaic.version = 14 : i64} {
  func.func @_k2_body(%arg0: memref<10000x128xf32, #tpu.memory_space<vmem>>, %arg1: memref<128x32xf32, #tpu.memory_space<vmem>>, %arg2: memref<1x32xf32, #tpu.memory_space<vmem>>, %arg3: memref<1x32xf32, #tpu.memory_space<vmem>>, %arg4: memref<1x32xf32, #tpu.memory_space<vmem>>, %arg5: memref<32x32xf32, #tpu.memory_space<vmem>>, %arg6: memref<32x32xf32, #tpu.memory_space<vmem>>, %arg7: memref<32x32xf32, #tpu.memory_space<vmem>>, %arg8: memref<1x32xf32, #tpu.memory_space<vmem>>, %arg9: memref<1x32xf32, #tpu.memory_space<vmem>>, %arg10: memref<10000x32xf32, #tpu.memory_space<vmem>>, %arg11: memref<10000x32xi32, #tpu.memory_space<vmem>>, %arg12: memref<10000x32xf32, #tpu.memory_space<vmem>>) attributes {dimension_semantics = [], scalar_prefetch = 0 : i64, scratch_operands = 0 : i64, tpu.core_type = #tpu.core_type<tc>} {
    %get3A = arith.constant 0 : index
    %get3A_0 = arith.constant 0 : index
    %get3A_1 = vector.load %arg0[%get3A, %get3A_0] : memref<10000x128xf32, #tpu.memory_space<vmem>>, vector<10000x128xf32>
    %get3A_2 = arith.constant 0 : index
    %get3A_3 = arith.constant 0 : index
    %get3A_4 = vector.load %arg1[%get3A_2, %get3A_3] : memref<128x32xf32, #tpu.memory_space<vmem>>, vector<128x32xf32>
    %dot_general3A = arith.constant dense<0.000000e+00> : vector<10000x32xf32>
    %dot_general3A_5 = tpu.matmul %get3A_1, %get3A_4, %dot_general3A {dimension_numbers = #tpu.dot_dimension_numbers<[1], [0], [0], [1], [0, 0, 1, 1], [], []>, transpose_lhs_hint = false} : vector<10000x128xf32>, vector<128x32xf32>, vector<10000x32xf32> -> vector<10000x32xf32>
    %get3A_6 = arith.constant 0 : index
    %get3A_7 = arith.constant 0 : index
    %get3A_8 = vector.load %arg2[%get3A_6, %get3A_7] : memref<1x32xf32, #tpu.memory_space<vmem>>, vector<1x32xf32>
    %add3A = vector.broadcast %get3A_8 : vector<1x32xf32> to vector<10000x32xf32>
    %add3A_9 = arith.addf %dot_general3A_5, %add3A : vector<10000x32xf32>
    %reduce_sum3A = arith.constant dense<0.000000e+00> : vector<32xf32>
    %reduce_sum3A_10 = vector.multi_reduction <add>, %add3A_9, %reduce_sum3A [0] : vector<10000x32xf32> to vector<32xf32>
    %broadcast_in_dim3A = vector.shape_cast %reduce_sum3A_10 : vector<32xf32> to vector<1x32xf32>
    %div3A = arith.constant 1.000000e+04 : f32
    %div3A_11 = vector.broadcast %div3A : f32 to vector<1x32xf32>
    %div3A_12 = arith.divf %broadcast_in_dim3A, %div3A_11 : vector<1x32xf32>
    %mul3A = arith.mulf %add3A_9, %add3A_9 : vector<10000x32xf32>
    %reduce_sum3A_13 = arith.constant dense<0.000000e+00> : vector<32xf32>
    %reduce_sum3A_14 = vector.multi_reduction <add>, %mul3A, %reduce_sum3A_13 [0] : vector<10000x32xf32> to vector<32xf32>
    %broadcast_in_dim3A_15 = vector.shape_cast %reduce_sum3A_14 : vector<32xf32> to vector<1x32xf32>
    %div3A_16 = arith.constant 1.000000e+04 : f32
    %div3A_17 = vector.broadcast %div3A_16 : f32 to vector<1x32xf32>
    %div3A_18 = arith.divf %broadcast_in_dim3A_15, %div3A_17 : vector<1x32xf32>
    %mul3A_19 = arith.mulf %div3A_12, %div3A_12 : vector<1x32xf32>
    %sub3A = arith.subf %div3A_18, %mul3A_19 : vector<1x32xf32>
    %get3A_20 = arith.constant 0 : index
    %get3A_21 = arith.constant 0 : index
    %get3A_22 = vector.load %arg3[%get3A_20, %get3A_21] : memref<1x32xf32, #tpu.memory_space<vmem>>, vector<1x32xf32>
    %add3A_23 = arith.constant 9.99999974E-6 : f32
    %add3A_24 = vector.broadcast %add3A_23 : f32 to vector<1x32xf32>
    %add3A_25 = arith.addf %sub3A, %add3A_24 : vector<1x32xf32>
    %rsqrt3A = math.rsqrt %add3A_25 : vector<1x32xf32>
    %mul3A_26 = arith.mulf %get3A_22, %rsqrt3A : vector<1x32xf32>
    %get3A_27 = arith.constant 0 : index
    %get3A_28 = arith.constant 0 : index
    %get3A_29 = vector.load %arg4[%get3A_27, %get3A_28] : memref<1x32xf32, #tpu.memory_space<vmem>>, vector<1x32xf32>
    %mul3A_30 = arith.mulf %div3A_12, %mul3A_26 : vector<1x32xf32>
    %sub3A_31 = arith.subf %get3A_29, %mul3A_30 : vector<1x32xf32>
    %mul3A_32 = vector.broadcast %mul3A_26 : vector<1x32xf32> to vector<10000x32xf32>
    %mul3A_33 = arith.mulf %add3A_9, %mul3A_32 : vector<10000x32xf32>
    %add3A_34 = vector.broadcast %sub3A_31 : vector<1x32xf32> to vector<10000x32xf32>
    %add3A_35 = arith.addf %mul3A_33, %add3A_34 : vector<10000x32xf32>
    %gt3A = arith.constant 0.000000e+00 : f32
    %gt3A_36 = vector.broadcast %gt3A : f32 to vector<10000x32xf32>
    %gt3A_37 = arith.cmpf ogt, %add3A_35, %gt3A_36 : vector<10000x32xf32>
    %exp3A = math.exp %add3A_35 : vector<10000x32xf32>
    %sub3A_38 = arith.constant 1.000000e+00 : f32
    %sub3A_39 = vector.broadcast %sub3A_38 : f32 to vector<10000x32xf32>
    %sub3A_40 = arith.subf %exp3A, %sub3A_39 : vector<10000x32xf32>
    %select_n3A = arith.select %gt3A_37, %add3A_35, %sub3A_40 : vector<10000x32xi1>, vector<10000x32xf32>
    %swap3A = arith.constant 0 : index
    %swap3A_41 = arith.constant 0 : index
    %swap3A_42 = vector.load %arg10[%swap3A, %swap3A_41] : memref<10000x32xf32, #tpu.memory_space<vmem>>, vector<10000x32xf32>
    tpu.vector_store %arg10[%swap3A, %swap3A_41], %select_n3A {strides = array<i32>} : memref<10000x32xf32, #tpu.memory_space<vmem>>, vector<10000x32xf32>,
    %get3A_43 = arith.constant 0 : index
    %get3A_44 = arith.constant 0 : index
    %get3A_45 = vector.load %arg5[%get3A_43, %get3A_44] : memref<32x32xf32, #tpu.memory_space<vmem>>, vector<32x32xf32>
    %dot_general3A_46 = arith.constant dense<0.000000e+00> : vector<10000x32xf32>
    %dot_general3A_47 = tpu.matmul %select_n3A, %get3A_45, %dot_general3A_46 {dimension_numbers = #tpu.dot_dimension_numbers<[1], [0], [0], [1], [0, 0, 1, 1], [], []>, transpose_lhs_hint = false} : vector<10000x32xf32>, vector<32x32xf32>, vector<10000x32xf32> -> vector<10000x32xf32>
    %get3A_48 = arith.constant 0 : index
    %get3A_49 = arith.constant 0 : index
    %get3A_50 = vector.load %arg8[%get3A_48, %get3A_49] : memref<1x32xf32, #tpu.memory_space<vmem>>, vector<1x32xf32>
    %add3A_51 = vector.broadcast %get3A_50 : vector<1x32xf32> to vector<10000x32xf32>
    %add3A_52 = arith.addf %dot_general3A_47, %add3A_51 : vector<10000x32xf32>
    %get3A_53 = arith.constant 0 : index
    %get3A_54 = arith.constant 0 : index
    %get3A_55 = vector.load %arg7[%get3A_53, %get3A_54] : memref<32x32xf32, #tpu.memory_space<vmem>>, vector<32x32xf32>
    %dot_general3A_56 = arith.constant dense<0.000000e+00> : vector<10000x32xf32>
    %dot_general3A_57 = tpu.matmul %select_n3A, %get3A_55, %dot_general3A_56 {dimension_numbers = #tpu.dot_dimension_numbers<[1], [0], [0], [1], [0, 0, 1, 1], [], []>, transpose_lhs_hint = false} : vector<10000x32xf32>, vector<32x32xf32>, vector<10000x32xf32> -> vector<10000x32xf32>
    %get3A_58 = arith.constant 0 : index
    %get3A_59 = arith.constant 0 : index
    %get3A_60 = vector.load %arg9[%get3A_58, %get3A_59] : memref<1x32xf32, #tpu.memory_space<vmem>>, vector<1x32xf32>
    %add3A_61 = vector.broadcast %get3A_60 : vector<1x32xf32> to vector<10000x32xf32>
    %add3A_62 = arith.addf %dot_general3A_57, %add3A_61 : vector<10000x32xf32>
    %bitcast_convert_type3A = tpu.bitcast %add3A_52 : vector<10000x32xf32> -> vector<10000x32xi32>
    %add3A_63 = arith.constant 32768 : i32
    %add3A_64 = vector.broadcast %add3A_63 : i32 to vector<10000x32xi32>
    %add3A_65 = arith.addi %bitcast_convert_type3A, %add3A_64 : vector<10000x32xi32>
    %bitcast_convert_type3A_66 = tpu.bitcast %add3A_62 : vector<10000x32xf32> -> vector<10000x32xi32>
    %add3A_67 = arith.constant 32768 : i32
    %add3A_68 = vector.broadcast %add3A_67 : i32 to vector<10000x32xi32>
    %add3A_69 = arith.addi %bitcast_convert_type3A_66, %add3A_68 : vector<10000x32xi32>
    %and3A = arith.constant -65536 : i32
    %and3A_70 = vector.broadcast %and3A : i32 to vector<10000x32xi32>
    %and3A_71 = arith.andi %add3A_65, %and3A_70 : vector<10000x32xi32>
    %shift_right_arithmetic3A = arith.constant 16 : i32
    %shift_right_arithmetic3A_72 = vector.broadcast %shift_right_arithmetic3A : i32 to vector<10000x32xi32>
    %shift_right_arithmetic3A_73 = arith.shrsi %add3A_69, %shift_right_arithmetic3A_72 : vector<10000x32xi32>
    %and3A_74 = arith.constant 65535 : i32
    %and3A_75 = vector.broadcast %and3A_74 : i32 to vector<10000x32xi32>
    %and3A_76 = arith.andi %shift_right_arithmetic3A_73, %and3A_75 : vector<10000x32xi32>
    %or3A = arith.ori %and3A_71, %and3A_76 : vector<10000x32xi32>
    %swap3A_77 = arith.constant 0 : index
    %swap3A_78 = arith.constant 0 : index
    %swap3A_79 = vector.load %arg11[%swap3A_77, %swap3A_78] : memref<10000x32xi32, #tpu.memory_space<vmem>>, vector<10000x32xi32>
    tpu.vector_store %arg11[%swap3A_77, %swap3A_78], %or3A {strides = array<i32>} : memref<10000x32xi32, #tpu.memory_space<vmem>>, vector<10000x32xi32>,
    %get3A_80 = arith.constant 0 : index
    %get3A_81 = arith.constant 0 : index
    %get3A_82 = vector.load %arg6[%get3A_80, %get3A_81] : memref<32x32xf32, #tpu.memory_space<vmem>>, vector<32x32xf32>
    %dot_general3A_83 = arith.constant dense<0.000000e+00> : vector<10000x32xf32>
    %dot_general3A_84 = tpu.matmul %select_n3A, %get3A_82, %dot_general3A_83 {dimension_numbers = #tpu.dot_dimension_numbers<[1], [0], [0], [1], [0, 0, 1, 1], [], []>, transpose_lhs_hint = false} : vector<10000x32xf32>, vector<32x32xf32>, vector<10000x32xf32> -> vector<10000x32xf32>
    %swap3A_85 = arith.constant 0 : index
    %swap3A_86 = arith.constant 0 : index
    %swap3A_87 = vector.load %arg12[%swap3A_85, %swap3A_86] : memref<10000x32xf32, #tpu.memory_space<vmem>>, vector<10000x32xf32>
    tpu.vector_store %arg12[%swap3A_85, %swap3A_86], %dot_general3A_84 {strides = array<i32>} : memref<10000x32xf32, #tpu.memory_space<vmem>>, vector<10000x32xf32>,
    return
  }
}

module attributes {stable_mosaic.version = 14 : i64} {
  func.func @_k1_body(%arg0: i32, %arg1: memref<4000x128xf32, #tpu.memory_space<vmem>>, %arg2: memref<128x32xf32, #tpu.memory_space<vmem>>, %arg3: memref<1x32xf32, #tpu.memory_space<vmem>>, %arg4: memref<4000x32xbf16, #tpu.memory_space<vmem>>, %arg5: memref<2x32xf32, #tpu.memory_space<vmem>>) attributes {dimension_semantics = [#tpu.dimension_semantics<arbitrary>], iteration_bounds = array<i64: 80>, scalar_prefetch = 0 : i64, scratch_operands = 0 : i64, tpu.core_type = #tpu.core_type<tc>, window_params = [{transform_indices = @transform_0, window_bounds = array<i64: 4000, 128>}, {pipeline_mode = #tpu.pipeline_mode<synchronous>, transform_indices = @transform_1, window_bounds = array<i64: 128, 32>}, {pipeline_mode = #tpu.pipeline_mode<synchronous>, transform_indices = @transform_2, window_bounds = array<i64: 1, 32>}, {transform_indices = @transform_3, window_bounds = array<i64: 4000, 32>}, {pipeline_mode = #tpu.pipeline_mode<synchronous>, transform_indices = @transform_4, window_bounds = array<i64: 2, 32>}]} {
    %get3A = arith.constant 0 : index
    %get3A_0 = arith.constant 0 : index
    %get3A_1 = vector.load %arg1[%get3A, %get3A_0] : memref<4000x128xf32, #tpu.memory_space<vmem>>, vector<4000x128xf32>
    %get3A_2 = arith.constant 0 : index
    %get3A_3 = arith.constant 0 : index
    %get3A_4 = vector.load %arg2[%get3A_2, %get3A_3] : memref<128x32xf32, #tpu.memory_space<vmem>>, vector<128x32xf32>
    %dot_general3A = arith.constant dense<0.000000e+00> : vector<4000x32xf32>
    %dot_general3A_5 = tpu.matmul %get3A_1, %get3A_4, %dot_general3A {dimension_numbers = #tpu.dot_dimension_numbers<[1], [0], [0], [1], [0, 0, 1, 1], [], []>, transpose_lhs_hint = false} : vector<4000x128xf32>, vector<128x32xf32>, vector<4000x32xf32> -> vector<4000x32xf32>
    %get3A_6 = arith.constant 0 : index
    %get3A_7 = arith.constant 0 : index
    %get3A_8 = vector.load %arg3[%get3A_6, %get3A_7] : memref<1x32xf32, #tpu.memory_space<vmem>>, vector<1x32xf32>
    %add3A = vector.broadcast %get3A_8 : vector<1x32xf32> to vector<4000x32xf32>
    %add3A_9 = arith.addf %dot_general3A_5, %add3A : vector<4000x32xf32>
    %convert_element_type3A = arith.truncf %add3A_9 : vector<4000x32xf32> to vector<4000x32xbf16>
    %swap3A = arith.constant 0 : index
    %swap3A_10 = arith.constant 0 : index
    %swap3A_11 = vector.load %arg4[%swap3A, %swap3A_10] : memref<4000x32xbf16, #tpu.memory_space<vmem>>, vector<4000x32xbf16>
    tpu.vector_store %arg4[%swap3A, %swap3A_10], %convert_element_type3A {strides = array<i32>} : memref<4000x32xbf16, #tpu.memory_space<vmem>>, vector<4000x32xbf16>,
    %eq3A = arith.constant 0 : i32
    %eq3A_12 = arith.cmpi eq, %arg0, %eq3A : i32
    %convert_element_type3A_13 = arith.extui %eq3A_12 : i1 to i32
    %cond3A = arith.constant 0 : i32
    %cond3A_14 = arith.cmpi ne, %convert_element_type3A_13, %cond3A : i32
    scf.if %cond3A_14 {
      %broadcast_in_dim3A_26 = arith.constant 0.000000e+00 : f32
      %broadcast_in_dim3A_27 = vector.broadcast %broadcast_in_dim3A_26 : f32 to vector<2x32xf32>
      %swap3A_28 = arith.constant 0 : index
      %swap3A_29 = arith.constant 0 : index
      %swap3A_30 = vector.load %arg5[%swap3A_28, %swap3A_29] : memref<2x32xf32, #tpu.memory_space<vmem>>, vector<2x32xf32>
      tpu.vector_store %arg5[%swap3A_28, %swap3A_29], %broadcast_in_dim3A_27 {strides = array<i32>} : memref<2x32xf32, #tpu.memory_space<vmem>>, vector<2x32xf32>,
    } else {
    }
    %reduce_sum3A = arith.constant dense<0.000000e+00> : vector<32xf32>
    %reduce_sum3A_15 = vector.multi_reduction <add>, %add3A_9, %reduce_sum3A [0] : vector<4000x32xf32> to vector<32xf32>
    %broadcast_in_dim3A = vector.shape_cast %reduce_sum3A_15 : vector<32xf32> to vector<1x32xf32>
    %mul3A = arith.mulf %add3A_9, %add3A_9 : vector<4000x32xf32>
    %reduce_sum3A_16 = arith.constant dense<0.000000e+00> : vector<32xf32>
    %reduce_sum3A_17 = vector.multi_reduction <add>, %mul3A, %reduce_sum3A_16 [0] : vector<4000x32xf32> to vector<32xf32>
    %broadcast_in_dim3A_18 = vector.shape_cast %reduce_sum3A_17 : vector<32xf32> to vector<1x32xf32>
    %get3A_19 = arith.constant 0 : index
    %get3A_20 = arith.constant 0 : index
    %get3A_21 = vector.load %arg5[%get3A_19, %get3A_20] : memref<2x32xf32, #tpu.memory_space<vmem>>, vector<2x32xf32>
    %concatenate3A = tpu.concatenate %broadcast_in_dim3A, %broadcast_in_dim3A_18 in 0 : vector<1x32xf32>, vector<1x32xf32> -> vector<2x32xf32>
    %add3A_22 = arith.addf %get3A_21, %concatenate3A : vector<2x32xf32>
    %swap3A_23 = arith.constant 0 : index
    %swap3A_24 = arith.constant 0 : index
    %swap3A_25 = vector.load %arg5[%swap3A_23, %swap3A_24] : memref<2x32xf32, #tpu.memory_space<vmem>>, vector<2x32xf32>
    tpu.vector_store %arg5[%swap3A_23, %swap3A_24], %add3A_22 {strides = array<i32>} : memref<2x32xf32, #tpu.memory_space<vmem>>, vector<2x32xf32>,
    return
  }
  func.func @transform_0(%arg0: i32) -> (i32, i32) {
    %c0_i32 = arith.constant 0 : i32
    %c0_i32_0 = arith.constant 0 : i32
    return %arg0, %c0_i32 : i32, i32
  }
  func.func @transform_1(%arg0: i32) -> (i32, i32) {
    %c0_i32 = arith.constant 0 : i32
    %c0_i32_0 = arith.constant 0 : i32
    %c0_i32_1 = arith.constant 0 : i32
    return %c0_i32, %c0_i32_0 : i32, i32
  }
  func.func @transform_2(%arg0: i32) -> (i32, i32) {
    %c0_i32 = arith.constant 0 : i32
    %c0_i32_0 = arith.constant 0 : i32
    %c0_i32_1 = arith.constant 0 : i32
    return %c0_i32, %c0_i32_0 : i32, i32
  }
  func.func @transform_3(%arg0: i32) -> (i32, i32) {
    %c0_i32 = arith.constant 0 : i32
    %c0_i32_0 = arith.constant 0 : i32
    return %arg0, %c0_i32 : i32, i32
  }
  func.func @transform_4(%arg0: i32) -> (i32, i32) {
    %c0_i32 = arith.constant 0 : i32
    %c0_i32_0 = arith.constant 0 : i32
    %c0_i32_1 = arith.constant 0 : i32
    return %c0_i32, %c0_i32_0 : i32, i32
  }
}

module attributes {stable_mosaic.version = 14 : i64} {
  func.func @_k4_body(%arg0: i32, %arg1: memref<4000x32xbf16, #tpu.memory_space<vmem>>, %arg2: memref<4000x32xi32, #tpu.memory_space<vmem>>, %arg3: memref<4000x32xf32, #tpu.memory_space<vmem>>, %arg4: memref<2x32xf32, #tpu.memory_space<vmem>>, %arg5: memref<1x32xf32, #tpu.memory_space<vmem>>, %arg6: memref<1x32xf32, #tpu.memory_space<vmem>>, %arg7: memref<32x32xf32, #tpu.memory_space<vmem>>, %arg8: memref<4000x32xbf16, #tpu.memory_space<vmem>>, %arg9: memref<2x32xf32, #tpu.memory_space<vmem>>) attributes {dimension_semantics = [#tpu.dimension_semantics<arbitrary>], iteration_bounds = array<i64: 80>, scalar_prefetch = 0 : i64, scratch_operands = 0 : i64, tpu.core_type = #tpu.core_type<tc>, window_params = [{transform_indices = @transform_0, window_bounds = array<i64: 4000, 32>}, {transform_indices = @transform_1, window_bounds = array<i64: 4000, 32>}, {transform_indices = @transform_2, window_bounds = array<i64: 4000, 32>}, {pipeline_mode = #tpu.pipeline_mode<synchronous>, transform_indices = @transform_3, window_bounds = array<i64: 2, 32>}, {pipeline_mode = #tpu.pipeline_mode<synchronous>, transform_indices = @transform_4, window_bounds = array<i64: 1, 32>}, {pipeline_mode = #tpu.pipeline_mode<synchronous>, transform_indices = @transform_5, window_bounds = array<i64: 1, 32>}, {pipeline_mode = #tpu.pipeline_mode<synchronous>, transform_indices = @transform_6, window_bounds = array<i64: 32, 32>}, {transform_indices = @transform_7, window_bounds = array<i64: 4000, 32>}, {pipeline_mode = #tpu.pipeline_mode<synchronous>, transform_indices = @transform_8, window_bounds = array<i64: 2, 32>}]} {
    %get3A = arith.constant 0 : index
    %get3A_0 = arith.constant 0 : index
    %get3A_1 = vector.load %arg4[%get3A, %get3A_0] : memref<2x32xf32, #tpu.memory_space<vmem>>, vector<1x32xf32>
    %mul3A = arith.constant 3.125000e-06 : f32
    %mul3A_2 = vector.broadcast %mul3A : f32 to vector<1x32xf32>
    %mul3A_3 = arith.mulf %get3A_1, %mul3A_2 : vector<1x32xf32>
    %get3A_4 = arith.constant 1 : index
    %get3A_5 = arith.constant 0 : index
    %get3A_6 = vector.load %arg4[%get3A_4, %get3A_5] : memref<2x32xf32, #tpu.memory_space<vmem>>, vector<1x32xf32>
    %mul3A_7 = arith.constant 3.125000e-06 : f32
    %mul3A_8 = vector.broadcast %mul3A_7 : f32 to vector<1x32xf32>
    %mul3A_9 = arith.mulf %get3A_6, %mul3A_8 : vector<1x32xf32>
    %mul3A_10 = arith.mulf %mul3A_3, %mul3A_3 : vector<1x32xf32>
    %sub3A = arith.subf %mul3A_9, %mul3A_10 : vector<1x32xf32>
    %get3A_11 = arith.constant 0 : index
    %get3A_12 = arith.constant 0 : index
    %get3A_13 = vector.load %arg5[%get3A_11, %get3A_12] : memref<1x32xf32, #tpu.memory_space<vmem>>, vector<1x32xf32>
    %add3A = arith.constant 9.99999974E-6 : f32
    %add3A_14 = vector.broadcast %add3A : f32 to vector<1x32xf32>
    %add3A_15 = arith.addf %sub3A, %add3A_14 : vector<1x32xf32>
    %rsqrt3A = math.rsqrt %add3A_15 : vector<1x32xf32>
    %mul3A_16 = arith.mulf %get3A_13, %rsqrt3A : vector<1x32xf32>
    %get3A_17 = arith.constant 0 : index
    %get3A_18 = arith.constant 0 : index
    %get3A_19 = vector.load %arg6[%get3A_17, %get3A_18] : memref<1x32xf32, #tpu.memory_space<vmem>>, vector<1x32xf32>
    %mul3A_20 = arith.mulf %mul3A_3, %mul3A_16 : vector<1x32xf32>
    %sub3A_21 = arith.subf %get3A_19, %mul3A_20 : vector<1x32xf32>
    %get3A_22 = arith.constant 0 : index
    %get3A_23 = arith.constant 0 : index
    %get3A_24 = vector.load %arg1[%get3A_22, %get3A_23] : memref<4000x32xbf16, #tpu.memory_space<vmem>>, vector<4000x32xbf16>
    %convert_element_type3A = arith.extf %get3A_24 : vector<4000x32xbf16> to vector<4000x32xf32>
    %mul3A_25 = vector.broadcast %mul3A_16 : vector<1x32xf32> to vector<4000x32xf32>
    %mul3A_26 = arith.mulf %convert_element_type3A, %mul3A_25 : vector<4000x32xf32>
    %add3A_27 = vector.broadcast %sub3A_21 : vector<1x32xf32> to vector<4000x32xf32>
    %add3A_28 = arith.addf %mul3A_26, %add3A_27 : vector<4000x32xf32>
    %gt3A = arith.constant 0.000000e+00 : f32
    %gt3A_29 = vector.broadcast %gt3A : f32 to vector<4000x32xf32>
    %gt3A_30 = arith.cmpf ogt, %add3A_28, %gt3A_29 : vector<4000x32xf32>
    %exp3A = math.exp %add3A_28 : vector<4000x32xf32>
    %sub3A_31 = arith.constant 1.000000e+00 : f32
    %sub3A_32 = vector.broadcast %sub3A_31 : f32 to vector<4000x32xf32>
    %sub3A_33 = arith.subf %exp3A, %sub3A_32 : vector<4000x32xf32>
    %select_n3A = arith.select %gt3A_30, %add3A_28, %sub3A_33 : vector<4000x32xi1>, vector<4000x32xf32>
    %get3A_34 = arith.constant 0 : index
    %get3A_35 = arith.constant 0 : index
    %get3A_36 = vector.load %arg2[%get3A_34, %get3A_35] : memref<4000x32xi32, #tpu.memory_space<vmem>>, vector<4000x32xi32>
    %and3A = arith.constant -65536 : i32
    %and3A_37 = vector.broadcast %and3A : i32 to vector<4000x32xi32>
    %and3A_38 = arith.andi %get3A_36, %and3A_37 : vector<4000x32xi32>
    %bitcast_convert_type3A = tpu.bitcast %and3A_38 : vector<4000x32xi32> -> vector<4000x32xf32>
    %get3A_39 = arith.constant 0 : index
    %get3A_40 = arith.constant 0 : index
    %get3A_41 = vector.load %arg7[%get3A_39, %get3A_40] : memref<32x32xf32, #tpu.memory_space<vmem>>, vector<32x32xf32>
    %dot_general3A = arith.constant dense<0.000000e+00> : vector<4000x32xf32>
    %dot_general3A_42 = tpu.matmul %select_n3A, %get3A_41, %dot_general3A {dimension_numbers = #tpu.dot_dimension_numbers<[1], [0], [0], [1], [0, 0, 1, 1], [], []>, transpose_lhs_hint = false} : vector<4000x32xf32>, vector<32x32xf32>, vector<4000x32xf32> -> vector<4000x32xf32>
    %add3A_43 = arith.addf %dot_general3A_42, %bitcast_convert_type3A : vector<4000x32xf32>
    %get3A_44 = arith.constant 0 : index
    %get3A_45 = arith.constant 0 : index
    %get3A_46 = vector.load %arg3[%get3A_44, %get3A_45] : memref<4000x32xf32, #tpu.memory_space<vmem>>, vector<4000x32xf32>
    %add3A_47 = arith.addf %add3A_43, %get3A_46 : vector<4000x32xf32>
    %convert_element_type3A_48 = arith.truncf %add3A_47 : vector<4000x32xf32> to vector<4000x32xbf16>
    %swap3A = arith.constant 0 : index
    %swap3A_49 = arith.constant 0 : index
    %swap3A_50 = vector.load %arg8[%swap3A, %swap3A_49] : memref<4000x32xbf16, #tpu.memory_space<vmem>>, vector<4000x32xbf16>
    tpu.vector_store %arg8[%swap3A, %swap3A_49], %convert_element_type3A_48 {strides = array<i32>} : memref<4000x32xbf16, #tpu.memory_space<vmem>>, vector<4000x32xbf16>,
    %eq3A = arith.constant 0 : i32
    %eq3A_51 = arith.cmpi eq, %arg0, %eq3A : i32
    %convert_element_type3A_52 = arith.extui %eq3A_51 : i1 to i32
    %cond3A = arith.constant 0 : i32
    %cond3A_53 = arith.cmpi ne, %convert_element_type3A_52, %cond3A : i32
    scf.if %cond3A_53 {
      %broadcast_in_dim3A_66 = arith.constant 0.000000e+00 : f32
      %broadcast_in_dim3A_67 = vector.broadcast %broadcast_in_dim3A_66 : f32 to vector<2x32xf32>
      %swap3A_68 = arith.constant 0 : index
      %swap3A_69 = arith.constant 0 : index
      %swap3A_70 = vector.load %arg9[%swap3A_68, %swap3A_69] : memref<2x32xf32, #tpu.memory_space<vmem>>, vector<2x32xf32>
      tpu.vector_store %arg9[%swap3A_68, %swap3A_69], %broadcast_in_dim3A_67 {strides = array<i32>} : memref<2x32xf32, #tpu.memory_space<vmem>>, vector<2x32xf32>,
    } else {
    }
    %reduce_sum3A = arith.constant dense<0.000000e+00> : vector<32xf32>
    %reduce_sum3A_54 = vector.multi_reduction <add>, %add3A_47, %reduce_sum3A [0] : vector<4000x32xf32> to vector<32xf32>
    %broadcast_in_dim3A = vector.shape_cast %reduce_sum3A_54 : vector<32xf32> to vector<1x32xf32>
    %mul3A_55 = arith.mulf %add3A_47, %add3A_47 : vector<4000x32xf32>
    %reduce_sum3A_56 = arith.constant dense<0.000000e+00> : vector<32xf32>
    %reduce_sum3A_57 = vector.multi_reduction <add>, %mul3A_55, %reduce_sum3A_56 [0] : vector<4000x32xf32> to vector<32xf32>
    %broadcast_in_dim3A_58 = vector.shape_cast %reduce_sum3A_57 : vector<32xf32> to vector<1x32xf32>
    %get3A_59 = arith.constant 0 : index
    %get3A_60 = arith.constant 0 : index
    %get3A_61 = vector.load %arg9[%get3A_59, %get3A_60] : memref<2x32xf32, #tpu.memory_space<vmem>>, vector<2x32xf32>
    %concatenate3A = tpu.concatenate %broadcast_in_dim3A, %broadcast_in_dim3A_58 in 0 : vector<1x32xf32>, vector<1x32xf32> -> vector<2x32xf32>
    %add3A_62 = arith.addf %get3A_61, %concatenate3A : vector<2x32xf32>
    %swap3A_63 = arith.constant 0 : index
    %swap3A_64 = arith.constant 0 : index
    %swap3A_65 = vector.load %arg9[%swap3A_63, %swap3A_64] : memref<2x32xf32, #tpu.memory_space<vmem>>, vector<2x32xf32>
    tpu.vector_store %arg9[%swap3A_63, %swap3A_64], %add3A_62 {strides = array<i32>} : memref<2x32xf32, #tpu.memory_space<vmem>>, vector<2x32xf32>,
    return
  }
  func.func @transform_0(%arg0: i32) -> (i32, i32) {
    %c0_i32 = arith.constant 0 : i32
    %c0_i32_0 = arith.constant 0 : i32
    return %arg0, %c0_i32 : i32, i32
  }
  func.func @transform_1(%arg0: i32) -> (i32, i32) {
    %c0_i32 = arith.constant 0 : i32
    %c0_i32_0 = arith.constant 0 : i32
    return %arg0, %c0_i32 : i32, i32
  }
  func.func @transform_2(%arg0: i32) -> (i32, i32) {
    %c0_i32 = arith.constant 0 : i32
    %c0_i32_0 = arith.constant 0 : i32
    return %arg0, %c0_i32 : i32, i32
  }
  func.func @transform_3(%arg0: i32) -> (i32, i32) {
    %c0_i32 = arith.constant 0 : i32
    %c0_i32_0 = arith.constant 0 : i32
    %c0_i32_1 = arith.constant 0 : i32
    return %c0_i32, %c0_i32_0 : i32, i32
  }
  func.func @transform_4(%arg0: i32) -> (i32, i32) {
    %c0_i32 = arith.constant 0 : i32
    %c0_i32_0 = arith.constant 0 : i32
    %c0_i32_1 = arith.constant 0 : i32
    return %c0_i32, %c0_i32_0 : i32, i32
  }
  func.func @transform_5(%arg0: i32) -> (i32, i32) {
    %c0_i32 = arith.constant 0 : i32
    %c0_i32_0 = arith.constant 0 : i32
    %c0_i32_1 = arith.constant 0 : i32
    return %c0_i32, %c0_i32_0 : i32, i32
  }
  func.func @transform_6(%arg0: i32) -> (i32, i32) {
    %c0_i32 = arith.constant 0 : i32
    %c0_i32_0 = arith.constant 0 : i32
    %c0_i32_1 = arith.constant 0 : i32
    return %c0_i32, %c0_i32_0 : i32, i32
  }
  func.func @transform_7(%arg0: i32) -> (i32, i32) {
    %c0_i32 = arith.constant 0 : i32
    %c0_i32_0 = arith.constant 0 : i32
    return %arg0, %c0_i32 : i32, i32
  }
  func.func @transform_8(%arg0: i32) -> (i32, i32) {
    %c0_i32 = arith.constant 0 : i32
    %c0_i32_0 = arith.constant 0 : i32
    %c0_i32_1 = arith.constant 0 : i32
    return %c0_i32, %c0_i32_0 : i32, i32
  }
}

module attributes {stable_mosaic.version = 14 : i64} {
  func.func @_k5_body(%arg0: i32, %arg1: memref<4000x32xbf16, #tpu.memory_space<vmem>>, %arg2: memref<4000x32xi32, #tpu.memory_space<vmem>>, %arg3: memref<2x32xf32, #tpu.memory_space<vmem>>, %arg4: memref<1x32xf32, #tpu.memory_space<vmem>>, %arg5: memref<1x32xf32, #tpu.memory_space<vmem>>, %arg6: memref<32x32xf32, #tpu.memory_space<vmem>>, %arg7: memref<1x32xf32, #tpu.memory_space<vmem>>, %arg8: memref<1x32xf32, #tpu.memory_space<vmem>>, %arg9: memref<4000x32xbf16, #tpu.memory_space<vmem>>, %arg10: memref<4000x32xf32, #tpu.memory_space<vmem>>, %arg11: memref<32x32xf32, #tpu.memory_space<vmem>>, %arg12: memref<1x32xf32, #tpu.memory_space<vmem>>, %arg13: memref<2x32xf32, #tpu.memory_space<vmem>>, %arg14: memref<2x32xf32, #tpu.memory_space<vmem>>) attributes {dimension_semantics = [#tpu.dimension_semantics<arbitrary>], iteration_bounds = array<i64: 80>, scalar_prefetch = 0 : i64, scratch_operands = 1 : i64, tpu.core_type = #tpu.core_type<tc>, window_params = [{transform_indices = @transform_0, window_bounds = array<i64: 4000, 32>}, {transform_indices = @transform_1, window_bounds = array<i64: 4000, 32>}, {pipeline_mode = #tpu.pipeline_mode<synchronous>, transform_indices = @transform_2, window_bounds = array<i64: 2, 32>}, {pipeline_mode = #tpu.pipeline_mode<synchronous>, transform_indices = @transform_3, window_bounds = array<i64: 1, 32>}, {pipeline_mode = #tpu.pipeline_mode<synchronous>, transform_indices = @transform_4, window_bounds = array<i64: 1, 32>}, {pipeline_mode = #tpu.pipeline_mode<synchronous>, transform_indices = @transform_5, window_bounds = array<i64: 32, 32>}, {pipeline_mode = #tpu.pipeline_mode<synchronous>, transform_indices = @transform_6, window_bounds = array<i64: 1, 32>}, {pipeline_mode = #tpu.pipeline_mode<synchronous>, transform_indices = @transform_7, window_bounds = array<i64: 1, 32>}, {transform_indices = @transform_8, window_bounds = array<i64: 4000, 32>}, {transform_indices = @transform_9, window_bounds = array<i64: 4000, 32>}, {pipeline_mode = #tpu.pipeline_mode<synchronous>, transform_indices = @transform_10, window_bounds = array<i64: 32, 32>}, {pipeline_mode = #tpu.pipeline_mode<synchronous>, transform_indices = @transform_11, window_bounds = array<i64: 1, 32>}, {pipeline_mode = #tpu.pipeline_mode<synchronous>, transform_indices = @transform_12, window_bounds = array<i64: 2, 32>}]} {
    %get3A = arith.constant 0 : index
    %get3A_0 = arith.constant 0 : index
    %get3A_1 = vector.load %arg3[%get3A, %get3A_0] : memref<2x32xf32, #tpu.memory_space<vmem>>, vector<1x32xf32>
    %mul3A = arith.constant 3.125000e-06 : f32
    %mul3A_2 = vector.broadcast %mul3A : f32 to vector<1x32xf32>
    %mul3A_3 = arith.mulf %get3A_1, %mul3A_2 : vector<1x32xf32>
    %get3A_4 = arith.constant 1 : index
    %get3A_5 = arith.constant 0 : index
    %get3A_6 = vector.load %arg3[%get3A_4, %get3A_5] : memref<2x32xf32, #tpu.memory_space<vmem>>, vector<1x32xf32>
    %mul3A_7 = arith.constant 3.125000e-06 : f32
    %mul3A_8 = vector.broadcast %mul3A_7 : f32 to vector<1x32xf32>
    %mul3A_9 = arith.mulf %get3A_6, %mul3A_8 : vector<1x32xf32>
    %mul3A_10 = arith.mulf %mul3A_3, %mul3A_3 : vector<1x32xf32>
    %sub3A = arith.subf %mul3A_9, %mul3A_10 : vector<1x32xf32>
    %get3A_11 = arith.constant 0 : index
    %get3A_12 = arith.constant 0 : index
    %get3A_13 = vector.load %arg4[%get3A_11, %get3A_12] : memref<1x32xf32, #tpu.memory_space<vmem>>, vector<1x32xf32>
    %add3A = arith.constant 9.99999974E-6 : f32
    %add3A_14 = vector.broadcast %add3A : f32 to vector<1x32xf32>
    %add3A_15 = arith.addf %sub3A, %add3A_14 : vector<1x32xf32>
    %rsqrt3A = math.rsqrt %add3A_15 : vector<1x32xf32>
    %mul3A_16 = arith.mulf %get3A_13, %rsqrt3A : vector<1x32xf32>
    %get3A_17 = arith.constant 0 : index
    %get3A_18 = arith.constant 0 : index
    %get3A_19 = vector.load %arg5[%get3A_17, %get3A_18] : memref<1x32xf32, #tpu.memory_space<vmem>>, vector<1x32xf32>
    %mul3A_20 = arith.mulf %mul3A_3, %mul3A_16 : vector<1x32xf32>
    %sub3A_21 = arith.subf %get3A_19, %mul3A_20 : vector<1x32xf32>
    %get3A_22 = arith.constant 0 : index
    %get3A_23 = arith.constant 0 : index
    %get3A_24 = vector.load %arg1[%get3A_22, %get3A_23] : memref<4000x32xbf16, #tpu.memory_space<vmem>>, vector<4000x32xbf16>
    %convert_element_type3A = arith.extf %get3A_24 : vector<4000x32xbf16> to vector<4000x32xf32>
    %mul3A_25 = vector.broadcast %mul3A_16 : vector<1x32xf32> to vector<4000x32xf32>
    %mul3A_26 = arith.mulf %convert_element_type3A, %mul3A_25 : vector<4000x32xf32>
    %add3A_27 = vector.broadcast %sub3A_21 : vector<1x32xf32> to vector<4000x32xf32>
    %add3A_28 = arith.addf %mul3A_26, %add3A_27 : vector<4000x32xf32>
    %gt3A = arith.constant 0.000000e+00 : f32
    %gt3A_29 = vector.broadcast %gt3A : f32 to vector<4000x32xf32>
    %gt3A_30 = arith.cmpf ogt, %add3A_28, %gt3A_29 : vector<4000x32xf32>
    %exp3A = math.exp %add3A_28 : vector<4000x32xf32>
    %sub3A_31 = arith.constant 1.000000e+00 : f32
    %sub3A_32 = vector.broadcast %sub3A_31 : f32 to vector<4000x32xf32>
    %sub3A_33 = arith.subf %exp3A, %sub3A_32 : vector<4000x32xf32>
    %select_n3A = arith.select %gt3A_30, %add3A_28, %sub3A_33 : vector<4000x32xi1>, vector<4000x32xf32>
    %convert_element_type3A_34 = arith.truncf %select_n3A : vector<4000x32xf32> to vector<4000x32xbf16>
    %swap3A = arith.constant 0 : index
    %swap3A_35 = arith.constant 0 : index
    %swap3A_36 = vector.load %arg9[%swap3A, %swap3A_35] : memref<4000x32xbf16, #tpu.memory_space<vmem>>, vector<4000x32xbf16>
    tpu.vector_store %arg9[%swap3A, %swap3A_35], %convert_element_type3A_34 {strides = array<i32>} : memref<4000x32xbf16, #tpu.memory_space<vmem>>, vector<4000x32xbf16>,
    %get3A_37 = arith.constant 0 : index
    %get3A_38 = arith.constant 0 : index
    %get3A_39 = vector.load %arg2[%get3A_37, %get3A_38] : memref<4000x32xi32, #tpu.memory_space<vmem>>, vector<4000x32xi32>
    %shift_left3A = arith.constant 16 : i32
    %shift_left3A_40 = vector.broadcast %shift_left3A : i32 to vector<4000x32xi32>
    %shift_left3A_41 = arith.shli %get3A_39, %shift_left3A_40 : vector<4000x32xi32>
    %bitcast_convert_type3A = tpu.bitcast %shift_left3A_41 : vector<4000x32xi32> -> vector<4000x32xf32>
    %get3A_42 = arith.constant 0 : index
    %get3A_43 = arith.constant 0 : index
    %get3A_44 = vector.load %arg6[%get3A_42, %get3A_43] : memref<32x32xf32, #tpu.memory_space<vmem>>, vector<32x32xf32>
    %dot_general3A = arith.constant dense<0.000000e+00> : vector<4000x32xf32>
    %dot_general3A_45 = tpu.matmul %select_n3A, %get3A_44, %dot_general3A {dimension_numbers = #tpu.dot_dimension_numbers<[1], [0], [0], [1], [0, 0, 1, 1], [], []>, transpose_lhs_hint = false} : vector<4000x32xf32>, vector<32x32xf32>, vector<4000x32xf32> -> vector<4000x32xf32>
    %add3A_46 = arith.addf %dot_general3A_45, %bitcast_convert_type3A : vector<4000x32xf32>
    %swap3A_47 = arith.constant 0 : index
    %swap3A_48 = arith.constant 0 : index
    %swap3A_49 = vector.load %arg10[%swap3A_47, %swap3A_48] : memref<4000x32xf32, #tpu.memory_space<vmem>>, vector<4000x32xf32>
    tpu.vector_store %arg10[%swap3A_47, %swap3A_48], %add3A_46 {strides = array<i32>} : memref<4000x32xf32, #tpu.memory_space<vmem>>, vector<4000x32xf32>,
    %eq3A = arith.constant 0 : i32
    %eq3A_50 = arith.cmpi eq, %arg0, %eq3A : i32
    %convert_element_type3A_51 = arith.extui %eq3A_50 : i1 to i32
    %cond3A = arith.constant 0 : i32
    %cond3A_52 = arith.cmpi ne, %convert_element_type3A_51, %cond3A : i32
    scf.if %cond3A_52 {
      %broadcast_in_dim3A_89 = arith.constant 0.000000e+00 : f32
      %broadcast_in_dim3A_90 = vector.broadcast %broadcast_in_dim3A_89 : f32 to vector<32x32xf32>
      %swap3A_91 = arith.constant 0 : index
      %swap3A_92 = arith.constant 0 : index
      %swap3A_93 = vector.load %arg11[%swap3A_91, %swap3A_92] : memref<32x32xf32, #tpu.memory_space<vmem>>, vector<32x32xf32>
      tpu.vector_store %arg11[%swap3A_91, %swap3A_92], %broadcast_in_dim3A_90 {strides = array<i32>} : memref<32x32xf32, #tpu.memory_space<vmem>>, vector<32x32xf32>,
      %broadcast_in_dim3A_94 = arith.constant 0.000000e+00 : f32
      %broadcast_in_dim3A_95 = vector.broadcast %broadcast_in_dim3A_94 : f32 to vector<1x32xf32>
      %swap3A_96 = arith.constant 0 : index
      %swap3A_97 = arith.constant 0 : index
      %swap3A_98 = vector.load %arg12[%swap3A_96, %swap3A_97] : memref<1x32xf32, #tpu.memory_space<vmem>>, vector<1x32xf32>
      tpu.vector_store %arg12[%swap3A_96, %swap3A_97], %broadcast_in_dim3A_95 {strides = array<i32>} : memref<1x32xf32, #tpu.memory_space<vmem>>, vector<1x32xf32>,
      %broadcast_in_dim3A_99 = arith.constant 0.000000e+00 : f32
      %broadcast_in_dim3A_100 = vector.broadcast %broadcast_in_dim3A_99 : f32 to vector<2x32xf32>
      %swap3A_101 = arith.constant 0 : index
      %swap3A_102 = arith.constant 0 : index
      %swap3A_103 = vector.load %arg14[%swap3A_101, %swap3A_102] : memref<2x32xf32, #tpu.memory_space<vmem>>, vector<2x32xf32>
      tpu.vector_store %arg14[%swap3A_101, %swap3A_102], %broadcast_in_dim3A_100 {strides = array<i32>} : memref<2x32xf32, #tpu.memory_space<vmem>>, vector<2x32xf32>,
    } else {
    }
    %get3A_53 = arith.constant 0 : index
    %get3A_54 = arith.constant 0 : index
    %get3A_55 = vector.load %arg11[%get3A_53, %get3A_54] : memref<32x32xf32, #tpu.memory_space<vmem>>, vector<32x32xf32>
    %dot_general3A_56 = arith.constant dense<0.000000e+00> : vector<32x32xf32>
    %dot_general3A_57 = tpu.matmul %select_n3A, %select_n3A, %dot_general3A_56 {dimension_numbers = #tpu.dot_dimension_numbers<[0], [0], [1], [1], [0, 1, 1, 1], [], []>, transpose_lhs_hint = false} : vector<4000x32xf32>, vector<4000x32xf32>, vector<32x32xf32> -> vector<32x32xf32>
    %add3A_58 = arith.addf %get3A_55, %dot_general3A_57 : vector<32x32xf32>
    %swap3A_59 = arith.constant 0 : index
    %swap3A_60 = arith.constant 0 : index
    %swap3A_61 = vector.load %arg11[%swap3A_59, %swap3A_60] : memref<32x32xf32, #tpu.memory_space<vmem>>, vector<32x32xf32>
    tpu.vector_store %arg11[%swap3A_59, %swap3A_60], %add3A_58 {strides = array<i32>} : memref<32x32xf32, #tpu.memory_space<vmem>>, vector<32x32xf32>,
    %get3A_62 = arith.constant 0 : index
    %get3A_63 = arith.constant 0 : index
    %get3A_64 = vector.load %arg12[%get3A_62, %get3A_63] : memref<1x32xf32, #tpu.memory_space<vmem>>, vector<1x32xf32>
    %reduce_sum3A = arith.constant dense<0.000000e+00> : vector<32xf32>
    %reduce_sum3A_65 = vector.multi_reduction <add>, %select_n3A, %reduce_sum3A [0] : vector<4000x32xf32> to vector<32xf32>
    %broadcast_in_dim3A = vector.shape_cast %reduce_sum3A_65 : vector<32xf32> to vector<1x32xf32>
    %add3A_66 = arith.addf %get3A_64, %broadcast_in_dim3A : vector<1x32xf32>
    %swap3A_67 = arith.constant 0 : index
    %swap3A_68 = arith.constant 0 : index
    %swap3A_69 = vector.load %arg12[%swap3A_67, %swap3A_68] : memref<1x32xf32, #tpu.memory_space<vmem>>, vector<1x32xf32>
    tpu.vector_store %arg12[%swap3A_67, %swap3A_68], %add3A_66 {strides = array<i32>} : memref<1x32xf32, #tpu.memory_space<vmem>>, vector<1x32xf32>,
    %reduce_sum3A_70 = arith.constant dense<0.000000e+00> : vector<32xf32>
    %reduce_sum3A_71 = vector.multi_reduction <add>, %add3A_46, %reduce_sum3A_70 [0] : vector<4000x32xf32> to vector<32xf32>
    %broadcast_in_dim3A_72 = vector.shape_cast %reduce_sum3A_71 : vector<32xf32> to vector<1x32xf32>
    %mul3A_73 = arith.mulf %add3A_46, %add3A_46 : vector<4000x32xf32>
    %reduce_sum3A_74 = arith.constant dense<0.000000e+00> : vector<32xf32>
    %reduce_sum3A_75 = vector.multi_reduction <add>, %mul3A_73, %reduce_sum3A_74 [0] : vector<4000x32xf32> to vector<32xf32>
    %broadcast_in_dim3A_76 = vector.shape_cast %reduce_sum3A_75 : vector<32xf32> to vector<1x32xf32>
    %get3A_77 = arith.constant 0 : index
    %get3A_78 = arith.constant 0 : index
    %get3A_79 = vector.load %arg14[%get3A_77, %get3A_78] : memref<2x32xf32, #tpu.memory_space<vmem>>, vector<2x32xf32>
    %concatenate3A = tpu.concatenate %broadcast_in_dim3A_72, %broadcast_in_dim3A_76 in 0 : vector<1x32xf32>, vector<1x32xf32> -> vector<2x32xf32>
    %add3A_80 = arith.addf %get3A_79, %concatenate3A : vector<2x32xf32>
    %swap3A_81 = arith.constant 0 : index
    %swap3A_82 = arith.constant 0 : index
    %swap3A_83 = vector.load %arg14[%swap3A_81, %swap3A_82] : memref<2x32xf32, #tpu.memory_space<vmem>>, vector<2x32xf32>
    tpu.vector_store %arg14[%swap3A_81, %swap3A_82], %add3A_80 {strides = array<i32>} : memref<2x32xf32, #tpu.memory_space<vmem>>, vector<2x32xf32>,
    %eq3A_84 = arith.constant 79 : i32
    %eq3A_85 = arith.cmpi eq, %arg0, %eq3A_84 : i32
    %convert_element_type3A_86 = arith.extui %eq3A_85 : i1 to i32
    %cond3A_87 = arith.constant 0 : i32
    %cond3A_88 = arith.cmpi ne, %convert_element_type3A_86, %cond3A_87 : i32
    scf.if %cond3A_88 {
      %get3A_89 = arith.constant 0 : index
      %get3A_90 = arith.constant 0 : index
      %get3A_91 = vector.load %arg14[%get3A_89, %get3A_90] : memref<2x32xf32, #tpu.memory_space<vmem>>, vector<1x32xf32>
      %mul3A_92 = arith.constant 3.125000e-06 : f32
      %mul3A_93 = vector.broadcast %mul3A_92 : f32 to vector<1x32xf32>
      %mul3A_94 = arith.mulf %get3A_91, %mul3A_93 : vector<1x32xf32>
      %get3A_95 = arith.constant 1 : index
      %get3A_96 = arith.constant 0 : index
      %get3A_97 = vector.load %arg14[%get3A_95, %get3A_96] : memref<2x32xf32, #tpu.memory_space<vmem>>, vector<1x32xf32>
      %mul3A_98 = arith.constant 3.125000e-06 : f32
      %mul3A_99 = vector.broadcast %mul3A_98 : f32 to vector<1x32xf32>
      %mul3A_100 = arith.mulf %get3A_97, %mul3A_99 : vector<1x32xf32>
      %mul3A_101 = arith.mulf %mul3A_94, %mul3A_94 : vector<1x32xf32>
      %sub3A_102 = arith.subf %mul3A_100, %mul3A_101 : vector<1x32xf32>
      %get3A_103 = arith.constant 0 : index
      %get3A_104 = arith.constant 0 : index
      %get3A_105 = vector.load %arg7[%get3A_103, %get3A_104] : memref<1x32xf32, #tpu.memory_space<vmem>>, vector<1x32xf32>
      %add3A_106 = arith.constant 9.99999974E-6 : f32
      %add3A_107 = vector.broadcast %add3A_106 : f32 to vector<1x32xf32>
      %add3A_108 = arith.addf %sub3A_102, %add3A_107 : vector<1x32xf32>
      %rsqrt3A_109 = math.rsqrt %add3A_108 : vector<1x32xf32>
      %mul3A_110 = arith.mulf %get3A_105, %rsqrt3A_109 : vector<1x32xf32>
      %get3A_111 = arith.constant 0 : index
      %get3A_112 = arith.constant 0 : index
      %get3A_113 = vector.load %arg8[%get3A_111, %get3A_112] : memref<1x32xf32, #tpu.memory_space<vmem>>, vector<1x32xf32>
      %mul3A_114 = arith.mulf %mul3A_94, %mul3A_110 : vector<1x32xf32>
      %sub3A_115 = arith.subf %get3A_113, %mul3A_114 : vector<1x32xf32>
      %concatenate3A_116 = tpu.concatenate %mul3A_110, %sub3A_115 in 0 : vector<1x32xf32>, vector<1x32xf32> -> vector<2x32xf32>
      %swap3A_117 = arith.constant 0 : index
      %swap3A_118 = arith.constant 0 : index
      %swap3A_119 = vector.load %arg13[%swap3A_117, %swap3A_118] : memref<2x32xf32, #tpu.memory_space<vmem>>, vector<2x32xf32>
      tpu.vector_store %arg13[%swap3A_117, %swap3A_118], %concatenate3A_116 {strides = array<i32>} : memref<2x32xf32, #tpu.memory_space<vmem>>, vector<2x32xf32>,
    } else {
    }
    return
  }
  func.func @transform_0(%arg0: i32) -> (i32, i32) {
    %c0_i32 = arith.constant 0 : i32
    %c0_i32_0 = arith.constant 0 : i32
    return %arg0, %c0_i32 : i32, i32
  }
  func.func @transform_1(%arg0: i32) -> (i32, i32) {
    %c0_i32 = arith.constant 0 : i32
    %c0_i32_0 = arith.constant 0 : i32
    return %arg0, %c0_i32 : i32, i32
  }
  func.func @transform_2(%arg0: i32) -> (i32, i32) {
    %c0_i32 = arith.constant 0 : i32
    %c0_i32_0 = arith.constant 0 : i32
    %c0_i32_1 = arith.constant 0 : i32
    return %c0_i32, %c0_i32_0 : i32, i32
  }
  func.func @transform_3(%arg0: i32) -> (i32, i32) {
    %c0_i32 = arith.constant 0 : i32
    %c0_i32_0 = arith.constant 0 : i32
    %c0_i32_1 = arith.constant 0 : i32
    return %c0_i32, %c0_i32_0 : i32, i32
  }
  func.func @transform_4(%arg0: i32) -> (i32, i32) {
    %c0_i32 = arith.constant 0 : i32
    %c0_i32_0 = arith.constant 0 : i32
    %c0_i32_1 = arith.constant 0 : i32
    return %c0_i32, %c0_i32_0 : i32, i32
  }
  func.func @transform_5(%arg0: i32) -> (i32, i32) {
    %c0_i32 = arith.constant 0 : i32
    %c0_i32_0 = arith.constant 0 : i32
    %c0_i32_1 = arith.constant 0 : i32
    return %c0_i32, %c0_i32_0 : i32, i32
  }
  func.func @transform_6(%arg0: i32) -> (i32, i32) {
    %c0_i32 = arith.constant 0 : i32
    %c0_i32_0 = arith.constant 0 : i32
    %c0_i32_1 = arith.constant 0 : i32
    return %c0_i32, %c0_i32_0 : i32, i32
  }
  func.func @transform_7(%arg0: i32) -> (i32, i32) {
    %c0_i32 = arith.constant 0 : i32
    %c0_i32_0 = arith.constant 0 : i32
    %c0_i32_1 = arith.constant 0 : i32
    return %c0_i32, %c0_i32_0 : i32, i32
  }
  func.func @transform_8(%arg0: i32) -> (i32, i32) {
    %c0_i32 = arith.constant 0 : i32
    %c0_i32_0 = arith.constant 0 : i32
    return %arg0, %c0_i32 : i32, i32
  }
  func.func @transform_9(%arg0: i32) -> (i32, i32) {
    %c0_i32 = arith.constant 0 : i32
    %c0_i32_0 = arith.constant 0 : i32
    return %arg0, %c0_i32 : i32, i32
  }
  func.func @transform_10(%arg0: i32) -> (i32, i32) {
    %c0_i32 = arith.constant 0 : i32
    %c0_i32_0 = arith.constant 0 : i32
    %c0_i32_1 = arith.constant 0 : i32
    return %c0_i32, %c0_i32_0 : i32, i32
  }
  func.func @transform_11(%arg0: i32) -> (i32, i32) {
    %c0_i32 = arith.constant 0 : i32
    %c0_i32_0 = arith.constant 0 : i32
    %c0_i32_1 = arith.constant 0 : i32
    return %c0_i32, %c0_i32_0 : i32, i32
  }
  func.func @transform_12(%arg0: i32) -> (i32, i32) {
    %c0_i32 = arith.constant 0 : i32
    %c0_i32_0 = arith.constant 0 : i32
    %c0_i32_1 = arith.constant 0 : i32
    return %c0_i32, %c0_i32_0 : i32, i32
  }
}

module attributes {stable_mosaic.version = 14 : i64} {
  func.func @_k8_body(%arg0: i32, %arg1: memref<4000x32xbf16, #tpu.memory_space<vmem>>, %arg2: memref<4000x128xf32, #tpu.memory_space<vmem>>, %arg3: memref<32x32xf32, #tpu.memory_space<vmem>>, %arg4: memref<1x32xf32, #tpu.memory_space<vmem>>, %arg5: memref<32x128xf32, #tpu.memory_space<vmem>>, %arg6: memref<1x128xf32, #tpu.memory_space<vmem>>, %arg7: memref<1x128xf32, #tpu.memory_space<vmem>>, %arg8: memref<1x128xf32, #tpu.memory_space<vmem>>, %arg9: memref<4000x128xf32, #tpu.memory_space<vmem>>) attributes {dimension_semantics = [#tpu.dimension_semantics<arbitrary>], iteration_bounds = array<i64: 80>, scalar_prefetch = 0 : i64, scratch_operands = 0 : i64, tpu.core_type = #tpu.core_type<tc>, window_params = [{transform_indices = @transform_0, window_bounds = array<i64: 4000, 32>}, {transform_indices = @transform_1, window_bounds = array<i64: 4000, 128>}, {pipeline_mode = #tpu.pipeline_mode<synchronous>, transform_indices = @transform_2, window_bounds = array<i64: 32, 32>}, {pipeline_mode = #tpu.pipeline_mode<synchronous>, transform_indices = @transform_3, window_bounds = array<i64: 1, 32>}, {pipeline_mode = #tpu.pipeline_mode<synchronous>, transform_indices = @transform_4, window_bounds = array<i64: 32, 128>}, {pipeline_mode = #tpu.pipeline_mode<synchronous>, transform_indices = @transform_5, window_bounds = array<i64: 1, 128>}, {pipeline_mode = #tpu.pipeline_mode<synchronous>, transform_indices = @transform_6, window_bounds = array<i64: 1, 128>}, {pipeline_mode = #tpu.pipeline_mode<synchronous>, transform_indices = @transform_7, window_bounds = array<i64: 1, 128>}, {transform_indices = @transform_8, window_bounds = array<i64: 4000, 128>}]} {
    %get3A = arith.constant 0 : index
    %get3A_0 = arith.constant 0 : index
    %get3A_1 = vector.load %arg5[%get3A, %get3A_0] : memref<32x128xf32, #tpu.memory_space<vmem>>, vector<32x128xf32>
    %get3A_2 = arith.constant 0 : index
    %get3A_3 = arith.constant 0 : index
    %get3A_4 = vector.load %arg6[%get3A_2, %get3A_3] : memref<1x128xf32, #tpu.memory_space<vmem>>, vector<1x128xf32>
    %get3A_5 = arith.constant 0 : index
    %get3A_6 = arith.constant 0 : index
    %get3A_7 = vector.load %arg4[%get3A_5, %get3A_6] : memref<1x32xf32, #tpu.memory_space<vmem>>, vector<1x32xf32>
    %dot_general3A = arith.constant dense<0.000000e+00> : vector<1x128xf32>
    %dot_general3A_8 = tpu.matmul %get3A_7, %get3A_1, %dot_general3A {dimension_numbers = #tpu.dot_dimension_numbers<[1], [0], [0], [1], [0, 0, 1, 1], [], []>, transpose_lhs_hint = false} : vector<1x32xf32>, vector<32x128xf32>, vector<1x128xf32> -> vector<1x128xf32>
    %get3A_9 = arith.constant 0 : index
    %get3A_10 = arith.constant 0 : index
    %get3A_11 = vector.load %arg3[%get3A_9, %get3A_10] : memref<32x32xf32, #tpu.memory_space<vmem>>, vector<32x32xf32>
    %dot_general3A_12 = arith.constant dense<0.000000e+00> : vector<32x128xf32>
    %dot_general3A_13 = tpu.matmul %get3A_11, %get3A_1, %dot_general3A_12 {dimension_numbers = #tpu.dot_dimension_numbers<[1], [0], [0], [1], [0, 0, 1, 1], [], []>, transpose_lhs_hint = false} : vector<32x32xf32>, vector<32x128xf32>, vector<32x128xf32> -> vector<32x128xf32>
    %mul3A = arith.mulf %dot_general3A_13, %get3A_1 : vector<32x128xf32>
    %reduce_sum3A = arith.constant dense<0.000000e+00> : vector<128xf32>
    %reduce_sum3A_14 = vector.multi_reduction <add>, %mul3A, %reduce_sum3A [0] : vector<32x128xf32> to vector<128xf32>
    %broadcast_in_dim3A = vector.shape_cast %reduce_sum3A_14 : vector<128xf32> to vector<1x128xf32>
    %mul3A_15 = arith.constant 2.000000e+00 : f32
    %mul3A_16 = vector.broadcast %mul3A_15 : f32 to vector<1x128xf32>
    %mul3A_17 = arith.mulf %mul3A_16, %get3A_4 : vector<1x128xf32>
    %mul3A_18 = arith.mulf %mul3A_17, %dot_general3A_8 : vector<1x128xf32>
    %add3A = arith.addf %broadcast_in_dim3A, %mul3A_18 : vector<1x128xf32>
    %mul3A_19 = arith.constant 3.200000e+05 : f32
    %mul3A_20 = vector.broadcast %mul3A_19 : f32 to vector<1x128xf32>
    %mul3A_21 = arith.mulf %mul3A_20, %get3A_4 : vector<1x128xf32>
    %mul3A_22 = arith.mulf %mul3A_21, %get3A_4 : vector<1x128xf32>
    %add3A_23 = arith.addf %add3A, %mul3A_22 : vector<1x128xf32>
    %mul3A_24 = arith.constant 3.125000e-06 : f32
    %mul3A_25 = vector.broadcast %mul3A_24 : f32 to vector<1x128xf32>
    %mul3A_26 = arith.mulf %dot_general3A_8, %mul3A_25 : vector<1x128xf32>
    %add3A_27 = arith.addf %mul3A_26, %get3A_4 : vector<1x128xf32>
    %mul3A_28 = arith.constant 3.125000e-06 : f32
    %mul3A_29 = vector.broadcast %mul3A_28 : f32 to vector<1x128xf32>
    %mul3A_30 = arith.mulf %add3A_23, %mul3A_29 : vector<1x128xf32>
    %mul3A_31 = arith.mulf %add3A_27, %add3A_27 : vector<1x128xf32>
    %sub3A = arith.subf %mul3A_30, %mul3A_31 : vector<1x128xf32>
    %get3A_32 = arith.constant 0 : index
    %get3A_33 = arith.constant 0 : index
    %get3A_34 = vector.load %arg7[%get3A_32, %get3A_33] : memref<1x128xf32, #tpu.memory_space<vmem>>, vector<1x128xf32>
    %add3A_35 = arith.constant 9.99999974E-6 : f32
    %add3A_36 = vector.broadcast %add3A_35 : f32 to vector<1x128xf32>
    %add3A_37 = arith.addf %sub3A, %add3A_36 : vector<1x128xf32>
    %rsqrt3A = math.rsqrt %add3A_37 : vector<1x128xf32>
    %mul3A_38 = arith.mulf %get3A_34, %rsqrt3A : vector<1x128xf32>
    %get3A_39 = arith.constant 0 : index
    %get3A_40 = arith.constant 0 : index
    %get3A_41 = vector.load %arg8[%get3A_39, %get3A_40] : memref<1x128xf32, #tpu.memory_space<vmem>>, vector<1x128xf32>
    %sub3A_42 = arith.subf %get3A_4, %add3A_27 : vector<1x128xf32>
    %mul3A_43 = arith.mulf %sub3A_42, %mul3A_38 : vector<1x128xf32>
    %add3A_44 = arith.addf %get3A_41, %mul3A_43 : vector<1x128xf32>
    %get3A_45 = arith.constant 0 : index
    %get3A_46 = arith.constant 0 : index
    %get3A_47 = vector.load %arg1[%get3A_45, %get3A_46] : memref<4000x32xbf16, #tpu.memory_space<vmem>>, vector<4000x32xbf16>
    %convert_element_type3A = arith.extf %get3A_47 : vector<4000x32xbf16> to vector<4000x32xf32>
    %dot_general3A_48 = arith.constant dense<0.000000e+00> : vector<4000x128xf32>
    %dot_general3A_49 = tpu.matmul %convert_element_type3A, %get3A_1, %dot_general3A_48 {dimension_numbers = #tpu.dot_dimension_numbers<[1], [0], [0], [1], [0, 0, 1, 1], [], []>, transpose_lhs_hint = false} : vector<4000x32xf32>, vector<32x128xf32>, vector<4000x128xf32> -> vector<4000x128xf32>
    %mul3A_50 = vector.broadcast %mul3A_38 : vector<1x128xf32> to vector<4000x128xf32>
    %mul3A_51 = arith.mulf %dot_general3A_49, %mul3A_50 : vector<4000x128xf32>
    %add3A_52 = vector.broadcast %add3A_44 : vector<1x128xf32> to vector<4000x128xf32>
    %add3A_53 = arith.addf %mul3A_51, %add3A_52 : vector<4000x128xf32>
    %get3A_54 = arith.constant 0 : index
    %get3A_55 = arith.constant 0 : index
    %get3A_56 = vector.load %arg2[%get3A_54, %get3A_55] : memref<4000x128xf32, #tpu.memory_space<vmem>>, vector<4000x128xf32>
    %add3A_57 = arith.addf %add3A_53, %get3A_56 : vector<4000x128xf32>
    %gt3A = arith.constant 0.000000e+00 : f32
    %gt3A_58 = vector.broadcast %gt3A : f32 to vector<4000x128xf32>
    %gt3A_59 = arith.cmpf ogt, %add3A_57, %gt3A_58 : vector<4000x128xf32>
    %exp3A = math.exp %add3A_57 : vector<4000x128xf32>
    %sub3A_60 = arith.constant 1.000000e+00 : f32
    %sub3A_61 = vector.broadcast %sub3A_60 : f32 to vector<4000x128xf32>
    %sub3A_62 = arith.subf %exp3A, %sub3A_61 : vector<4000x128xf32>
    %select_n3A = arith.select %gt3A_59, %add3A_57, %sub3A_62 : vector<4000x128xi1>, vector<4000x128xf32>
    %swap3A = arith.constant 0 : index
    %swap3A_63 = arith.constant 0 : index
    %swap3A_64 = vector.load %arg9[%swap3A, %swap3A_63] : memref<4000x128xf32, #tpu.memory_space<vmem>>, vector<4000x128xf32>
    tpu.vector_store %arg9[%swap3A, %swap3A_63], %select_n3A {strides = array<i32>} : memref<4000x128xf32, #tpu.memory_space<vmem>>, vector<4000x128xf32>,
    return
  }
  func.func @transform_0(%arg0: i32) -> (i32, i32) {
    %c0_i32 = arith.constant 0 : i32
    %c0_i32_0 = arith.constant 0 : i32
    return %arg0, %c0_i32 : i32, i32
  }
  func.func @transform_1(%arg0: i32) -> (i32, i32) {
    %c0_i32 = arith.constant 0 : i32
    %c0_i32_0 = arith.constant 0 : i32
    return %arg0, %c0_i32 : i32, i32
  }
  func.func @transform_2(%arg0: i32) -> (i32, i32) {
    %c0_i32 = arith.constant 0 : i32
    %c0_i32_0 = arith.constant 0 : i32
    %c0_i32_1 = arith.constant 0 : i32
    return %c0_i32, %c0_i32_0 : i32, i32
  }
  func.func @transform_3(%arg0: i32) -> (i32, i32) {
    %c0_i32 = arith.constant 0 : i32
    %c0_i32_0 = arith.constant 0 : i32
    %c0_i32_1 = arith.constant 0 : i32
    return %c0_i32, %c0_i32_0 : i32, i32
  }
  func.func @transform_4(%arg0: i32) -> (i32, i32) {
    %c0_i32 = arith.constant 0 : i32
    %c0_i32_0 = arith.constant 0 : i32
    %c0_i32_1 = arith.constant 0 : i32
    return %c0_i32, %c0_i32_0 : i32, i32
  }
  func.func @transform_5(%arg0: i32) -> (i32, i32) {
    %c0_i32 = arith.constant 0 : i32
    %c0_i32_0 = arith.constant 0 : i32
    %c0_i32_1 = arith.constant 0 : i32
    return %c0_i32, %c0_i32_0 : i32, i32
  }
  func.func @transform_6(%arg0: i32) -> (i32, i32) {
    %c0_i32 = arith.constant 0 : i32
    %c0_i32_0 = arith.constant 0 : i32
    %c0_i32_1 = arith.constant 0 : i32
    return %c0_i32, %c0_i32_0 : i32, i32
  }
  func.func @transform_7(%arg0: i32) -> (i32, i32) {
    %c0_i32 = arith.constant 0 : i32
    %c0_i32_0 = arith.constant 0 : i32
    %c0_i32_1 = arith.constant 0 : i32
    return %c0_i32, %c0_i32_0 : i32, i32
  }
  func.func @transform_8(%arg0: i32) -> (i32, i32) {
    %c0_i32 = arith.constant 0 : i32
    %c0_i32_0 = arith.constant 0 : i32
    return %arg0, %c0_i32 : i32, i32
  }
}

module attributes {stable_mosaic.version = 14 : i64} {
  func.func @_k7_body(%arg0: memref<10000x128xf32, #tpu.memory_space<vmem>>, %arg1: memref<10000x32xf32, #tpu.memory_space<vmem>>, %arg2: memref<2x10000x32xf32, #tpu.memory_space<vmem>>, %arg3: memref<2x10000x8xf32, #tpu.memory_space<vmem>>, %arg4: memref<32x32xf32, #tpu.memory_space<vmem>>, %arg5: memref<32x32xf32, #tpu.memory_space<vmem>>, %arg6: memref<1x32xf32, #tpu.memory_space<vmem>>, %arg7: memref<1x32xf32, #tpu.memory_space<vmem>>, %arg8: memref<1x32xf32, #tpu.memory_space<vmem>>, %arg9: memref<32x128xf32, #tpu.memory_space<vmem>>, %arg10: memref<1x128xf32, #tpu.memory_space<vmem>>, %arg11: memref<1x128xf32, #tpu.memory_space<vmem>>, %arg12: memref<1x128xf32, #tpu.memory_space<vmem>>, %arg13: memref<10000x128xf32, #tpu.memory_space<vmem>>) attributes {dimension_semantics = [], scalar_prefetch = 0 : i64, scratch_operands = 0 : i64, tpu.core_type = #tpu.core_type<tc>} {
    %get3A = arith.constant 0 : index
    %get3A_0 = arith.constant 0 : index
    %get3A_1 = arith.constant 0 : index
    %get3A_2 = vector.load %arg2[%get3A, %get3A_0, %get3A_1] : memref<2x10000x32xf32, #tpu.memory_space<vmem>>, vector<1x10000x32xf32>
    %get3A_3 = vector.shape_cast %get3A_2 : vector<1x10000x32xf32> to vector<10000x32xf32>
    %get3A_4 = arith.constant 1 : index
    %get3A_5 = arith.constant 0 : index
    %get3A_6 = arith.constant 0 : index
    %get3A_7 = vector.load %arg2[%get3A_4, %get3A_5, %get3A_6] : memref<2x10000x32xf32, #tpu.memory_space<vmem>>, vector<1x10000x32xf32>
    %get3A_8 = vector.shape_cast %get3A_7 : vector<1x10000x32xf32> to vector<10000x32xf32>
    %add3A = arith.addf %get3A_3, %get3A_8 : vector<10000x32xf32>
    %get3A_9 = arith.constant 0 : index
    %get3A_10 = arith.constant 0 : index
    %get3A_11 = arith.constant 0 : index
    %get3A_12 = vector.load %arg3[%get3A_9, %get3A_10, %get3A_11] : memref<2x10000x8xf32, #tpu.memory_space<vmem>>, vector<1x10000x8xf32>
    %get3A_13 = vector.shape_cast %get3A_12 : vector<1x10000x8xf32> to vector<10000x8xf32>
    %get3A_14 = arith.constant 1 : index
    %get3A_15 = arith.constant 0 : index
    %get3A_16 = arith.constant 0 : index
    %get3A_17 = vector.load %arg3[%get3A_14, %get3A_15, %get3A_16] : memref<2x10000x8xf32, #tpu.memory_space<vmem>>, vector<1x10000x8xf32>
    %get3A_18 = vector.shape_cast %get3A_17 : vector<1x10000x8xf32> to vector<10000x8xf32>
    %add3A_19 = arith.addf %get3A_13, %get3A_18 : vector<10000x8xf32>
    %slice3A = vector.extract_strided_slice %add3A_19 {offsets = [0, 0], sizes = [10000, 1], strides = [1, 1]} : vector<10000x8xf32> to vector<10000x1xf32>
    %max3A = arith.constant 1.000000e+00 : f32
    %max3A_20 = vector.broadcast %max3A : f32 to vector<10000x1xf32>
    %max3A_21 = arith.maximumf %slice3A, %max3A_20 : vector<10000x1xf32>
    %div3A = vector.broadcast %max3A_21 : vector<10000x1xf32> to vector<10000x32xf32>
    %div3A_22 = arith.divf %add3A, %div3A : vector<10000x32xf32>
    %get3A_23 = arith.constant 0 : index
    %get3A_24 = arith.constant 0 : index
    %get3A_25 = vector.load %arg1[%get3A_23, %get3A_24] : memref<10000x32xf32, #tpu.memory_space<vmem>>, vector<10000x32xf32>
    %get3A_26 = arith.constant 0 : index
    %get3A_27 = arith.constant 0 : index
    %get3A_28 = vector.load %arg4[%get3A_26, %get3A_27] : memref<32x32xf32, #tpu.memory_space<vmem>>, vector<32x32xf32>
    %dot_general3A = arith.constant dense<0.000000e+00> : vector<10000x32xf32>
    %dot_general3A_29 = tpu.matmul %get3A_25, %get3A_28, %dot_general3A {dimension_numbers = #tpu.dot_dimension_numbers<[1], [0], [0], [1], [0, 0, 1, 1], [], []>, transpose_lhs_hint = false} : vector<10000x32xf32>, vector<32x32xf32>, vector<10000x32xf32> -> vector<10000x32xf32>
    %get3A_30 = arith.constant 0 : index
    %get3A_31 = arith.constant 0 : index
    %get3A_32 = vector.load %arg5[%get3A_30, %get3A_31] : memref<32x32xf32, #tpu.memory_space<vmem>>, vector<32x32xf32>
    %dot_general3A_33 = arith.constant dense<0.000000e+00> : vector<10000x32xf32>
    %dot_general3A_34 = tpu.matmul %div3A_22, %get3A_32, %dot_general3A_33 {dimension_numbers = #tpu.dot_dimension_numbers<[1], [0], [0], [1], [0, 0, 1, 1], [], []>, transpose_lhs_hint = false} : vector<10000x32xf32>, vector<32x32xf32>, vector<10000x32xf32> -> vector<10000x32xf32>
    %add3A_35 = arith.addf %dot_general3A_29, %dot_general3A_34 : vector<10000x32xf32>
    %get3A_36 = arith.constant 0 : index
    %get3A_37 = arith.constant 0 : index
    %get3A_38 = vector.load %arg6[%get3A_36, %get3A_37] : memref<1x32xf32, #tpu.memory_space<vmem>>, vector<1x32xf32>
    %add3A_39 = vector.broadcast %get3A_38 : vector<1x32xf32> to vector<10000x32xf32>
    %add3A_40 = arith.addf %add3A_35, %add3A_39 : vector<10000x32xf32>
    %reduce_sum3A = arith.constant dense<0.000000e+00> : vector<32xf32>
    %reduce_sum3A_41 = vector.multi_reduction <add>, %add3A_40, %reduce_sum3A [0] : vector<10000x32xf32> to vector<32xf32>
    %broadcast_in_dim3A = vector.shape_cast %reduce_sum3A_41 : vector<32xf32> to vector<1x32xf32>
    %div3A_42 = arith.constant 1.000000e+04 : f32
    %div3A_43 = vector.broadcast %div3A_42 : f32 to vector<1x32xf32>
    %div3A_44 = arith.divf %broadcast_in_dim3A, %div3A_43 : vector<1x32xf32>
    %mul3A = arith.mulf %add3A_40, %add3A_40 : vector<10000x32xf32>
    %reduce_sum3A_45 = arith.constant dense<0.000000e+00> : vector<32xf32>
    %reduce_sum3A_46 = vector.multi_reduction <add>, %mul3A, %reduce_sum3A_45 [0] : vector<10000x32xf32> to vector<32xf32>
    %broadcast_in_dim3A_47 = vector.shape_cast %reduce_sum3A_46 : vector<32xf32> to vector<1x32xf32>
    %div3A_48 = arith.constant 1.000000e+04 : f32
    %div3A_49 = vector.broadcast %div3A_48 : f32 to vector<1x32xf32>
    %div3A_50 = arith.divf %broadcast_in_dim3A_47, %div3A_49 : vector<1x32xf32>
    %mul3A_51 = arith.mulf %div3A_44, %div3A_44 : vector<1x32xf32>
    %sub3A = arith.subf %div3A_50, %mul3A_51 : vector<1x32xf32>
    %get3A_52 = arith.constant 0 : index
    %get3A_53 = arith.constant 0 : index
    %get3A_54 = vector.load %arg7[%get3A_52, %get3A_53] : memref<1x32xf32, #tpu.memory_space<vmem>>, vector<1x32xf32>
    %add3A_55 = arith.constant 9.99999974E-6 : f32
    %add3A_56 = vector.broadcast %add3A_55 : f32 to vector<1x32xf32>
    %add3A_57 = arith.addf %sub3A, %add3A_56 : vector<1x32xf32>
    %rsqrt3A = math.rsqrt %add3A_57 : vector<1x32xf32>
    %mul3A_58 = arith.mulf %get3A_54, %rsqrt3A : vector<1x32xf32>
    %get3A_59 = arith.constant 0 : index
    %get3A_60 = arith.constant 0 : index
    %get3A_61 = vector.load %arg8[%get3A_59, %get3A_60] : memref<1x32xf32, #tpu.memory_space<vmem>>, vector<1x32xf32>
    %mul3A_62 = arith.mulf %div3A_44, %mul3A_58 : vector<1x32xf32>
    %sub3A_63 = arith.subf %get3A_61, %mul3A_62 : vector<1x32xf32>
    %mul3A_64 = vector.broadcast %mul3A_58 : vector<1x32xf32> to vector<10000x32xf32>
    %mul3A_65 = arith.mulf %add3A_40, %mul3A_64 : vector<10000x32xf32>
    %add3A_66 = vector.broadcast %sub3A_63 : vector<1x32xf32> to vector<10000x32xf32>
    %add3A_67 = arith.addf %mul3A_65, %add3A_66 : vector<10000x32xf32>
    %gt3A = arith.constant 0.000000e+00 : f32
    %gt3A_68 = vector.broadcast %gt3A : f32 to vector<10000x32xf32>
    %gt3A_69 = arith.cmpf ogt, %add3A_67, %gt3A_68 : vector<10000x32xf32>
    %exp3A = math.exp %add3A_67 : vector<10000x32xf32>
    %sub3A_70 = arith.constant 1.000000e+00 : f32
    %sub3A_71 = vector.broadcast %sub3A_70 : f32 to vector<10000x32xf32>
    %sub3A_72 = arith.subf %exp3A, %sub3A_71 : vector<10000x32xf32>
    %select_n3A = arith.select %gt3A_69, %add3A_67, %sub3A_72 : vector<10000x32xi1>, vector<10000x32xf32>
    %get3A_73 = arith.constant 0 : index
    %get3A_74 = arith.constant 0 : index
    %get3A_75 = vector.load %arg9[%get3A_73, %get3A_74] : memref<32x128xf32, #tpu.memory_space<vmem>>, vector<32x128xf32>
    %dot_general3A_76 = arith.constant dense<0.000000e+00> : vector<10000x128xf32>
    %dot_general3A_77 = tpu.matmul %select_n3A, %get3A_75, %dot_general3A_76 {dimension_numbers = #tpu.dot_dimension_numbers<[1], [0], [0], [1], [0, 0, 1, 1], [], []>, transpose_lhs_hint = false} : vector<10000x32xf32>, vector<32x128xf32>, vector<10000x128xf32> -> vector<10000x128xf32>
    %get3A_78 = arith.constant 0 : index
    %get3A_79 = arith.constant 0 : index
    %get3A_80 = vector.load %arg10[%get3A_78, %get3A_79] : memref<1x128xf32, #tpu.memory_space<vmem>>, vector<1x128xf32>
    %add3A_81 = vector.broadcast %get3A_80 : vector<1x128xf32> to vector<10000x128xf32>
    %add3A_82 = arith.addf %dot_general3A_77, %add3A_81 : vector<10000x128xf32>
    %reduce_sum3A_83 = arith.constant dense<0.000000e+00> : vector<128xf32>
    %reduce_sum3A_84 = vector.multi_reduction <add>, %add3A_82, %reduce_sum3A_83 [0] : vector<10000x128xf32> to vector<128xf32>
    %broadcast_in_dim3A_85 = vector.shape_cast %reduce_sum3A_84 : vector<128xf32> to vector<1x128xf32>
    %div3A_86 = arith.constant 1.000000e+04 : f32
    %div3A_87 = vector.broadcast %div3A_86 : f32 to vector<1x128xf32>
    %div3A_88 = arith.divf %broadcast_in_dim3A_85, %div3A_87 : vector<1x128xf32>
    %mul3A_89 = arith.mulf %add3A_82, %add3A_82 : vector<10000x128xf32>
    %reduce_sum3A_90 = arith.constant dense<0.000000e+00> : vector<128xf32>
    %reduce_sum3A_91 = vector.multi_reduction <add>, %mul3A_89, %reduce_sum3A_90 [0] : vector<10000x128xf32> to vector<128xf32>
    %broadcast_in_dim3A_92 = vector.shape_cast %reduce_sum3A_91 : vector<128xf32> to vector<1x128xf32>
    %div3A_93 = arith.constant 1.000000e+04 : f32
    %div3A_94 = vector.broadcast %div3A_93 : f32 to vector<1x128xf32>
    %div3A_95 = arith.divf %broadcast_in_dim3A_92, %div3A_94 : vector<1x128xf32>
    %mul3A_96 = arith.mulf %div3A_88, %div3A_88 : vector<1x128xf32>
    %sub3A_97 = arith.subf %div3A_95, %mul3A_96 : vector<1x128xf32>
    %get3A_98 = arith.constant 0 : index
    %get3A_99 = arith.constant 0 : index
    %get3A_100 = vector.load %arg11[%get3A_98, %get3A_99] : memref<1x128xf32, #tpu.memory_space<vmem>>, vector<1x128xf32>
    %add3A_101 = arith.constant 9.99999974E-6 : f32
    %add3A_102 = vector.broadcast %add3A_101 : f32 to vector<1x128xf32>
    %add3A_103 = arith.addf %sub3A_97, %add3A_102 : vector<1x128xf32>
    %rsqrt3A_104 = math.rsqrt %add3A_103 : vector<1x128xf32>
    %mul3A_105 = arith.mulf %get3A_100, %rsqrt3A_104 : vector<1x128xf32>
    %get3A_106 = arith.constant 0 : index
    %get3A_107 = arith.constant 0 : index
    %get3A_108 = vector.load %arg12[%get3A_106, %get3A_107] : memref<1x128xf32, #tpu.memory_space<vmem>>, vector<1x128xf32>
    %mul3A_109 = arith.mulf %div3A_88, %mul3A_105 : vector<1x128xf32>
    %sub3A_110 = arith.subf %get3A_108, %mul3A_109 : vector<1x128xf32>
    %mul3A_111 = vector.broadcast %mul3A_105 : vector<1x128xf32> to vector<10000x128xf32>
    %mul3A_112 = arith.mulf %add3A_82, %mul3A_111 : vector<10000x128xf32>
    %add3A_113 = vector.broadcast %sub3A_110 : vector<1x128xf32> to vector<10000x128xf32>
    %add3A_114 = arith.addf %mul3A_112, %add3A_113 : vector<10000x128xf32>
    %get3A_115 = arith.constant 0 : index
    %get3A_116 = arith.constant 0 : index
    %get3A_117 = vector.load %arg0[%get3A_115, %get3A_116] : memref<10000x128xf32, #tpu.memory_space<vmem>>, vector<10000x128xf32>
    %add3A_118 = arith.addf %add3A_114, %get3A_117 : vector<10000x128xf32>
    %gt3A_119 = arith.constant 0.000000e+00 : f32
    %gt3A_120 = vector.broadcast %gt3A_119 : f32 to vector<10000x128xf32>
    %gt3A_121 = arith.cmpf ogt, %add3A_118, %gt3A_120 : vector<10000x128xf32>
    %exp3A_122 = math.exp %add3A_118 : vector<10000x128xf32>
    %sub3A_123 = arith.constant 1.000000e+00 : f32
    %sub3A_124 = vector.broadcast %sub3A_123 : f32 to vector<10000x128xf32>
    %sub3A_125 = arith.subf %exp3A_122, %sub3A_124 : vector<10000x128xf32>
    %select_n3A_126 = arith.select %gt3A_121, %add3A_118, %sub3A_125 : vector<10000x128xi1>, vector<10000x128xf32>
    %swap3A = arith.constant 0 : index
    %swap3A_127 = arith.constant 0 : index
    %swap3A_128 = vector.load %arg13[%swap3A, %swap3A_127] : memref<10000x128xf32, #tpu.memory_space<vmem>>, vector<10000x128xf32>
    tpu.vector_store %arg13[%swap3A, %swap3A_127], %select_n3A_126 {strides = array<i32>} : memref<10000x128xf32, #tpu.memory_space<vmem>>, vector<10000x128xf32>,
    return
  }
}

</mosaic_0001>

<sc_bundles>
// kernel: kernel.10.cloned.1.call-start
scs
__scs_entry_jumppad:
0x0: {  	(pc) =	sbr.rel $0x88, $3  }
0x1: {  	(tag) =	ssettag $0x0;
	lr =	simm.s32 $0x1  }
0x2: {  	[smem:$0x3F82] =	sst lr;
	_ =	strace $0xD0000000  }
0x3: {  	_ = 	snop  }
0x4: {  	_ = 	snop  }
0x5: {  	_ = 	snop  }
0x6: {  	_ = 	snop  }
0x7: {  	_ = 	snop  }
__scs_overlays_trampoline_lowered:
0x8: {  	[smem:$0x3F91] =	sst s0  }
0x9: {  	[smem:$0x3F92] =	sst s1  }
0xa: {  	[smem:$0x3F93] =	sst s2  }
0xb: {  	[smem:$0x3F94] =	sst s3  }
0xc: {  	[smem:$0x3F95] =	sst s4  }
0xd: {  	[smem:$0x3F96] =	sst s5  }
0xe: {  	[smem:$0x3F97] =	sst s6  }
0xf: {  	[smem:$0x3F98] =	sst s7  }
0x10: {  	[smem:$0x3F99] =	sst s8  }
0x11: {  	[smem:$0x3F9A] =	sst s9;
	s0 =	simm.s32 @!p0 $0x0  }
0x12: {  	s1 =	sld [smem:$0x3F80];
	s0 =	simm.s32 @p0 $0x1  }
0x13: {  	[smem:$0x3F9B] =	sst s0;
	s0 =	simm.s32 @!p1 $0x0  }
0x14: {  	s2 =	sld [smem:$0x3F7F];
	s0 =	simm.s32 @p1 $0x1  }
0x15: {  	[smem:$0x3F9C] =	sst s0;
	s0 =	simm.s32 @!p2 $0x0  }
0x16: {  	s3 =	sld [smem:$0x3FDB];
	s0 =	simm.s32 @p2 $0x1  }
0x17: {  	s4 =	simm.s32 $0x1BF5;
	[smem:$0x3F9E] =	sst s0  }
0x18: {  	s0 =	sld [smem:$0x3F81];
	_ =	swait.ge [sflag:s4], $0x0  }
0x19: {  	s7 =	sld [smem:$0x3F82]  }
0x1a: {  	s8 =	sadd.s32 $0xFFFFE003, lr  }
0x1b: {  	s9 =	sadd.s32 $0xFFFFFEF7, lr;
	s5 =	simm.s32 $0xFFFFFFFF;
	p2 =	slt.u32 s8, $0xFFFFF086  }
0x1c: {  	p1 =	slt.u32 s9, $0xF7A;
	s5 =	simm.s32 @!p2 $0x0  }
0x1d: {  	s5 =	simm.s32 @p1 $0x1;
	p0 =	seq.s32 s7, s2  }
0x1e: {  	s7 =	smul.u32 @!p0 $0xF7A, s2;
	p2 =	seq.s32 @!p0 s5, $0x0  }
0x1f: {  	s9 =	smul.u32 $0xF7A, s1;
	s8 =	simm.s32 @!p0 $0x1BF5;
	p2 =	por !p2, p0  }
0x20: {  	[sflag:s8] =	ssyncset.s32 @!p0 $0xFFFFF086;
	s6 =	sadd.s32 @!p0 s3, s7;
	s7 =	simm.s32 @!p0 $0x108  }
0x21: {  	s3 =	sadd.s32 s3, s9;
	s6 =	sadd.s32 @!p0 $0x88, s6;
	s7 =	simm.s32 @p2 $0x1082  }
0x22: {  	[simem:s7], [sflag:s8] =	dma.local @!p0 [hbm:s6], $0xF7A  }
0x23: {  	s9 =	sor.u32 $0xD0000000, s2;
	s6 =	simm.s32 $0x108;
	_ =	swait.ge @!p0 [sflag:s8], $0x0  }
0x24: {  	s3 =	sadd.s32 $0x88, s3;
	s6 =	simm.s32 @!p1 $0x1082;
	[sflag:s4] =	ssyncset.s32 $0xFFFFF086  }
0x25: {  	[simem:s6], [sflag:s4] =	dma.local [hbm:s3], $0xF7A  }
0x26: {  	[smem:$0x3F82] =	sst s1;
	(tag) =	ssettag s2;
	_ =	strace s9  }
0x27: {  	s1 =	sld [smem:$0x3F92]  }
0x28: {  	s2 =	sld [smem:$0x3F93]  }
0x29: {  	s4 =	sld [smem:$0x3F95]  }
0x2a: {  	p0 =	seq.s32 s5, $0x0;
	s5 =	sld [smem:$0x3F96]  }
0x2b: {  	s6 =	sld [smem:$0x3F97]  }
0x2c: {  	s7 =	sld [smem:$0x3F98]  }
0x2d: {  	s3 =	simm.s32 $0x108;
	s8 =	sld [smem:$0x3F99]  }
0x2e: {  	s3 =	simm.s32 @!p0 $0x1082;
	s9 =	sld [smem:$0x3F9A]  }
0x2f: {  	lr =	sadd.s32 s0, s3;
	s0 =	sld [smem:$0x3F91]  }
0x30: {  	s3 =	sld [smem:$0x3F94]  }
0x31: {  	[smem:$0x3F9D] =	sst s10  }
0x32: {  	s10 =	sld [smem:$0x3F9B];
	_ =	sdelay $0x3  }
0x33: {  	p0 =	seq.s32 s10, $0x1;
	s10 =	sld [smem:$0x3F9D];
	_ =	sdelay $0x3  }
0x34: {  	[smem:$0x3F9D] =	sst s10  }
0x35: {  	s10 =	sld [smem:$0x3F9C];
	_ =	sdelay $0x3  }
0x36: {  	p1 =	seq.s32 s10, $0x1;
	s10 =	sld [smem:$0x3F9D];
	_ =	sdelay $0x3  }
0x37: {  	[smem:$0x3F9D] =	sst s10  }
0x38: {  	s10 =	sld [smem:$0x3F9E]  }
0x39: {  	_ = 	snop;
	(pc) =	sbr.ind lr, $3  }
0x3a: {  	_ = 	snop  }
0x3b: {  	_ = 	snop  }
0x3c: {  	p2 =	seq.s32 s10, $0x1;
	s10 =	sld [smem:$0x3F9D]  }
0x3d: {  	_ =	shalt  }
0x3e: {  	_ =	shalt  }
0x3f: {  	_ =	shalt  }
0x40: {  	_ =	shalt  }
0x41: {  	_ =	shalt  }
0x42: {  	_ =	shalt  }
0x43: {  	_ =	shalt  }
0x44: {  	_ =	shalt  }
0x45: {  	_ =	shalt  }
0x46: {  	_ =	shalt  }
0x47: {  	_ =	shalt  }
0x48: {  	_ =	shalt  }
0x49: {  	_ =	shalt  }
0x4a: {  	_ =	shalt  }
0x4b: {  	_ =	shalt  }
0x4c: {  	_ =	shalt  }
0x4d: {  	_ =	shalt  }
0x4e: {  	_ =	shalt  }
0x4f: {  	_ =	shalt  }
0x50: {  	_ =	shalt  }
0x51: {  	_ =	shalt  }
0x52: {  	_ =	shalt  }
0x53: {  	_ =	shalt  }
0x54: {  	_ =	shalt  }
0x55: {  	_ =	shalt  }
0x56: {  	_ =	shalt  }
0x57: {  	_ =	shalt  }
0x58: {  	_ =	shalt  }
0x59: {  	_ =	shalt  }
0x5a: {  	_ =	shalt  }
0x5b: {  	_ =	shalt  }
0x5c: {  	_ =	shalt  }
0x5d: {  	_ =	shalt  }
0x5e: {  	_ =	shalt  }
0x5f: {  	_ =	shalt  }
0x60: {  	_ =	shalt  }
0x61: {  	_ =	shalt  }
0x62: {  	_ =	shalt  }
0x63: {  	_ =	shalt  }
0x64: {  	_ =	shalt  }
0x65: {  	_ =	shalt  }
0x66: {  	_ =	shalt  }
0x67: {  	_ =	shalt  }
0x68: {  	_ =	shalt  }
0x69: {  	_ =	shalt  }
0x6a: {  	_ =	shalt  }
0x6b: {  	_ =	shalt  }
0x6c: {  	_ =	shalt  }
0x6d: {  	_ =	shalt  }
0x6e: {  	_ =	shalt  }
0x6f: {  	_ =	shalt  }
0x70: {  	_ =	shalt  }
0x71: {  	_ =	shalt  }
0x72: {  	_ =	shalt  }
0x73: {  	_ =	shalt  }
0x74: {  	_ =	shalt  }
0x75: {  	_ =	shalt  }
0x76: {  	_ =	shalt  }
0x77: {  	_ =	shalt  }
0x78: {  	_ =	shalt  }
0x79: {  	_ =	shalt  }
0x7a: {  	_ =	shalt  }
0x7b: {  	_ =	shalt  }
0x7c: {  	_ =	shalt  }
0x7d: {  	_ =	shalt  }
0x7e: {  	_ =	shalt  }
0x7f: {  	_ =	shalt  }
0x80: {  	_ =	shalt  }
0x81: {  	_ =	shalt  }
0x82: {  	_ =	shalt  }
0x83: {  	_ =	shalt  }
0x84: {  	_ =	shalt  }
0x85: {  	_ =	shalt  }
0x86: {  	_ =	shalt  }
0x87: {  	_ =	shalt  }
.Lfunc_end0:
.L_simem_size_0:
called_computation_lowered:
.L_overlay_start_0:
0x88: {  	s2 =	sld [smem:$0x3FD9]  }
0x89: {  	s3 =	sld [smem:$0x3FFE];
	_ =	sdelay $0x1  }
0x8a: {  	s1 =	srdreg.scid  }
0x8b: {  	s0 =	sand.u32 $0x1, s1  }
0x8c: {  	s14 =	sshll.u32 s0, $0xA;
	s2 =	sadd.s32 s3, s2  }
0x8d: {  	s2 =	sadd.s32 s2, s14  }
0x8e: {  	[smem:$0x3FA9] =	sst s2  }
0x8f: {  	_ = 	snop  }
0x90: {  	s2 =	sld [smem:$0x3FD0];
	_ =	sdelay $0x2  }
0x91: {  	s15 =	simm.s32 $0xA;
	s4 =	simm.s32 $0x10  }
0x92: {  	[smem:s4], [sflag:s15] =	dma.local [hbm:s2], $0x1  }
0x93: {  	_ =	swait.eq [sflag:s15], $0x1  }
0x94: {  	[sflag:s15] =	ssyncset.done $0x0  }
0x95: {  	[sflag:s15] =	ssyncadd.s32 $0xFFFFFFFF  }
0x96: {  	s16 =	sld [smem:$0x11];
	(tm) =	ssettm $0x1  }
0x97: {  	s17 =	sld [smem:$0x3FFB];
	_ =	sdelay $0x3  }
0x98: {  	_ =	strace s17  }
0x99: {  	s3 =	sld [smem:$0x3FFC];
	_ =	sdelay $0x3  }
0x9a: {  	_ =	strace s3  }
0x9b: {  	s3 =	sld [smem:$0x3FFD];
	_ =	sdelay $0x3  }
0x9c: {  	_ =	strace s3  }
0x9d: {  	_ =	strace $0x8FFFFFFF  }
0x9e: {  	s18 =	sld [smem:$0x3FDB];
	_ =	sdelay $0x1  }
0x9f: {  	s19 =	simm.s32 $_scs_section_size  }
0xa0: {  	s5 =	simm.s32 $_size__tile_overlayer_lowered;
	s6 =	simm.s32 $_tile_overlayer_lowered  }
0xa1: {  	s22 =	simm.s32 $0x1BFF;
	s21 =	sshll.u32 s6, $0x1;
	s3 =	sadd.s32 s19, s18  }
0xa2: {  	s7 =	simm.s32 $0x0;
	s20 =	sshll.u32 s5, $0x1;
	s5 =	sadd.s32 s21, s3  }
0xa3: {  	[timem:s7], [sflag:s22] =	dma.local [hbm:s5], s20  }
0xa4: {  	_ =	swait.ge [sflag:s22], s20  }
0xa5: {  	s4 =	ssub.s32 $0x0, s20;
	[sflag:s22] =	ssyncset.done $0x0  }
0xa6: {  	[sflag:s22] =	ssyncadd.s32 s4;
	_ =	sdelay $0x1  }
0xa7: {  	s23 =	simm.s32 $0x1B8B  }
0xa8: {  	_ =	swait.ge [sflag:s23], $0x1  }
0xa9: {  	[sflag:s23] =	ssyncset.done $0x0  }
0xaa: {  	s25 =	simm.s32 $0x1B8E;
	s24 =	sld [smem:$0x3FFE];
	[sflag:s23] =	ssyncadd.s32 $0xFFFFFFFF  }
0xab: {  	s26 =	simm.s32 $execute0_lowered;
	[smem:$0x3FD2] =	sst s25  }
0xac: {  	s5 =	sshll.u32 s26, $0x1;
	_ =	strace $0x80000046;
	[dreg:$0x1] =	wrdreg $0xFFFFFFFF  }
0xad: {  	s28 =	simm.s32 $_size_execute0_lowered;
	s3 =	sadd.s32 s3, s5;
	[dreg:$0x0] =	wrdreg $0x0  }
0xae: {  	s5 =	sshll.u32 s28, $0x1;
	[dreg:$0x2] =	wrdreg s3  }
0xaf: {  	[dreg:$0x3] =	wrdreg s5  }
0xb0: {  	[dreg:$0x4] =	wrdreg $0xC0  }
0xb1: {  	_ =	task [dreg:s7], $0x5FFFF  }
0xb2: {  	[dreg:$0x1] =	wrdreg $0xFFFFFFFF  }
0xb3: {  	[dreg:$0x0] =	wrdreg $0x60  }
0xb4: {  	[dreg:$0x2] =	wrdreg s24  }
0xb5: {  	[dreg:$0x3] =	wrdreg s16  }
0xb6: {  	[dreg:$0x4] =	wrdreg $0x0  }
0xb7: {  	[dreg:$0x5] =	wrdreg $0x4E200  }
0xb8: {  	[dreg:$0x6] =	wrdreg $0x9  }
0xb9: {  	_ =	task.clear_ibuf [dreg:s7], $0x7FFFF;
	_ =	strace $0x90000046  }
0xba: {  	s29 =	simm.s32 $0x9;
	_ =	strace $0x80000048  }
0xbb: {  	_ =	swait.ge [sflag:s29], $0x1  }
0xbc: {  	[sflag:s29] =	ssyncadd.s32 $0xFFFFFFFF  }
0xbd: {  	_ =	strace $0x90000048  }
0xbe: {  	_ =	sfence  }
0xbf: {  	s30 =	sld [smem:$0x0];
	_ =	sdelay $0x2  }
0xc0: {  	s31 =	sshll.u32 s1, $0xD;
	s1 =	sshrl.u32 s1, $0x2  }
0xc1: {  	s3 =	sand.u32 $0x4000, s31;
	s1 =	sadd.s32 s1, s30  }
0xc2: {  	s0 =	sor.u32 s3, s0;
	s1 =	sshll.u32 s1, $0x11  }
0xc3: {  	s0 =	sor.u32 s1, s0  }
0xc4: {  	s0 =	sadd.s32 $0x8F2B, s0  }
0xc5: {  	[sflag:s0] =	ssyncadd.remote.s32 $0x1  }
0xc6: {  	_ =	sfence.sel $0xFFFF  }
0xc7: {  	[dreg:$0x0] =	wrdreg $0xFFFFFFFF;
	(pc) =	sbr.abs _section_cstart, $3  }
0xc8: {  	[dreg:$0x1] =	wrdreg $0xFFFFFFFF  }
0xc9: {  	_ =	task.clear_ibuf [dreg:s7], $0x2FFFF;
	_ =	strace $0x9FFFFFFF  }
0xca: {  	(tm) =	ssettm $0x7FFFFFFF  }
0xcb: {  	_ =	shalt  }
tec
execute0_lowered:
.L_overlay_start_1:
0x0: {  	(tag) =	ssettag $0x1  }
0x1: {  	s0 =	rddreg [dreg:$0x0]  }
0x2: {  	s5 =	rddreg [dreg:$0x1]  }
0x3: {  	s1 =	rddreg [dreg:$0x2]  }
0x4: {  	s2 =	rddreg [dreg:$0x3]  }
0x5: {  	s3 =	simm.s32 $0x0;
	s11 =	stileid.u32;
	s4 =	srdreg.scid  }
0x6: {  	s18 =	simm.s32 $0x9C40;
	s19 =	simm.s32 $0x9D40;
	s28 =	simm.s32 $0x7  }
0x7: {  	s29 =	simm.s32 $0x8;
	s31 =	simm.s32 $0x0;
	[smem:$0x7FF] =	sst s3  }
0x8: {  	s4 =	sand.u32 $0x1, s4;
	s6 =	sshll.u32 s11, $0x1;
	s7 =	sadd.s32 $0x19600, s0  }
0x9: {  	s12 =	smul.u32 $0x4E200, s11;
	s22 =	sadd.s32 $0x40800, s0;
	s13 =	sadd.s32 $0xF800, s0  }
0xa: {  	s14 =	sadd.s32 $0x5A00, s0;
	s8 =	smul.u32 $0x4E20, s11;
	p0 =	seq.s32 s11, $0x1  }
0xb: {  	s26 =	sshrl.u32 s2, $0x3;
	p1 =	sne.s32 s11, $0x0;
	_ =	strace $0x80000047  }
0xc: {  	[dreg:$0x5] =	wrdreg s7;
	s6 =	sor.u32 s4, s6;
	s15 =	smul.u32 $0x2710, s4  }
0xd: {  	[dreg:$0x6] =	wrdreg s22;
	s23 =	ssub.s32 $0x2, s4;
	s17 =	smul.u32 $0x27100, s4  }
0xe: {  	[dreg:$0x8] =	wrdreg s26;
	s22 =	simm.s32 $0x1;
	s26 =	simm.s32 $0x9  }
0xf: {  	s6 =	smul.u32 $0x2710, s6;
	s9 =	sshrl.u32 s23, $0x1;
	s0 =	sadd.s32 s12, s0  }
0x10: {  	s5 =	sadd.s32 s12, s5;
	s16 =	ssub.s32 s23, s9;
	s25 =	sadd.s32 s15, s8  }
0x11: {  	s0 =	sadd.s32 s17, s0;
	s23 =	simm.s32 $0x50;
	s10 =	sshrl.u32 s6, $0x3  }
.Ltmp0:
0x12: {  	s15 =	sadd.s32 $0xA0, s25;
	s0 =	sadd.s32 $0x67A00, s0;
	(pc) =	sbr.rel .LBB2_1-.Ltmp0, $4  }
0x13: {  	s6 =	sadd.s32 s13, s10;
	s7 =	sadd.s32 s14, s10;
	s24 =	sadd.s32 $0xA, s10  }
0x14: {  	s10 =	smax.u32 s16, $0x1;
	s15 =	sshrl.u32 s15, $0x3;
	s16 =	sadd.s32 s17, s5  }
0x15: {  	s17 =	simm.s32 $0xA;
	[dreg:$0x7] =	wrdreg s6;
	s8 =	sadd.s32 s13, s24  }
0x16: {  	s9 =	sadd.s32 s14, s24;
	s4 =	sadd.s32 s15, s14;
	s30 =	sadd.s32 s15, s13  }
.LBB2_12:
0x17: {  	_ =	swait.ge [sflag:s26], $0x2800  }
0x18: {  	[sflag:s26] =	ssyncset.done $0x0  }
0x19: {  	[sflag:s26] =	ssyncadd.s32 $0xFFFFD800  }
0x1a: {  	_ =	swait.ge [sflag:s26], $0x2800  }
0x1b: {  	[sflag:s26] =	ssyncset.done $0x0  }
0x1c: {  	[sflag:s26] =	ssyncadd.s32 $0xFFFFD800  }
0x1d: {  	_ =	swait.ge [sflag:s28], $0x2800  }
0x1e: {  	[sflag:s28] =	ssyncset.done $0x0  }
0x1f: {  	[sflag:s28] =	ssyncadd.s32 $0xFFFFD800  }
0x20: {  	_ =	swait.ge [sflag:s28], $0x2800  }
0x21: {  	[sflag:s28] =	ssyncset.done $0x0  }
0x22: {  	s31 =	sadd.s32 $0x1, s31;
	[sflag:s28] =	ssyncadd.s32 $0xFFFFD800  }
0x23: {  	p2 =	sne.s32 s31, s10;
	_ =	swait.ge [sflag:s29], $0x2800  }
.Ltmp1:
0x24: {  	[sflag:s29] =	ssyncset.done $0x0;
	(pc) =	sbr.rel @!p2 .LBB2_13-.Ltmp1, $4  }
0x25: {  	[sflag:s29] =	ssyncadd.s32 $0xFFFFD800  }
0x26: {  	_ =	swait.ge [sflag:s29], $0x2800  }
0x27: {  	[sflag:s29] =	ssyncset.done $0x0  }
0x28: {  	[sflag:s29] =	ssyncadd.s32 $0xFFFFD800  }
.LBB2_1:
.Ltmp2:
0x29: {  	(pc) =	sbr.rel @p0 .LBB2_4-.Ltmp2, $1  }
0x2a: {  	_ =	sdelay $0x3  }
.Ltmp3:
0x2b: {  	(pc) =	sbr.rel @p1 .LBB2_6-.Ltmp3, $1  }
0x2c: {  	_ =	sdelay $0x3  }
.Ltmp4:
0x2d: {  	(pc) =	sbr.rel .LBB2_5-.Ltmp4, $3  }
0x2e: {  	_ =	sdelay $0x1  }
0x2f: {  	s5 =	sshrl.u32 s1, $0x3;
	s6 =	rddreg [dreg:$0x5];
	s11 =	simm.s32 $0x1C0A  }
0x30: {  	[spmem:s5], [sflag:s11] =	dma.local [hbm:s6], $0x27100  }
.LBB2_4:
0x31: {  	s5 =	rddreg [dreg:$0x6]  }
0x32: {  	s6 =	rddreg [dreg:$0x8];
	s11 =	simm.s32 $0x1C4A  }
0x33: {  	[spmem:s6], [sflag:s11] =	dma.local [hbm:s5], $0x27100  }
.LBB2_5:
0x34: {  	_ =	swait.ge [sflag:s17], $0x27100  }
0x35: {  	[sflag:s17] =	ssyncset.done $0x0  }
0x36: {  	[sflag:s17] =	ssyncadd.s32 $0xFFFD8F00  }
.LBB2_6:
0x37: {  	[bflag:$0x0] =	sbarrier.arrive $0xFFFF  }
0x38: {  	s5 =	simm.s32 $0x0;
	s6 =	rddreg [dreg:$0x7]  }
0x39: {  	[tilespmem:s18], [sflag:$0x1] =	stream.linear.gather [hbm4b:s6+s5], $0x50, $0x38;
	[tilespmem:$0x18E40] =	vst v63  }
0x3a: {  	_ = 	snop  }
0x3b: {  	[tilespmem:s19], [sflag:$0x1] =	stream.linear.gather [hbm4b:s7+s5], $0x50, $0x38;
	[tilespmem:$0x18E40] =	vst v63  }
0x3c: {  	s20 =	simm.s32 $0x9C90  }
0x3d: {  	[tilespmem:s20], [sflag:$0x2] =	stream.linear.gather [hbm4b:s8+s5], $0x50, $0x38;
	[tilespmem:$0x18E40] =	vst v63  }
0x3e: {  	s21 =	simm.s32 $0x9D90  }
0x3f: {  	[tilespmem:s21], [sflag:$0x2] =	stream.linear.gather [hbm4b:s9+s5], $0x50, $0x38;
	[tilespmem:$0x18E40] =	vst v63  }
0x40: {  	_ =	swait.ge [sflag:s22], $0x50  }
0x41: {  	[sflag:s22] =	ssyncset.done $0x0  }
0x42: {  	[sflag:s22] =	ssyncadd.s32 $0xFFFFFFB0  }
0x43: {  	_ =	swait.ge [sflag:s22], $0x50  }
.Ltmp5:
0x44: {  	s24 =	simm.s32 $0x9E40;
	[sflag:s22] =	ssyncset.done $0x0;
	(pc) =	sbr.rel .LBB2_7-.Ltmp5, $4  }
0x45: {  	s25 =	simm.s32 $0x11640;
	s14 =	smov.u32 s0;
	[sflag:s22] =	ssyncadd.s32 $0xFFFFFFB0  }
0x46: {  	[tilespmem:s24], [sflag:$0x4] =	stream.indirect.gather [spmem:s1], $0x20, s18, s23, $0xb8;
	[tilespmem:$0x18E40] =	vst v63  }
0x47: {  	s13 =	smov.u32 s16;
	s12 =	smov.u32 s30;
	s11 =	smov.u32 s4  }
0x48: {  	[tilespmem:s25], [sflag:$0x4] =	stream.indirect.gather [spmem:s2], $0x20, s19, s23, $0xb8;
	[tilespmem:$0x18E40] =	vst v63  }
.LBB2_8:
0x49: {  	s20 =	sadd.s32 $0x2, s5  }
0x4a: {  	s21 =	smul.u32 $0xAB, s20;
	_ =	sdelay $0x1  }
0x4b: {  	s21 =	sshrl.u32 s21, $0x9  }
0x4c: {  	s21 =	sand.u32 $0x7F, s21  }
0x4d: {  	s21 =	smul.u32 $0x3, s21;
	_ =	sdelay $0x1  }
0x4e: {  	s20 =	ssub.s32 s20, s21  }
0x4f: {  	s20 =	sand.u32 $0xFF, s20  }
0x50: {  	s25 =	smul.u32 $0x50, s20;
	_ =	sdelay $0x1  }
0x51: {  	s20 =	sadd.s32 $0x1, s20;
	s24 =	sadd.s32 $0x9C40, s25  }
0x52: {  	[tilespmem:s24], [sflag:s20] =	stream.linear.gather [hbm4b:s12+s3], $0x50, $0x38;
	[tilespmem:$0x18E40] =	vst v63  }
0x53: {  	s21 =	sadd.s32 $0x9D40, s25  }
0x54: {  	[tilespmem:s21], [sflag:s20] =	stream.linear.gather [hbm4b:s11+s3], $0x50, $0x38;
	[tilespmem:$0x18E40] =	vst v63  }
.LBB2_10:
0x55: {  	s20 =	smul.u32 $0xAB, s15;
	_ =	sdelay $0x1  }
0x56: {  	s20 =	sshrl.u32 s20, $0x9  }
0x57: {  	s20 =	sand.u32 $0x7F, s20  }
0x58: {  	p2 =	slt.u32 s5, $0x2;
	s20 =	smul.u32 $0x3, s20  }
0x59: {  	s21 =	sadd.s32 @!p2 $0xFFFFFFFE, s5  }
0x5a: {  	s24 =	sand.u32 @!p2 $0xFF, s21;
	s20 =	ssub.s32 s15, s20  }
0x5b: {  	s24 =	smul.u32 @!p2 $0xAB, s24;
	s20 =	sand.u32 $0xFF, s20  }
0x5c: {  	s25 =	sadd.s32 $0x1, s20  }
0x5d: {  	s24 =	sshrl.u32 @!p2 s24, $0x9;
	_ =	swait.ge [sflag:s25], $0x50  }
0x5e: {  	s24 =	smul.u32 @!p2 $0x3, s24;
	[sflag:s25] =	ssyncset.done $0x0  }
0x5f: {  	[sflag:s25] =	ssyncadd.s32 $0xFFFFFFB0  }
0x60: {  	s21 =	ssub.s32 @!p2 s21, s24;
	_ =	swait.ge [sflag:s25], $0x50  }
0x61: {  	s21 =	sand.u32 @!p2 $0xFF, s21;
	[sflag:s25] =	ssyncset.done $0x0  }
0x62: {  	s21 =	sadd.s32 @!p2 $0x7, s21;
	[sflag:s25] =	ssyncadd.s32 $0xFFFFFFB0  }
0x63: {  	_ =	swait.ge @!p2 [sflag:s21], $0x2800  }
0x64: {  	[sflag:s21] =	ssyncset.done @!p2 $0x0  }
0x65: {  	s24 =	smul.u32 $0x50, s20;
	[sflag:s21] =	ssyncadd.s32 @!p2 $0xFFFFD800  }
0x66: {  	s25 =	smul.u32 $0x2800, s20;
	_ =	swait.ge @!p2 [sflag:s21], $0x2800  }
0x67: {  	s6 =	sadd.s32 $0x9C40, s24;
	[sflag:s21] =	ssyncset.done @!p2 $0x0  }
0x68: {  	s20 =	sadd.s32 $0x4, s20;
	[sflag:s21] =	ssyncadd.s32 @!p2 $0xFFFFD800;
	s21 =	sadd.s32 $0x9E40, s25  }
0x69: {  	[tilespmem:s21], [sflag:s20] =	stream.indirect.gather [spmem:s1], $0x20, s6, s23, $0xb8;
	[tilespmem:$0x18E40] =	vst v63  }
0x6a: {  	s24 =	sadd.s32 $0x9D40, s24;
	s25 =	sadd.s32 $0x11640, s25  }
0x6b: {  	[tilespmem:s25], [sflag:s20] =	stream.indirect.gather [spmem:s2], $0x20, s24, s23, $0xb8;
	[tilespmem:$0x18E40] =	vst v63  }
.LBB2_11:
0x6c: {  	s6 =	smul.u32 $0xAB, s5;
	_ =	sdelay $0x1  }
0x6d: {  	s6 =	sshrl.u32 s6, $0x9  }
0x6e: {  	s6 =	sand.u32 $0x7F, s6  }
0x6f: {  	s6 =	smul.u32 $0x3, s6;
	_ =	sdelay $0x1  }
0x70: {  	s20 =	ssub.s32 s5, s6  }
0x71: {  	s5 =	sand.u32 $0xFF, s20  }
0x72: {  	s21 =	sor.u32 $0x4, s5  }
0x73: {  	_ =	swait.ge [sflag:s21], $0xA00  }
0x74: {  	[sflag:s21] =	ssyncset.done $0x0  }
0x75: {  	[sflag:s21] =	ssyncadd.s32 $0xFFFFF600  }
0x76: {  	s20 =	smul.u32 $0x2800, s5;
	_ =	swait.ge [sflag:s21], $0xA00  }
0x77: {  	p2 =	sne.s32 s15, $0x7D;
	s5 =	sadd.s32 $0x7, s5;
	[sflag:s21] =	ssyncset.done $0x0  }
.Ltmp6:
0x78: {  	s24 =	sadd.s32 $0x9E40, s20;
	[sflag:s21] =	ssyncadd.s32 $0xFFFFF600;
	(pc) =	sbr.rel @!p2 .LBB2_12-.Ltmp6, $4  }
0x79: {  	[hbm4b:s13+s3] =	stream.linear.scatter [tilespmem:s24], [sflag:s5], $0x2800, $0x38;
	[tilespmem:$0x18E40] =	vst v63  }
0x7a: {  	s11 =	sadd.s32 $0xA, s11;
	s12 =	sadd.s32 $0xA, s12;
	s25 =	sadd.s32 $0x11640, s20  }
0x7b: {  	[hbm4b:s14+s3] =	stream.linear.scatter [tilespmem:s25], [sflag:s5], $0x2800, $0x38;
	[tilespmem:$0x18E40] =	vst v63  }
0x7c: {  	s13 =	sadd.s32 $0x500, s13;
	s14 =	sadd.s32 $0x500, s14;
	s5 =	smov.u32 s15  }
.LBB2_7:
0x7d: {  	p2 =	sgt.u32 s5, $0x7A  }
.Ltmp7:
0x7e: {  	_ = 	snop;
	(pc) =	sbr.rel @!p2 .LBB2_8-.Ltmp7, $2  }
0x7f: {  	_ =	sdelay $0x2  }
0x80: {  	s15 =	sadd.s32 $0x1, s5  }
0x81: {  	p2 =	seq.s32 s5, $0x7C  }
.Ltmp8:
0x82: {  	_ = 	snop;
	(pc) =	sbr.rel @p2 .LBB2_11-.Ltmp8, $4  }
.Ltmp9:
0x83: {  	_ = 	snop;
	(pc) =	sbr.rel @!p2 .LBB2_10-.Ltmp9, $4  }
0x84: {  	_ = 	snop  }
0x85: {  	_ = 	snop  }
0x86: {  	_ = 	snop  }
0x87: {  	_ = 	snop  }
.LBB2_13:
0x88: {  	_ =	sfence.sel $0x180000  }
0x89: {  	[bflag:$0x0] =	sbarrier.arrive $0xFFFF  }
0x8a: {  	_ =	strace $0x90000047  }
0x8b: {  	[bflag:$0x2] =	sbarrier.arrive $0xFFFF  }
0x8c: {  	s0 =	rddreg [dreg:$0x4]  }
0x8d: {  	s0 =	sadd.s32 @!p1 $0x100000, s0  }
0x8e: {  	[sflag:s0] =	ssyncadd.tile.s32 @!p1 $0x1;
	_ =	shalt  }
.Lfunc_end2:
_tile_overlayer_lowered:
.L_overlay_start_2:
0x8f: {  	(tag) =	ssettag $0x2  }
0x90: {  	s0 =	rddreg [dreg:$0x0];
	s2 =	stileid.u32  }
0x91: {  	s1 =	rddreg [dreg:$0x1];
	p0 =	sne.s32 s2, $0x0  }
0x92: {  	s3 =	rddreg [dreg:$0x2];
	[bflag:$0x3] =	sbarrier.arrive $0xFFFF;
	s2 =	simm.s32 @!p0 $0x1C0A  }
0x93: {  	[timem:s3], [sflag:s2] =	dma.local @!p0 [hbm:s0], s1  }
0x94: {  	s0 =	simm.s32 @!p0 $0xA  }
0x95: {  	_ =	swait.ge @!p0 [sflag:s0], s1  }
0x96: {  	s1 =	ssub.s32 @!p0 $0x0, s1;
	[sflag:s0] =	ssyncset.done @!p0 $0x0  }
0x97: {  	[sflag:s0] =	ssyncadd.s32 @!p0 s1  }
0x98: {  	[bflag:$0x3] =	sbarrier.arrive $0xFFFF  }
0x99: {  	_ =	shalt  }

// kernel: kernel.13.cloned.1.call-start
scs
__scs_entry_jumppad:
0x0: {  	(pc) =	sbr.rel $0x88, $3  }
0x1: {  	(tag) =	ssettag $0x0;
	lr =	simm.s32 $0x1  }
0x2: {  	[smem:$0x3F82] =	sst lr;
	_ =	strace $0xD0000000  }
0x3: {  	_ = 	snop  }
0x4: {  	_ = 	snop  }
0x5: {  	_ = 	snop  }
0x6: {  	_ = 	snop  }
0x7: {  	_ = 	snop  }
__scs_overlays_trampoline_lowered:
0x8: {  	[smem:$0x3F91] =	sst s0  }
0x9: {  	[smem:$0x3F92] =	sst s1  }
0xa: {  	[smem:$0x3F93] =	sst s2  }
0xb: {  	[smem:$0x3F94] =	sst s3  }
0xc: {  	[smem:$0x3F95] =	sst s4  }
0xd: {  	[smem:$0x3F96] =	sst s5  }
0xe: {  	[smem:$0x3F97] =	sst s6  }
0xf: {  	[smem:$0x3F98] =	sst s7  }
0x10: {  	[smem:$0x3F99] =	sst s8  }
0x11: {  	[smem:$0x3F9A] =	sst s9;
	s0 =	simm.s32 @!p0 $0x0  }
0x12: {  	s1 =	sld [smem:$0x3F80];
	s0 =	simm.s32 @p0 $0x1  }
0x13: {  	[smem:$0x3F9B] =	sst s0;
	s0 =	simm.s32 @!p1 $0x0  }
0x14: {  	s2 =	sld [smem:$0x3F7F];
	s0 =	simm.s32 @p1 $0x1  }
0x15: {  	[smem:$0x3F9C] =	sst s0;
	s0 =	simm.s32 @!p2 $0x0  }
0x16: {  	s3 =	sld [smem:$0x3FDB];
	s0 =	simm.s32 @p2 $0x1  }
0x17: {  	s4 =	simm.s32 $0x1BF5;
	[smem:$0x3F9E] =	sst s0  }
0x18: {  	s0 =	sld [smem:$0x3F81];
	_ =	swait.ge [sflag:s4], $0x0  }
0x19: {  	s7 =	sld [smem:$0x3F82]  }
0x1a: {  	s8 =	sadd.s32 $0xFFFFE003, lr  }
0x1b: {  	s9 =	sadd.s32 $0xFFFFFEF7, lr;
	s5 =	simm.s32 $0xFFFFFFFF;
	p2 =	slt.u32 s8, $0xFFFFF086  }
0x1c: {  	p1 =	slt.u32 s9, $0xF7A;
	s5 =	simm.s32 @!p2 $0x0  }
0x1d: {  	s5 =	simm.s32 @p1 $0x1;
	p0 =	seq.s32 s7, s2  }
0x1e: {  	s7 =	smul.u32 @!p0 $0xF7A, s2;
	p2 =	seq.s32 @!p0 s5, $0x0  }
0x1f: {  	s9 =	smul.u32 $0xF7A, s1;
	s8 =	simm.s32 @!p0 $0x1BF5;
	p2 =	por !p2, p0  }
0x20: {  	[sflag:s8] =	ssyncset.s32 @!p0 $0xFFFFF086;
	s6 =	sadd.s32 @!p0 s3, s7;
	s7 =	simm.s32 @!p0 $0x108  }
0x21: {  	s3 =	sadd.s32 s3, s9;
	s6 =	sadd.s32 @!p0 $0x88, s6;
	s7 =	simm.s32 @p2 $0x1082  }
0x22: {  	[simem:s7], [sflag:s8] =	dma.local @!p0 [hbm:s6], $0xF7A  }
0x23: {  	s9 =	sor.u32 $0xD0000000, s2;
	s6 =	simm.s32 $0x108;
	_ =	swait.ge @!p0 [sflag:s8], $0x0  }
0x24: {  	s3 =	sadd.s32 $0x88, s3;
	s6 =	simm.s32 @!p1 $0x1082;
	[sflag:s4] =	ssyncset.s32 $0xFFFFF086  }
0x25: {  	[simem:s6], [sflag:s4] =	dma.local [hbm:s3], $0xF7A  }
0x26: {  	[smem:$0x3F82] =	sst s1;
	(tag) =	ssettag s2;
	_ =	strace s9  }
0x27: {  	s1 =	sld [smem:$0x3F92]  }
0x28: {  	s2 =	sld [smem:$0x3F93]  }
0x29: {  	s4 =	sld [smem:$0x3F95]  }
0x2a: {  	p0 =	seq.s32 s5, $0x0;
	s5 =	sld [smem:$0x3F96]  }
0x2b: {  	s6 =	sld [smem:$0x3F97]  }
0x2c: {  	s7 =	sld [smem:$0x3F98]  }
0x2d: {  	s3 =	simm.s32 $0x108;
	s8 =	sld [smem:$0x3F99]  }
0x2e: {  	s3 =	simm.s32 @!p0 $0x1082;
	s9 =	sld [smem:$0x3F9A]  }
0x2f: {  	lr =	sadd.s32 s0, s3;
	s0 =	sld [smem:$0x3F91]  }
0x30: {  	s3 =	sld [smem:$0x3F94]  }
0x31: {  	[smem:$0x3F9D] =	sst s10  }
0x32: {  	s10 =	sld [smem:$0x3F9B];
	_ =	sdelay $0x3  }
0x33: {  	p0 =	seq.s32 s10, $0x1;
	s10 =	sld [smem:$0x3F9D];
	_ =	sdelay $0x3  }
0x34: {  	[smem:$0x3F9D] =	sst s10  }
0x35: {  	s10 =	sld [smem:$0x3F9C];
	_ =	sdelay $0x3  }
0x36: {  	p1 =	seq.s32 s10, $0x1;
	s10 =	sld [smem:$0x3F9D];
	_ =	sdelay $0x3  }
0x37: {  	[smem:$0x3F9D] =	sst s10  }
0x38: {  	s10 =	sld [smem:$0x3F9E]  }
0x39: {  	_ = 	snop;
	(pc) =	sbr.ind lr, $3  }
0x3a: {  	_ = 	snop  }
0x3b: {  	_ = 	snop  }
0x3c: {  	p2 =	seq.s32 s10, $0x1;
	s10 =	sld [smem:$0x3F9D]  }
0x3d: {  	_ =	shalt  }
0x3e: {  	_ =	shalt  }
0x3f: {  	_ =	shalt  }
0x40: {  	_ =	shalt  }
0x41: {  	_ =	shalt  }
0x42: {  	_ =	shalt  }
0x43: {  	_ =	shalt  }
0x44: {  	_ =	shalt  }
0x45: {  	_ =	shalt  }
0x46: {  	_ =	shalt  }
0x47: {  	_ =	shalt  }
0x48: {  	_ =	shalt  }
0x49: {  	_ =	shalt  }
0x4a: {  	_ =	shalt  }
0x4b: {  	_ =	shalt  }
0x4c: {  	_ =	shalt  }
0x4d: {  	_ =	shalt  }
0x4e: {  	_ =	shalt  }
0x4f: {  	_ =	shalt  }
0x50: {  	_ =	shalt  }
0x51: {  	_ =	shalt  }
0x52: {  	_ =	shalt  }
0x53: {  	_ =	shalt  }
0x54: {  	_ =	shalt  }
0x55: {  	_ =	shalt  }
0x56: {  	_ =	shalt  }
0x57: {  	_ =	shalt  }
0x58: {  	_ =	shalt  }
0x59: {  	_ =	shalt  }
0x5a: {  	_ =	shalt  }
0x5b: {  	_ =	shalt  }
0x5c: {  	_ =	shalt  }
0x5d: {  	_ =	shalt  }
0x5e: {  	_ =	shalt  }
0x5f: {  	_ =	shalt  }
0x60: {  	_ =	shalt  }
0x61: {  	_ =	shalt  }
0x62: {  	_ =	shalt  }
0x63: {  	_ =	shalt  }
0x64: {  	_ =	shalt  }
0x65: {  	_ =	shalt  }
0x66: {  	_ =	shalt  }
0x67: {  	_ =	shalt  }
0x68: {  	_ =	shalt  }
0x69: {  	_ =	shalt  }
0x6a: {  	_ =	shalt  }
0x6b: {  	_ =	shalt  }
0x6c: {  	_ =	shalt  }
0x6d: {  	_ =	shalt  }
0x6e: {  	_ =	shalt  }
0x6f: {  	_ =	shalt  }
0x70: {  	_ =	shalt  }
0x71: {  	_ =	shalt  }
0x72: {  	_ =	shalt  }
0x73: {  	_ =	shalt  }
0x74: {  	_ =	shalt  }
0x75: {  	_ =	shalt  }
0x76: {  	_ =	shalt  }
0x77: {  	_ =	shalt  }
0x78: {  	_ =	shalt  }
0x79: {  	_ =	shalt  }
0x7a: {  	_ =	shalt  }
0x7b: {  	_ =	shalt  }
0x7c: {  	_ =	shalt  }
0x7d: {  	_ =	shalt  }
0x7e: {  	_ =	shalt  }
0x7f: {  	_ =	shalt  }
0x80: {  	_ =	shalt  }
0x81: {  	_ =	shalt  }
0x82: {  	_ =	shalt  }
0x83: {  	_ =	shalt  }
0x84: {  	_ =	shalt  }
0x85: {  	_ =	shalt  }
0x86: {  	_ =	shalt  }
0x87: {  	_ =	shalt  }
.Lfunc_end0:
.L_simem_size_0:
called_computation.1_lowered:
.L_overlay_start_0:
0x88: {  	s2 =	sld [smem:$0x3FD9]  }
0x89: {  	s3 =	sld [smem:$0x3FFE];
	_ =	sdelay $0x1  }
0x8a: {  	s1 =	srdreg.scid  }
0x8b: {  	s0 =	sand.u32 $0x1, s1  }
0x8c: {  	s16 =	sshll.u32 s0, $0xA;
	s2 =	sadd.s32 s3, s2  }
0x8d: {  	s2 =	sadd.s32 s2, s16  }
0x8e: {  	[smem:$0x3FA9] =	sst s2  }
0x8f: {  	_ = 	snop  }
0x90: {  	(tm) =	ssettm $0x1  }
0x91: {  	s17 =	sld [smem:$0x3FFB];
	_ =	sdelay $0x3  }
0x92: {  	_ =	strace s17  }
0x93: {  	s2 =	sld [smem:$0x3FFC];
	_ =	sdelay $0x3  }
0x94: {  	_ =	strace s2  }
0x95: {  	s2 =	sld [smem:$0x3FFD];
	_ =	sdelay $0x3  }
0x96: {  	_ =	strace s2  }
0x97: {  	_ =	strace $0x8FFFFFFF  }
0x98: {  	s18 =	sld [smem:$0x3FDB];
	_ =	sdelay $0x1  }
0x99: {  	s19 =	simm.s32 $_scs_section_size  }
0x9a: {  	s4 =	simm.s32 $_size__tile_overlayer_lowered;
	s5 =	simm.s32 $_tile_overlayer_lowered  }
0x9b: {  	s22 =	simm.s32 $0x1BFF;
	s21 =	sshll.u32 s5, $0x1;
	s2 =	sadd.s32 s19, s18  }
0x9c: {  	s6 =	simm.s32 $0x0;
	s20 =	sshll.u32 s4, $0x1;
	s4 =	sadd.s32 s21, s2  }
0x9d: {  	[timem:s6], [sflag:s22] =	dma.local [hbm:s4], s20  }
0x9e: {  	_ =	swait.ge [sflag:s22], s20  }
0x9f: {  	s3 =	ssub.s32 $0x0, s20;
	[sflag:s22] =	ssyncset.done $0x0  }
0xa0: {  	[sflag:s22] =	ssyncadd.s32 s3;
	_ =	sdelay $0x1  }
0xa1: {  	s23 =	simm.s32 $0x1B8B  }
0xa2: {  	_ =	swait.ge [sflag:s23], $0x1  }
0xa3: {  	[sflag:s23] =	ssyncset.done $0x0  }
0xa4: {  	s25 =	simm.s32 $0x1B8E;
	s24 =	sld [smem:$0x3FFE];
	[sflag:s23] =	ssyncadd.s32 $0xFFFFFFFF  }
0xa5: {  	s26 =	simm.s32 $execute0_lowered;
	[smem:$0x3FD2] =	sst s25  }
0xa6: {  	s4 =	sshll.u32 s26, $0x1;
	_ =	strace $0x80000049;
	[dreg:$0x1] =	wrdreg $0xFFFFFFFF  }
0xa7: {  	s28 =	simm.s32 $_size_execute0_lowered;
	s2 =	sadd.s32 s2, s4;
	[dreg:$0x0] =	wrdreg $0x0  }
0xa8: {  	s4 =	sshll.u32 s28, $0x1;
	[dreg:$0x2] =	wrdreg s2  }
0xa9: {  	[dreg:$0x3] =	wrdreg s4  }
0xaa: {  	[dreg:$0x4] =	wrdreg $0xC0  }
0xab: {  	_ =	task [dreg:s6], $0x5FFFF  }
0xac: {  	[dreg:$0x1] =	wrdreg $0xFFFFFFFF  }
0xad: {  	[dreg:$0x0] =	wrdreg $0x60  }
0xae: {  	[dreg:$0x2] =	wrdreg s24  }
0xaf: {  	[dreg:$0x3] =	wrdreg $0x0  }
0xb0: {  	[dreg:$0x4] =	wrdreg $0x4E200  }
0xb1: {  	[dreg:$0x5] =	wrdreg $0x9  }
0xb2: {  	_ =	task.clear_ibuf [dreg:s6], $0x6FFFF;
	_ =	strace $0x90000049  }
0xb3: {  	s29 =	simm.s32 $0x9;
	_ =	strace $0x8000004B  }
0xb4: {  	_ =	swait.ge [sflag:s29], $0x1  }
0xb5: {  	[sflag:s29] =	ssyncadd.s32 $0xFFFFFFFF  }
0xb6: {  	_ =	strace $0x9000004B  }
0xb7: {  	_ =	sfence  }
0xb8: {  	s30 =	sld [smem:$0x0];
	_ =	sdelay $0x2  }
0xb9: {  	s31 =	sshll.u32 s1, $0xD;
	s1 =	sshrl.u32 s1, $0x2  }
0xba: {  	s3 =	sand.u32 $0x4000, s31;
	s1 =	sadd.s32 s1, s30  }
0xbb: {  	s0 =	sor.u32 s3, s0;
	s1 =	sshll.u32 s1, $0x11  }
0xbc: {  	s0 =	sor.u32 s1, s0  }
0xbd: {  	s0 =	sadd.s32 $0x8F2B, s0  }
0xbe: {  	[sflag:s0] =	ssyncadd.remote.s32 $0x1  }
0xbf: {  	_ =	sfence.sel $0xFFFF  }
0xc0: {  	[dreg:$0x0] =	wrdreg $0xFFFFFFFF;
	(pc) =	sbr.abs _section_cstart, $3  }
0xc1: {  	[dreg:$0x1] =	wrdreg $0xFFFFFFFF  }
0xc2: {  	_ =	task.clear_ibuf [dreg:s6], $0x2FFFF;
	_ =	strace $0x9FFFFFFF  }
0xc3: {  	(tm) =	ssettm $0x7FFFFFFF  }
tec
execute0_lowered:
.L_overlay_start_1:
0x0: {  	(tag) =	ssettag $0x1  }
0x1: {  	s0 =	rddreg [dreg:$0x0]  }
0x2: {  	s2 =	rddreg [dreg:$0x1]  }
0x3: {  	s3 =	rddreg [dreg:$0x2];
	s1 =	srdreg.scid  }
0x4: {  	s17 =	stileid.u32;
	s4 =	simm.s32 $0x0;
	s31 =	simm.s32 $0x50  }
0x5: {  	s28 =	simm.s32 $0x5;
	s29 =	simm.s32 $0x0;
	[smem:$0x7FF] =	sst s4  }
0x6: {  	s1 =	sand.u32 $0x1, s1;
	s8 =	sadd.s32 $0x4E7A00, s0;
	s19 =	sadd.s32 $0x4E7C00, s0  }
0x7: {  	s5 =	sshll.u32 s17, $0x1;
	s9 =	sadd.s32 $0x4EAA00, s0;
	s12 =	sadd.s32 $0x4ED200, s0  }
0x8: {  	s13 =	smul.u32 $0x13800, s17;
	s20 =	sshll.u32 s17, $0x6;
	s15 =	sadd.s32 $0x138000, s2  }
0x9: {  	s22 =	sadd.s32 $0x138000, s3;
	_ =	strace $0x8000004A;
	[dreg:$0x4] =	wrdreg s8  }
0xa: {  	p0 =	sne.s32 s17, $0xF;
	s6 =	sor.u32 s1, s5;
	[dreg:$0x5] =	wrdreg s19  }
0xb: {  	s5 =	sadd.s32 $0x5A00, s0;
	s8 =	sadd.s32 $0x4E8200, s0;
	[dreg:$0x7] =	wrdreg s15  }
0xc: {  	s10 =	ssub.s32 $0x2, s1;
	[dreg:$0x8] =	wrdreg s22;
	s1 =	smul.u32 $0x138800, s1  }
0xd: {  	s7 =	sshll.u32 s6, $0xB;
	s11 =	sshrl.u32 s10, $0x1;
	s21 =	smul.u32 $0x27100, s6  }
0xe: {  	s14 =	sadd.s32 s13, s2;
	s23 =	smul.u32 $0x138800, s6;
	s16 =	sadd.s32 s13, s3  }
0xf: {  	s7 =	sadd.s32 s7, s0;
	s0 =	sadd.s32 $0x7CAA00, s0;
	[dreg:$0x6] =	wrdreg s14  }
0x10: {  	s10 =	ssub.s32 s10, s11;
	s11 =	sor.u32 $0x1C09, s20;
	[dreg:$0x9] =	wrdreg s16  }
0x11: {  	s16 =	smul.u32 $0x2710, s6;
	s26 =	sadd.s32 s13, s1;
	s1 =	sshrl.u32 s1, $0x3  }
0x12: {  	s7 =	sadd.s32 $0x549A00, s7;
	s24 =	sadd.s32 s5, s21;
	s25 =	sshrl.u32 s23, $0x3  }
0x13: {  	s30 =	sshrl.u32 s26, $0x3;
	s1 =	sadd.s32 $0x27000, s1;
	[dreg:$0xa] =	wrdreg s7  }
0x14: {  	s23 =	smax.u32 s10, $0x1;
	s26 =	simm.s32 $0x8;
	[dreg:$0xb] =	wrdreg s24  }
0x15: {  	s6 =	sadd.s32 s5, s25;
	s7 =	sadd.s32 s12, s30;
	s20 =	sadd.s32 s0, s30  }
0x16: {  	s21 =	sadd.s32 s12, s1;
	s22 =	sadd.s32 s0, s1;
	s24 =	simm.s32 $0x9  }
0x17: {  	s25 =	simm.s32 $0x141A8;
	s6 =	sadd.s32 $0x500, s6;
	[dreg:$0xd] =	wrdreg s7  }
0x18: {  	s0 =	simm.s32 $0x6;
	s1 =	simm.s32 $0x7;
	[dreg:$0xc] =	wrdreg s6  }
.LBB2_1:
0x19: {  	s6 =	rddreg [dreg:$0x6]  }
0x1a: {  	s30 =	sshrl.u32 s6, $0x3  }
0x1b: {  	[spmem:s30], [sflag:s11] =	dma.local [hbm:s8], $0x2700  }
0x1c: {  	_ =	swait.ge [sflag:s24], $0x2700  }
0x1d: {  	[sflag:s24] =	ssyncset.done $0x0;
	s17 =	rddreg [dreg:$0x9]  }
0x1e: {  	[sflag:s24] =	ssyncadd.s32 $0xFFFFD900;
	s6 =	sshrl.u32 s17, $0x3  }
0x1f: {  	[spmem:s6], [sflag:s11] =	dma.local [hbm:s9], $0x2700  }
0x20: {  	_ =	swait.ge [sflag:s24], $0x2700  }
0x21: {  	[sflag:s24] =	ssyncset.done $0x0;
	s7 =	rddreg [dreg:$0x7]  }
0x22: {  	s12 =	simm.s32 @!p0 $0x9;
	[sflag:s24] =	ssyncadd.s32 $0xFFFFD900;
	s7 =	sshrl.u32 @!p0 s7, $0x3  }
0x23: {  	[spmem:s7], [sflag:s11] =	dma.local @!p0 [hbm:s8], $0x100  }
0x24: {  	_ =	swait.ge @!p0 [sflag:s12], $0x100  }
0x25: {  	[sflag:s12] =	ssyncset.done @!p0 $0x0;
	s10 =	rddreg [dreg:$0x8]  }
0x26: {  	[sflag:s12] =	ssyncadd.s32 @!p0 $0xFFFFFF00;
	s10 =	sshrl.u32 @!p0 s10, $0x3  }
0x27: {  	[spmem:s10], [sflag:s11] =	dma.local @!p0 [hbm:s9], $0x100  }
0x28: {  	_ =	swait.ge @!p0 [sflag:s12], $0x100  }
0x29: {  	[sflag:s12] =	ssyncset.done @!p0 $0x0  }
0x2a: {  	s18 =	rddreg [dreg:$0x5];
	[sflag:s12] =	ssyncadd.s32 @!p0 $0xFFFFFF00  }
0x2b: {  	[tilespmem:s25], [sflag:$0x9] =	stream.linear.gather [hbm4b:s18+s4], $0x2800, $0x38;
	[tilespmem:$0x16BA8] =	vst v63  }
0x2c: {  	_ =	swait.ge [sflag:s24], $0x2800  }
0x2d: {  	[sflag:s24] =	ssyncset.done $0x0  }
0x2e: {  	s13 =	simm.s32 $0x169A8;
	s19 =	rddreg [dreg:$0x4];
	[sflag:s24] =	ssyncadd.s32 $0xFFFFD800  }
0x2f: {  	[tilespmem:s13], [sflag:$0x9] =	stream.linear.gather [hbm4b:s19+s4], $0x200, $0x38;
	[tilespmem:$0x16BA8] =	vst v63  }
0x30: {  	_ =	swait.ge [sflag:s24], $0x200  }
0x31: {  	[sflag:s24] =	ssyncset.done $0x0  }
0x32: {  	s14 =	simm.s32 $0x61A8;
	s13 =	rddreg [dreg:$0xa];
	[sflag:s24] =	ssyncadd.s32 $0xFFFFFE00  }
0x33: {  	[tilespmem:s14], [sflag:$0x9] =	stream.linear.gather [hbm4b:s13+s4], $0x3E80, $0x38;
	[tilespmem:$0x16BA8] =	vst v63  }
0x34: {  	_ =	swait.ge [sflag:s24], $0x3E80  }
0x35: {  	[sflag:s24] =	ssyncset.done $0x0  }
0x36: {  	[sflag:s24] =	ssyncadd.s32 $0xFFFFC180  }
0x37: {  	[bflag:$0x0] =	sbarrier.arrive $0xFFFF  }
0x38: {  	v0 =	vld [tilespmem:$0x169A8]  }
0x39: {  	v1 =	vld [tilespmem:$0x16A28]  }
0x3a: {  	s17 =	simm.s32 $0xA1A8;
	s12 =	simm.s32 $0x0;
	v2 =	vld [tilespmem:$0x16AA8];
	s15 =	rddreg [dreg:$0xb]  }
0x3b: {  	v3 =	vld [tilespmem:$0x16B28];
	[tilespmem:s17], [sflag:$0x1] =	stream.linear.gather [hbm4b:s15+s4], $0x2800, $0x38  }
0x3c: {  	s19 =	simm.s32 $0xC9A8;
	s13 =	simm.s32 $0x0;
	s18 =	rddreg [dreg:$0xc]  }
0x3d: {  	[tilespmem:s19], [sflag:$0x2] =	stream.linear.gather [hbm4b:s18+s4], $0x2800, $0x38;
	[tilespmem:$0x16BA8] =	vst v63  }
.LBB2_2:
0x3e: {  	p1 =	sgt.u32 s13, $0x7A  }
0x3f: {  	p2 =	slt.u32 @!p1 s13, $0x2  }
0x40: {  	p2 =	por p2, p1  }
0x41: {  	s14 =	sand.u32 @!p2 $0x3, s13  }
0x42: {  	s15 =	sand.u32 $0x3, s12;
	s14 =	sxor.u32 @!p2 $0x2, s14  }
0x43: {  	s17 =	sadd.s32 $0x2, s13;
	s15 =	smul.u32 $0xA000, s15;
	s14 =	sadd.s32 @!p2 $0x5, s14  }
0x44: {  	s18 =	sand.u32 @!p1 $0x3, s17;
	s17 =	smul.u32 @!p1 $0x50, s17;
	_ =	swait.ge @!p2 [sflag:s14], $0xA00  }
0x45: {  	s19 =	smul.u32 @!p1 $0xA000, s18;
	s18 =	sadd.s32 @!p1 $0x1, s18;
	[sflag:s14] =	ssyncset.done @!p2 $0x0  }
0x46: {  	s15 =	sshrl.u32 s15, $0x2;
	s17 =	sadd.s32 @!p1 s16, s17;
	[sflag:s14] =	ssyncadd.s32 @!p2 $0xFFFFF600  }
0x47: {  	s15 =	sadd.s32 $0xA3A8, s15;
	s17 =	sshll.u32 @!p1 s17, $0x4;
	_ =	swait.ge @!p2 [sflag:s14], $0x280  }
0x48: {  	s19 =	sshrl.u32 @!p1 s19, $0x2;
	s17 =	sadd.s32 @!p1 s5, s17;
	[sflag:s14] =	ssyncset.done @!p2 $0x0  }
0x49: {  	[sflag:s14] =	ssyncadd.s32 @!p2 $0xFFFFFD80;
	s14 =	sadd.s32 @!p1 $0xA1A8, s19;
	s19 =	simm.s32 @!p1 $0x0  }
0x4a: {  	[tilespmem:s14], [sflag:s18] =	stream.linear.gather @!p1 [hbm4b:s17+s19], $0x2800, $0x38;
	[tilespmem:$0x16BA8] =	vst v63  }
0x4b: {  	v4 =	vmov s15;
	s14 =	sand.u32 $0x3, s13  }
0x4c: {  	s18 =	sadd.s32 $0x1, s14  }
0x4d: {  	_ =	swait.ge [sflag:s18], $0x2800  }
0x4e: {  	[sflag:s18] =	ssyncset.done $0x0  }
0x4f: {  	s15 =	simm.s32 $0x0;
	[sflag:s18] =	ssyncadd.s32 $0xFFFFD800  }
0x50: {  	v5 =	vld.idx.msk [tilespmem:v4+s15+$0x10 ss:$0x1], $0xffff  }
0x51: {  	v6 =	vld.idx.msk [tilespmem:v4+s15+$0x190 ss:$0x1], $0xffff  }
0x52: {  	v7 =	vld.idx.msk [tilespmem:v4+s15+$0x110 ss:$0x1], $0xffff  }
0x53: {  	v8 =	vld.idx.msk [tilespmem:v4+s15+$0x100 ss:$0x1], $0xffff  }
0x54: {  	v9 =	vld.idx.msk [tilespmem:v4+s15+$0x180 ss:$0x1], $0xffff  }
0x55: {  	v13 =	vld.idx.msk [tilespmem:v4+s15+$0x90 ss:$0x1], $0xffff  }
0x56: {  	v16 =	vld.idx.msk [tilespmem:v4+s15+$0xFFFFFF10 ss:$0x1], $0xffff  }
0x57: {  	v10 =	vld.idx.msk [tilespmem:v4+s15+$0x0 ss:$0x1], $0xffff  }
0x58: {  	v12 =	vld.idx.msk [tilespmem:v4+s15+$0xFFFFFF80 ss:$0x1], $0xffff  }
0x59: {  	v5 =	vmul.f32 v5, v1;
	v7 =	vmul.f32 v7, v1  }
0x5a: {  	v11 =	vld.idx.msk [tilespmem:v4+s15+$0x80 ss:$0x1], $0xffff;
	v8 =	vmul.f32 v8, v0;
	v6 =	vmul.f32 v6, v1  }
0x5b: {  	v13 =	vmul.f32 v13, v1;
	v16 =	vmul.f32 v16, v1  }
0x5c: {  	v5 =	vadd.f32 v5, v3;
	v14 =	vadd.f32 v7, v3;
	v7 =	vmul.f32 v9, v0  }
0x5d: {  	v15 =	vadd.f32 v8, v2;
	v8 =	vmul.f32 v10, v0;
	v10 =	vmul.f32 v12, v0  }
0x5e: {  	v17 =	vadd.f32 v6, v3;
	v12 =	vld.idx.msk [tilespmem:v4+s15+$0xFFFFFF00 ss:$0x1], $0xffff;
	v6 =	vmul.f32 $1.442695020e+00, v5;
	v9 =	vmul.f32 $1.442695020e+00, v14  }
0x5f: {  	v18 =	vld.idx.msk [tilespmem:v4+s15+$0xFFFFFE90 ss:$0x1], $0xffff;
	v19 =	vadd.f32 v7, v2;
	v22 =	vadd.f32 v8, v2;
	v7 =	vmul.f32 v11, v0  }
0x60: {  	v8 =	vld.idx.msk [tilespmem:v4+s15+$0xFFFFFF90 ss:$0x1], $0xffff;
	vm0 =	vgt.f32 v5, $0.0e+00;
	v11 =	vmul.f32 $1.442695020e+00, v15;
	(erf) = vpow2.f32 v9  }
0x61: {  	v10 =	vadd.f32 v10, v2;
	v9 =	vmul.f32 $1.442695020e+00, v19;
	v20 =	vmul.f32 $1.442695020e+00, v22  }
0x62: {  	v7 =	vadd.f32 v7, v2;
	(erf) = vpow2.f32 v6;
	v6 =	vmul.f32 $1.442695020e+00, v17  }
0x63: {  	vm2 =	vgt.f32 v15, $0.0e+00;
	v12 =	vmul.f32 v12, v0;
	(erf) = vpow2.f32 v9  }
0x64: {  	vm3 =	vgt.f32 v17, $0.0e+00;
	v9 =	vmul.f32 v18, v1;
	v24 =	vmul.f32 $1.442695020e+00, v7  }
0x65: {  	vm5 =	vgt.f32 v14, $0.0e+00;
	v21 =	vmul.f32 v8, v1;
	(erf) = vpow2.f32 v6  }
0x66: {  	v8 =	vadd.f32 v13, v3;
	v13 =	vld.idx.msk [tilespmem:v4+s15+$0xFFFFFE00 ss:$0x1], $0xffff;
	v6 =	vadd.f32 v16, v3;
	(erf) = vpow2.f32 v11  }
0x67: {  	v18 =	vld.idx.msk [tilespmem:v4+s15+$0xFFFFFE80 ss:$0x1], $0xffff;
	v16 =	vmul.f32 $1.442695020e+00, v10;
	v9 =	vadd.f32 v9, v3;
	(erf) = vpow2.f32 v20  }
0x68: {  	v11 =	vadd.f32 v12, v2;
	v23 =	vmul.f32 $1.442695020e+00, v8;
	v20 =	vmul.f32 $1.442695020e+00, v6  }
0x69: {  	v25 =	vld.idx.msk [tilespmem:v4+s15+$0xFFFFFE10 ss:$0x1], $0xffff;
	vm1 =	vgt.f32 v22, $0.0e+00;
	(erf) = vpow2.f32 v16;
	v26 =	vmul.f32 $1.442695020e+00, v9  }
0x6a: {  	vm4 =	vgt.f32 v19, $0.0e+00;
	(erf) = vpow2.f32 v20;
	v20 =	vmul.f32 $1.442695020e+00, v11  }
0x6b: {  	v16 =	vmul.f32 v13, v0;
	v13 =	vadd.f32 v21, v3;
	(erf) = vpow2.f32 v23;
	v12 =	vpop (erf)  }
0x6c: {  	v27 =	vmul.f32 v18, v0;
	(erf) = vpow2.f32 v24;
	v21 =	vadd.f32 $-1.000000000e+00, v12;
	v23 =	vpop (erf)  }
0x6d: {  	v12 =	vadd.f32 v16, v2;
	v28 =	vmul.f32 $1.442695020e+00, v13;
	v60 =	vpop (erf);
	v18 =	vadd.f32 $-1.000000000e+00, v23  }
0x6e: {  	v23 =	vmul.f32 v25, v1;
	v16 =	vsel vm5, v14, v21;
	v14 =	vpop (erf);
	(erf) = vpow2.f32 v26  }
0x6f: {  	v21 =	vmul.f32 $1.442695020e+00, v12;
	v24 =	vadd.f32 $-1.000000000e+00, v60;
	(erf) = vpow2.f32 v28;
	v61 =	vpop (erf)  }
0x70: {  	s19 =	smul.u32 $0xA000, s14;
	v62 =	vadd.f32 $-1.000000000e+00, v14;
	v25 =	vadd.f32 $-1.000000000e+00, v61;
	(erf) = vpow2.f32 v20;
	v20 =	vpop (erf)  }
0x71: {  	v14 =	vadd.f32 v23, v3;
	v19 =	vsel vm4, v19, v24;
	v23 =	vadd.f32 $-1.000000000e+00, v20  }
0x72: {  	s17 =	sshrl.u32 s19, $0x2;
	[tilespmem:v4+s15+$0x180 ss:$0x1] =	vst.idx.msk $0xffff, v19;
	v19 =	vsel vm3, v17, v62;
	(erf) = vpow2.f32 v21;
	v20 =	vpop (erf);
	v63 =	vsel vm2, v15, v25  }
0x73: {  	s17 =	sadd.s32 $0xA1A8, s17;
	s18 =	simm.s32 $0x1000;
	v21 =	vmul.f32 $1.442695020e+00, v14;
	v15 =	vadd.f32 v27, v2;
	v17 =	vpop (erf);
	v22 =	vsel vm1, v22, v23;
	[tilespmem:v4+s15+$0x100 ss:$0x1] =	vst.idx.msk $0xffff, v63  }
.LBB2_3:
0x74: {  	s19 =	sshra.s32 s18, $0x2;
	p1 =	sne.s32 s18, $0x9000;
	s18 =	sadd.s32 $0x1000, s18;
	v20 =	vadd.f32 $-1.000000000e+00, v20;
	[tilespmem:v4+s15+$0x0 ss:$0x1] =	vst.idx.msk $0xffff, v22;
	v23 =	vsel vm0, v5, v18;
	v18 =	vpop (erf)  }
0x75: {  	vm1 =	vgt.f32 v10, $0.0e+00;
	v22 =	vmul.f32 $1.442695020e+00, v15;
	[tilespmem:v4+s15+$0x10 ss:$0x1] =	vst.idx.msk $0xffff, v23;
	(erf) = vpow2.f32 v21;
	v5 =	vpop (erf)  }
0x76: {  	vm0 =	vgt.f32 v6, $0.0e+00;
	v21 =	vld.idx.msk [tilespmem:v4+s19+$0x10 ss:$0x1], $0xffff;
	v10 =	vsel vm1, v10, v20;
	v5 =	vadd.f32 $-1.000000000e+00, v5;
	[tilespmem:v4+s15+$0x190 ss:$0x1] =	vst.idx.msk $0xffff, v19  }
0x77: {  	v18 =	vadd.f32 $-1.000000000e+00, v18;
	vm1 =	vgt.f32 v7, $0.0e+00;
	v19 =	vld.idx.msk [tilespmem:v4+s19+$0x190 ss:$0x1], $0xffff;
	[tilespmem:v4+s15+$0x110 ss:$0x1] =	vst.idx.msk $0xffff, v16;
	(erf) = vpow2.f32 v22;
	v16 =	vpop (erf)  }
0x78: {  	v20 =	vld.idx.msk [tilespmem:v4+s19+$0x110 ss:$0x1], $0xffff;
	v16 =	vadd.f32 $-1.000000000e+00, v16;
	[tilespmem:v4+s15+$0xFFFFFF80 ss:$0x1] =	vst.idx.msk $0xffff, v10;
	v5 =	vsel vm1, v7, v5;
	vm1 =	vgt.f32 v8, $0.0e+00;
	v7 =	vpop (erf)  }
0x79: {  	vm2 =	vgt.f32 v9, $0.0e+00;
	v10 =	vld.idx.msk [tilespmem:v4+s19+$0x100 ss:$0x1], $0xffff;
	v7 =	vadd.f32 $-1.000000000e+00, v7;
	[tilespmem:v4+s15+$0x80 ss:$0x1] =	vst.idx.msk $0xffff, v5;
	v5 =	vsel vm1, v8, v18;
	v8 =	vpop (erf)  }
0x7a: {  	vm1 =	vgt.f32 v13, $0.0e+00;
	v18 =	vld.idx.msk [tilespmem:v4+s19+$0x180 ss:$0x1], $0xffff;
	v9 =	vsel vm2, v9, v16;
	v8 =	vadd.f32 $-1.000000000e+00, v8;
	[tilespmem:v4+s15+$0x90 ss:$0x1] =	vst.idx.msk $0xffff, v5  }
0x7b: {  	vm2 =	vgt.f32 v11, $0.0e+00;
	v5 =	vadd.f32 $-1.000000000e+00, v17;
	v16 =	vld.idx.msk [tilespmem:v4+s19+$0x0 ss:$0x1], $0xffff;
	v7 =	vsel vm1, v13, v7;
	v13 =	vpop (erf)  }
0x7c: {  	vm1 =	vgt.f32 v12, $0.0e+00;
	v17 =	vld.idx.msk [tilespmem:v4+s19+$0x90 ss:$0x1], $0xffff;
	v13 =	vadd.f32 $-1.000000000e+00, v13;
	v22 =	vsel vm2, v11, v8;
	[tilespmem:v4+s15+$0xFFFFFF90 ss:$0x1] =	vst.idx.msk $0xffff, v7  }
0x7d: {  	v11 =	vmul.f32 v21, v1;
	v19 =	vmul.f32 v19, v1;
	v6 =	vsel vm0, v6, v5;
	v7 =	vld.idx.msk [tilespmem:v4+s19+$0xFFFFFF80 ss:$0x1], $0xffff  }
0x7e: {  	v20 =	vmul.f32 v20, v1;
	v21 =	vld.idx.msk [tilespmem:v4+s19+$0x80 ss:$0x1], $0xffff;
	v12 =	vsel vm1, v12, v13;
	[tilespmem:v4+s15+$0xFFFFFF00 ss:$0x1] =	vst.idx.msk $0xffff, v22;
	v8 =	vpop (erf)  }
0x7f: {  	v5 =	vadd.f32 v11, v3;
	v10 =	vmul.f32 v10, v0;
	v8 =	vadd.f32 $-1.000000000e+00, v8;
	[tilespmem:v4+s15+$0xFFFFFF10 ss:$0x1] =	vst.idx.msk $0xffff, v6  }
0x80: {  	vm0 =	vgt.f32 v14, $0.0e+00;
	vm1 =	vgt.f32 v15, $0.0e+00;
	v20 =	vadd.f32 v20, v3;
	[tilespmem:v4+s15+$0xFFFFFE00 ss:$0x1] =	vst.idx.msk $0xffff, v12;
	v6 =	vpop (erf)  }
0x81: {  	v22 =	vadd.f32 v10, v2;
	v10 =	vmul.f32 v18, v0;
	v11 =	vld.idx.msk [tilespmem:v4+s19+$0xFFFFFF90 ss:$0x1], $0xffff;
	v6 =	vadd.f32 $-1.000000000e+00, v6  }
0x82: {  	v19 =	vadd.f32 v19, v3;
	v13 =	vmul.f32 v16, v0;
	v8 =	vsel vm0, v14, v8;
	v12 =	vld.idx.msk [tilespmem:v4+s19+$0xFFFFFF00 ss:$0x1], $0xffff  }
0x83: {  	v16 =	vmul.f32 $1.442695020e+00, v5;
	v18 =	vmul.f32 $1.442695020e+00, v20;
	v23 =	vadd.f32 v10, v2;
	v14 =	vld.idx.msk [tilespmem:v4+s19+$0xFFFFFF10 ss:$0x1], $0xffff;
	[tilespmem:v4+s15+$0xFFFFFE10 ss:$0x1] =	vst.idx.msk $0xffff, v8  }
0x84: {  	v25 =	vadd.f32 v13, v2;
	v8 =	vmul.f32 v21, v0;
	v6 =	vsel vm1, v15, v6;
	v24 =	vld.idx.msk [tilespmem:v4+s19+$0xFFFFFE10 ss:$0x1], $0xffff  }
0x85: {  	vm0 =	vgt.f32 v5, $0.0e+00;
	v10 =	vmul.f32 v7, v0;
	v13 =	vmul.f32 $1.442695020e+00, v22;
	[tilespmem:v4+s15+$0xFFFFFE80 ss:$0x1] =	vst.idx.msk $0xffff, v6  }
0x86: {  	v7 =	vadd.f32 v8, v2;
	v6 =	vmul.f32 v17, v1;
	(erf) = vpow2.f32 v18;
	[tilespmem:v4+s15+$0xFFFFFE90 ss:$0x1] =	vst.idx.msk $0xffff, v9;
	s15 =	smov.u32 s19  }
0x87: {  	v10 =	vadd.f32 v10, v2;
	v8 =	vmul.f32 $1.442695020e+00, v23;
	v9 =	vld.idx.msk [tilespmem:v4+s15+$0xFFFFFE90 ss:$0x1], $0xffff;
	(erf) = vpow2.f32 v16  }
0x88: {  	vm2 =	vgt.f32 v22, $0.0e+00;
	v15 =	vmul.f32 $1.442695020e+00, v25;
	v16 =	vmul.f32 $1.442695020e+00, v19  }
0x89: {  	vm1 =	vgt.f32 v25, $0.0e+00;
	v14 =	vmul.f32 v14, v1;
	(erf) = vpow2.f32 v8  }
0x8a: {  	v18 =	vmul.f32 v11, v1;
	v8 =	vadd.f32 v6, v3;
	v17 =	vld.idx.msk [tilespmem:v4+s15+$0xFFFFFE00 ss:$0x1], $0xffff;
	(erf) = vpow2.f32 v16  }
0x8b: {  	v11 =	vmul.f32 v12, v0;
	v12 =	vmul.f32 $1.442695020e+00, v10;
	v6 =	vadd.f32 v14, v3  }
0x8c: {  	vm3 =	vgt.f32 v19, $0.0e+00;
	v16 =	vmul.f32 $1.442695020e+00, v8;
	v14 =	vld.idx.msk [tilespmem:v4+s15+$0xFFFFFE80 ss:$0x1], $0xffff;
	(erf) = vpow2.f32 v13  }
0x8d: {  	vm4 =	vgt.f32 v23, $0.0e+00;
	v9 =	vmul.f32 v9, v1;
	(erf) = vpow2.f32 v15  }
0x8e: {  	vm5 =	vgt.f32 v20, $0.0e+00;
	v21 =	vmul.f32 $1.442695020e+00, v7;
	v26 =	vmul.f32 $1.442695020e+00, v6  }
0x8f: {  	v11 =	vadd.f32 v11, v2;
	v9 =	vadd.f32 v9, v3;
	(erf) = vpow2.f32 v12;
	v12 =	vpop (erf)  }
0x90: {  	v13 =	vadd.f32 v18, v3;
	v17 =	vmul.f32 v17, v0;
	(erf) = vpow2.f32 v26;
	v15 =	vpop (erf)  }
0x91: {  	v26 =	vmul.f32 $1.442695020e+00, v11;
	v18 =	vadd.f32 $-1.000000000e+00, v12;
	(erf) = vpow2.f32 v16  }
0x92: {  	v12 =	vadd.f32 v17, v2;
	v17 =	vmul.f32 $1.442695020e+00, v9;
	(erf) = vpow2.f32 v21;
	v21 =	vpop (erf)  }
0x93: {  	v29 =	vmul.f32 $1.442695020e+00, v13;
	v27 =	vmul.f32 v14, v0;
	v16 =	vsel vm5, v20, v18;
	v20 =	vpop (erf)  }
0x94: {  	v18 =	vadd.f32 $-1.000000000e+00, v15;
	v28 =	vmul.f32 $1.442695020e+00, v12;
	(erf) = vpow2.f32 v17  }
.Ltmp0:
0x95: {  	v15 =	vmul.f32 v24, v1;
	v17 =	vadd.f32 $-1.000000000e+00, v21;
	(erf) = vpow2.f32 v29;
	v14 =	vpop (erf);
	(pc) =	sbr.rel @p1 .LBB2_3-.Ltmp0, $4  }
0x96: {  	v29 =	vadd.f32 $-1.000000000e+00, v20;
	v21 =	vadd.f32 $-1.000000000e+00, v14;
	(erf) = vpow2.f32 v26;
	v24 =	vpop (erf)  }
0x97: {  	v14 =	vadd.f32 v15, v3;
	v15 =	vsel vm4, v23, v17;
	v24 =	vadd.f32 $-1.000000000e+00, v24  }
0x98: {  	v19 =	vsel vm3, v19, v29;
	v23 =	vsel vm2, v22, v21;
	[tilespmem:v4+s15+$0x180 ss:$0x1] =	vst.idx.msk $0xffff, v15;
	(erf) = vpow2.f32 v28;
	v20 =	vpop (erf)  }
0x99: {  	v21 =	vmul.f32 $1.442695020e+00, v14;
	v15 =	vadd.f32 v27, v2;
	v22 =	vsel vm1, v25, v24;
	[tilespmem:v4+s15+$0x100 ss:$0x1] =	vst.idx.msk $0xffff, v23;
	v17 =	vpop (erf)  }
0x9a: {  	_ = 	snop  }
0x9b: {  	v23 =	vmul.f32 $1.442695020e+00, v15  }
0x9c: {  	(erf) = vpow2.f32 v21  }
0x9d: {  	(erf) = vpow2.f32 v23  }
0x9e: {  	v49 =	vpop (erf);
	[tilespmem:v4+s15+$0x0 ss:$0x1] =	vst.idx.msk $0xffff, v22  }
0x9f: {  	v5 =	vsel vm0, v5, v18;
	v20 =	vadd.f32 $-1.000000000e+00, v20;
	[tilespmem:v4+s15+$0x190 ss:$0x1] =	vst.idx.msk $0xffff, v19;
	v50 =	vpop (erf)  }
0xa0: {  	vm7 =	vgt.f32 v10, $0.0e+00;
	[tilespmem:v4+s15+$0x10 ss:$0x1] =	vst.idx.msk $0xffff, v5;
	v5 =	vadd.f32 $-1.000000000e+00, v50;
	v51 =	vpop (erf)  }
0xa1: {  	vm8 =	vgt.f32 v7, $0.0e+00;
	[tilespmem:v4+s15+$0x110 ss:$0x1] =	vst.idx.msk $0xffff, v16;
	v52 =	vadd.f32 $-1.000000000e+00, v49;
	v10 =	vsel vm7, v10, v20;
	v53 =	vpop (erf)  }
0xa2: {  	vm9 =	vgt.f32 v8, $0.0e+00;
	[tilespmem:v4+s15+$0xFFFFFF80 ss:$0x1] =	vst.idx.msk $0xffff, v10;
	v5 =	vsel vm8, v7, v5;
	v54 =	vadd.f32 $-1.000000000e+00, v53;
	v55 =	vpop (erf)  }
0xa3: {  	vm10 =	vgt.f32 v13, $0.0e+00;
	[tilespmem:v4+s15+$0x80 ss:$0x1] =	vst.idx.msk $0xffff, v5;
	v5 =	vsel vm9, v8, v52;
	v56 =	vadd.f32 $-1.000000000e+00, v55  }
0xa4: {  	vm1 =	vgt.f32 v11, $0.0e+00;
	[tilespmem:v4+s15+$0x90 ss:$0x1] =	vst.idx.msk $0xffff, v5;
	v5 =	vadd.f32 $-1.000000000e+00, v17;
	v7 =	vsel vm10, v13, v54;
	v57 =	vpop (erf)  }
0xa5: {  	vm11 =	vgt.f32 v6, $0.0e+00;
	v10 =	vadd.f32 $-1.000000000e+00, v57;
	v8 =	vsel vm1, v11, v56;
	[tilespmem:v4+s15+$0xFFFFFF90 ss:$0x1] =	vst.idx.msk $0xffff, v7;
	v58 =	vpop (erf)  }
0xa6: {  	vm12 =	vgt.f32 v12, $0.0e+00;
	v5 =	vsel vm11, v6, v5;
	[tilespmem:v4+s15+$0xFFFFFF00 ss:$0x1] =	vst.idx.msk $0xffff, v8;
	v59 =	vadd.f32 $-1.000000000e+00, v58;
	v60 =	vpop (erf)  }
0xa7: {  	vm13 =	vgt.f32 v14, $0.0e+00;
	v61 =	vsel vm12, v12, v10;
	[tilespmem:v4+s15+$0xFFFFFF10 ss:$0x1] =	vst.idx.msk $0xffff, v5;
	v5 =	vadd.f32 $-1.000000000e+00, v60  }
0xa8: {  	s18 =	sshll.u32 s13, $0x7;
	s13 =	sadd.s32 $0x1, s13;
	vm14 =	vgt.f32 v15, $0.0e+00;
	v62 =	vadd.f32 $-1.000000000e+00, v51;
	[tilespmem:v4+s15+$0xFFFFFE00 ss:$0x1] =	vst.idx.msk $0xffff, v61;
	v6 =	vsel vm13, v14, v59  }
0xa9: {  	vm15 =	vgt.f32 v9, $0.0e+00;
	p1 =	sne.s32 s13, $0x7D;
	[tilespmem:v4+s15+$0xFFFFFE10 ss:$0x1] =	vst.idx.msk $0xffff, v6;
	v5 =	vsel vm14, v15, v5  }
.Ltmp1:
0xaa: {  	s18 =	sand.u32 $0x3FFFFF80, s18;
	v63 =	vsel vm15, v9, v62;
	[tilespmem:v4+s15+$0xFFFFFE80 ss:$0x1] =	vst.idx.msk $0xffff, v5;
	(pc) =	sbr.rel @p1 .LBB2_2-.Ltmp1, $4  }
0xab: {  	s14 =	sadd.s32 $0x5, s14;
	s19 =	sadd.s32 $0x61A8, s18;
	[tilespmem:v4+s15+$0xFFFFFE90 ss:$0x1] =	vst.idx.msk $0xffff, v63  }
0xac: {  	[spmem:s2] =	stream.indirect.scatter.add.f32 [tilespmem:s17], [sflag:s14], $0x20, s19, s31, $0xb8;
	[tilespmem:$0x16BA8] =	vst v63  }
0xad: {  	s12 =	sadd.s32 $0x1, s12  }
0xae: {  	[spmem:s3] =	stream.indirect.scatter.add.f32 [tilespmem:s25], [sflag:s14], $0x8, s19, s31, $0xb8;
	[tilespmem:$0x16BA8] =	vst v63  }
0xaf: {  	_ =	swait.ge [sflag:s0], $0xA00  }
0xb0: {  	[sflag:s0] =	ssyncset.done $0x0  }
0xb1: {  	[sflag:s0] =	ssyncadd.s32 $0xFFFFF600  }
0xb2: {  	_ =	swait.ge [sflag:s0], $0x280  }
0xb3: {  	[sflag:s0] =	ssyncset.done $0x0  }
0xb4: {  	[sflag:s0] =	ssyncadd.s32 $0xFFFFFD80  }
0xb5: {  	_ =	swait.ge [sflag:s1], $0xA00  }
0xb6: {  	[sflag:s1] =	ssyncset.done $0x0  }
0xb7: {  	[sflag:s1] =	ssyncadd.s32 $0xFFFFF600  }
0xb8: {  	_ =	swait.ge [sflag:s1], $0x280  }
0xb9: {  	[sflag:s1] =	ssyncset.done $0x0  }
0xba: {  	[sflag:s1] =	ssyncadd.s32 $0xFFFFFD80  }
0xbb: {  	_ =	swait.ge [sflag:s26], $0xA00  }
0xbc: {  	[sflag:s26] =	ssyncset.done $0x0  }
0xbd: {  	[sflag:s26] =	ssyncadd.s32 $0xFFFFF600  }
0xbe: {  	_ =	swait.ge [sflag:s26], $0x280  }
0xbf: {  	[sflag:s26] =	ssyncset.done $0x0  }
0xc0: {  	[sflag:s26] =	ssyncadd.s32 $0xFFFFFD80  }
0xc1: {  	_ =	swait.ge [sflag:s28], $0xA00  }
0xc2: {  	[sflag:s28] =	ssyncset.done $0x0  }
0xc3: {  	[sflag:s28] =	ssyncadd.s32 $0xFFFFF600  }
0xc4: {  	_ =	swait.ge [sflag:s28], $0x280  }
0xc5: {  	[sflag:s28] =	ssyncset.done $0x0  }
0xc6: {  	[sflag:s28] =	ssyncadd.s32 $0xFFFFFD80  }
0xc7: {  	[bflag:$0x0] =	sbarrier.arrive $0xFFFF  }
0xc8: {  	s12 =	rddreg [dreg:$0xd]  }
0xc9: {  	[hbm:s12], [sflag:s11] =	dma.local [spmem:s30], $0x2700  }
0xca: {  	_ =	swait.ge [sflag:s24], $0x2700  }
0xcb: {  	[sflag:s24] =	ssyncset.done $0x0  }
0xcc: {  	[sflag:s24] =	ssyncadd.s32 $0xFFFFD900  }
0xcd: {  	[hbm:s20], [sflag:s11] =	dma.local [spmem:s6], $0x2700  }
0xce: {  	_ =	swait.ge [sflag:s24], $0x2700  }
0xcf: {  	[sflag:s24] =	ssyncset.done $0x0  }
0xd0: {  	s6 =	simm.s32 @!p0 $0x9;
	[sflag:s24] =	ssyncadd.s32 $0xFFFFD900  }
0xd1: {  	[hbm:s21], [sflag:s11] =	dma.local @!p0 [spmem:s7], $0x100  }
0xd2: {  	s29 =	sadd.s32 $0x1, s29;
	_ =	swait.ge @!p0 [sflag:s6], $0x100  }
0xd3: {  	p1 =	sne.s32 s29, s23;
	[sflag:s6] =	ssyncset.done @!p0 $0x0  }
.Ltmp2:
0xd4: {  	[sflag:s6] =	ssyncadd.s32 @!p0 $0xFFFFFF00;
	(pc) =	sbr.rel @p1 .LBB2_1-.Ltmp2, $4  }
0xd5: {  	[hbm:s22], [sflag:s11] =	dma.local @!p0 [spmem:s10], $0x100  }
0xd6: {  	_ =	swait.ge @!p0 [sflag:s6], $0x100  }
0xd7: {  	[sflag:s6] =	ssyncset.done @!p0 $0x0  }
0xd8: {  	[sflag:s6] =	ssyncadd.s32 @!p0 $0xFFFFFF00  }
0xd9: {  	_ =	sfence.sel $0x180000  }
0xda: {  	[bflag:$0x0] =	sbarrier.arrive $0xFFFF  }
0xdb: {  	_ =	strace $0x9000004A  }
0xdc: {  	s0 =	stileid.u32;
	[bflag:$0x2] =	sbarrier.arrive $0xFFFF  }
0xdd: {  	p0 =	sne.s32 s0, $0x0;
	s0 =	rddreg [dreg:$0x3]  }
0xde: {  	s0 =	sadd.s32 @!p0 $0x100000, s0  }
0xdf: {  	[sflag:s0] =	ssyncadd.tile.s32 @!p0 $0x1;
	_ =	shalt  }
.Lfunc_end2:
_tile_overlayer_lowered:
.L_overlay_start_2:
0xe0: {  	(tag) =	ssettag $0x2  }
0xe1: {  	s0 =	rddreg [dreg:$0x0];
	s2 =	stileid.u32  }
0xe2: {  	s1 =	rddreg [dreg:$0x1];
	p0 =	sne.s32 s2, $0x0  }
0xe3: {  	s3 =	rddreg [dreg:$0x2];
	[bflag:$0x3] =	sbarrier.arrive $0xFFFF;
	s2 =	simm.s32 @!p0 $0x1C09  }
0xe4: {  	[timem:s3], [sflag:s2] =	dma.local @!p0 [hbm:s0], s1  }
0xe5: {  	s0 =	simm.s32 @!p0 $0x9  }
0xe6: {  	_ =	swait.ge @!p0 [sflag:s0], s1  }
0xe7: {  	s1 =	ssub.s32 @!p0 $0x0, s1;
	[sflag:s0] =	ssyncset.done @!p0 $0x0  }
0xe8: {  	[sflag:s0] =	ssyncadd.s32 @!p0 s1  }
0xe9: {  	[bflag:$0x3] =	sbarrier.arrive $0xFFFF  }
0xea: {  	_ =	shalt  }

</sc_bundles>
